<compile_context>
chip_gen: v7x
topology: tpu7x:2x2x1
jax: 0.10.2.dev20260603
libtpu: 0.0.44.dev20260713+nightly
codegen_flags: <defaults>
</compile_context>

<pallas_src>
import functools

import jax
import jax.numpy as jnp
from jax import lax
from jax.experimental import pallas as pl
from jax.experimental.pallas import tpu as pltpu
from jax.experimental.pallas import tpu_sc as plsc

N = 10000
E = 320000
D = 128
NS = 16
NC = 2
NW = NC * NS

NP = N
CHUNK = 125
TILE_E = E // NW
TILE_CHUNKS = TILE_E // CHUNK
HALF_CHUNKS = TILE_CHUNKS // 2

_mesh = plsc.VectorSubcoreMesh(
    core_axis_name="c", subcore_axis_name="s", num_cores=NC, num_subcores=NS
)

_f32 = jnp.float32


@functools.partial(
    pl.kernel,
    out_type=jax.ShapeDtypeStruct((NC, NP), _f32),
    mesh=_mesh,
    scratch_types=[
        pltpu.VMEM((TILE_CHUNKS, CHUNK), jnp.int32),
        pltpu.VMEM((CHUNK,), _f32),
        pltpu.VMEM_SHARED((NP,), _f32),
        pltpu.SemaphoreType.DMA,
    ],
)
def _deg_kernel(dst_hbm, ones_hbm, zero_hbm, out_hbm, idx_v, ones_v, deg_sh, sem):
    cid = lax.axis_index("c")
    sid = lax.axis_index("s")
    wid = cid * NS + sid

    @pl.when(sid == 0)
    def _():
        pltpu.sync_copy(zero_hbm, deg_sh)

    pltpu.sync_copy(ones_hbm, ones_v)
    pltpu.sync_copy(dst_hbm.at[wid], idx_v)
    plsc.subcore_barrier()

    def body(j, carry):
        pltpu.sync_copy(ones_v, deg_sh.at[idx_v.at[j]], add=True)
        return carry

    lax.fori_loop(0, TILE_CHUNKS, body, 0)
    plsc.subcore_barrier()

    @pl.when(sid == 0)
    def _():
        pltpu.sync_copy(deg_sh, out_hbm.at[cid])


@functools.partial(
    pl.kernel,
    out_type=jax.ShapeDtypeStruct((NC * NP, D), _f32),
    mesh=_mesh,
    scratch_types=[
        pltpu.VMEM((HALF_CHUNKS, CHUNK), jnp.int32),
        pltpu.VMEM((HALF_CHUNKS, CHUNK), jnp.int32),
        pltpu.VMEM((CHUNK, D), _f32),
        pltpu.VMEM((CHUNK, D), _f32),
        pltpu.VMEM_SHARED((NP, D), _f32),
        pltpu.SemaphoreType.DMA,
        pltpu.SemaphoreType.DMA,
    ],
)
def _edge_kernel(g_hbm, src_hbm, dst_hbm, zero_hbm, out_hbm,
                 src_v, dst_v, rows0_v, rows1_v, acc_sh, s0, s1):
    cid = lax.axis_index("c")
    sid = lax.axis_index("s")
    wid = cid * NS + sid
    sems = (s0, s1)
    rows = (rows0_v, rows1_v)

    @pl.when(sid < 10)
    def _():
        pltpu.sync_copy(zero_hbm.at[pl.ds(sid * 1000, 1000)],
                        acc_sh.at[pl.ds(sid * 1000, 1000)])

    def _gather(j, b):
        pltpu.async_copy(g_hbm.at[src_v.at[j]], rows[b], sems[b])

    def _gwait(b):
        pltpu.make_async_copy(g_hbm.at[src_v.at[0]], rows[b],
                              sems[b]).wait()

    def _scat(j, b):
        pltpu.sync_copy(rows[b], acc_sh.at[dst_v.at[j]], add=True)

    for p in range(2):
        pltpu.sync_copy(src_hbm.at[wid * 2 + p], src_v)
        pltpu.sync_copy(dst_hbm.at[wid * 2 + p], dst_v)
        if p == 0:
            plsc.subcore_barrier()
        _gather(0, 0)

        def body(g, carry):
            j = 2 * g
            _gather(j + 1, 1)
            _gwait(0)
            _scat(j, 0)

            @pl.when(g < HALF_CHUNKS // 2 - 1)
            def _():
                _gather(j + 2, 0)

            _gwait(1)
            _scat(j + 1, 1)
            return carry

        lax.fori_loop(0, HALF_CHUNKS // 2, body, 0)

    plsc.subcore_barrier()

    @pl.when(sid < 10)
    def _():
        pltpu.sync_copy(acc_sh.at[pl.ds(sid * 1000, 1000)],
                        out_hbm.at[pl.ds(cid * NP + sid * 1000, 1000)])


def _tc1_body(x_ref, we_ref, be_ref, w0_ref, degp_ref, dinv_ref, g_ref):
    deg = degp_ref[0, :N] + degp_ref[1, :N] + 1.0
    dinv = lax.rsqrt(deg)
    dinv_ref[...] = dinv
    h0 = jnp.dot(x_ref[...], we_ref[...], preferred_element_type=_f32)
    h0 = h0 + be_ref[...]
    g_ref[...] = dinv * jnp.dot(h0, w0_ref[...], preferred_element_type=_f32)


def _tc_mid_body(has_bn, ap_ref, g_ref, dinv_ref, b_ref, w_ref, *rest):
    if has_bn:
        bng_ref, bnb_ref, o_ref = rest
    else:
        (o_ref,) = rest
    dinv = dinv_ref[...]
    a = ap_ref[0, :N] + ap_ref[1, :N]
    t = dinv * (a + g_ref[...]) + b_ref[...]
    if has_bn:
        t = t * bng_ref[...] + bnb_ref[...]
    t = jnp.maximum(t, 0.0)
    o_ref[...] = dinv * jnp.dot(t, w_ref[...], preferred_element_type=_f32)


def _tc_last_body(ap_ref, g_ref, dinv_ref, b_ref, bng_ref, bnb_ref, out_ref):
    dinv = dinv_ref[...]
    a = ap_ref[0, :N] + ap_ref[1, :N]
    t = dinv * (a + g_ref[...]) + b_ref[...]
    out_ref[...] = t * bng_ref[...] + bnb_ref[...]


_BN_SCALE = 1.0 / (1.0 + 1e-5) ** 0.5

_nd = jax.ShapeDtypeStruct((N, D), _f32)


def kernel(x, edge_index, batch, edge_attr, We, be, W00, b00, W01, b01,
           W10, b10, W11, b11, bn0_g, bn0_b, bn1_g, bn1_b):
    del batch, edge_attr
    src = edge_index[0]
    dst = edge_index[1]

    src_h = src.reshape(NW * 2, HALF_CHUNKS, CHUNK)
    dst_h = dst.reshape(NW * 2, HALF_CHUNKS, CHUNK)
    dst_f = dst.reshape(NW, TILE_CHUNKS, CHUNK)

    ones_c = jnp.ones((CHUNK,), _f32)
    zero_n = jnp.zeros((NP,), _f32)
    zero_nd = jnp.zeros((NP, D), _f32)

    be2 = be.reshape(1, D)
    b00_2 = b00.reshape(1, D)
    b01_2 = b01.reshape(1, D)
    b10_2 = b10.reshape(1, D)
    b11_2 = b11.reshape(1, D)
    bn0g2 = (bn0_g * _BN_SCALE).reshape(1, D)
    bn0b2 = bn0_b.reshape(1, D)
    bn1g2 = (bn1_g * _BN_SCALE).reshape(1, D)
    bn1b2 = bn1_b.reshape(1, D)

    deg_parts = _deg_kernel(dst_f, ones_c, zero_n)
    degp = deg_parts.reshape(NC, NP, 1)

    dinv, g1 = pl.pallas_call(
        _tc1_body,
        out_shape=(jax.ShapeDtypeStruct((N, 1), _f32), _nd),
    )(x, We, be2, W00, degp)

    a1 = _edge_kernel(g1, src_h, dst_h, zero_nd).reshape(NC, NP, D)

    g2 = pl.pallas_call(
        functools.partial(_tc_mid_body, False), out_shape=_nd,
    )(a1, g1, dinv, b00_2, W01)

    a2 = _edge_kernel(g2, src_h, dst_h, zero_nd).reshape(NC, NP, D)

    g3 = pl.pallas_call(
        functools.partial(_tc_mid_body, True), out_shape=_nd,
    )(a2, g2, dinv, b01_2, W10, bn0g2, bn0b2)

    a3 = _edge_kernel(g3, src_h, dst_h, zero_nd).reshape(NC, NP, D)

    g4 = pl.pallas_call(
        functools.partial(_tc_mid_body, False), out_shape=_nd,
    )(a3, g3, dinv, b10_2, W11)

    a4 = _edge_kernel(g4, src_h, dst_h, zero_nd).reshape(NC, NP, D)

    out = pl.pallas_call(
        _tc_last_body, out_shape=_nd,
    )(a4, g4, dinv, b11_2, bn1g2, bn1b2)
    return out

# --- scband reference (transcript-rebuilt; emitter-appended) ---
"""Pipeline reference for scband-gnn-node-test-71794673320191 (READ-ONLY COPY).

The authoritative reference and input builder live on the scoring server;
editing this copy changes nothing except your own understanding.
"""

import jax, jax.numpy as jnp
import numpy as np

N = 10000
E = 320000
D = 128

def _p(key, shape, scale=0.05):
    return jax.random.normal(key, shape, dtype=jnp.float32) * scale

def setup_inputs(seed: int = 0) -> dict:
    key = jax.random.key(seed)
    ks = jax.random.split(key, 20)
    inp = {}
    inp["x"] = jax.random.normal(ks[0], (N, D), dtype=jnp.float32)
    inp["edge_index"] = jax.random.randint(ks[1], (2, E), 0, N, dtype=jnp.int32)
    inp["batch"] = jnp.zeros((N,), dtype=jnp.int32)
    inp["edge_attr"] = jnp.zeros((E, 4), dtype=jnp.float32)
    # atom encoder (Linear input_dim -> emb_dim)
    inp["We"] = _p(ks[2], (D, D)); inp["be"] = jnp.zeros((D,), jnp.float32)
    # outer layer 0: inner PyG GCN model with 2 GCNConv layers
    inp["W00"] = _p(ks[3], (D, D)); inp["b00"] = jnp.zeros((D,), jnp.float32)
    inp["W01"] = _p(ks[4], (D, D)); inp["b01"] = jnp.zeros((D,), jnp.float32)
    # outer layer 1: inner PyG GCN model with 2 GCNConv layers
    inp["W10"] = _p(ks[5], (D, D)); inp["b10"] = jnp.zeros((D,), jnp.float32)
    inp["W11"] = _p(ks[6], (D, D)); inp["b11"] = jnp.zeros((D,), jnp.float32)
    # BatchNorm1d affine params (eval mode, running_mean=0, running_var=1)
    inp["bn0_g"] = jnp.ones((D,), jnp.float32); inp["bn0_b"] = jnp.zeros((D,), jnp.float32)
    inp["bn1_g"] = jnp.ones((D,), jnp.float32); inp["bn1_b"] = jnp.zeros((D,), jnp.float32)
    return inp

def _gcn_conv(x, src, dst, W, b):
    # PyG GCNConv: x' = D^-1/2 (A + I) D^-1/2 (X W) + b
    n = x.shape[0]
    loop = jnp.arange(n, dtype=src.dtype)
    s = jnp.concatenate([src, loop])
    d = jnp.concatenate([dst, loop])
    deg = jax.ops.segment_sum(jnp.ones(s.shape[0], dtype=x.dtype), d, num_segments=n)
    dinv = jnp.where(deg > 0, jax.lax.rsqrt(jnp.maximum(deg, 1e-12)), 0.0)
    norm = (dinv[s] * dinv[d])[:, None]
    h = x @ W
    msg = h[s] * norm
    out = jax.ops.segment_sum(msg, d, num_segments=n)
    return out + b

def _bn_eval(h, g, b, eps=1e-5):
    # running_mean=0, running_var=1 at init
    return h / jnp.sqrt(1.0 + eps) * g + b

def reference(x, edge_index, batch, edge_attr, We, be, W00, b00, W01, b01, W10, b10, W11, b11, bn0_g, bn0_b, bn1_g, bn1_b):
    src = edge_index[0]
    dst = edge_index[1]
    h = x @ We + be  # atom_encoder
    # ---- outer layer 0: inner GCN model (conv, relu, conv) ----
    t = _gcn_conv(h, src, dst, W00, b00)
    t = jax.nn.relu(t)
    t = _gcn_conv(t, src, dst, W01, b01)
    h = _bn_eval(t, bn0_g, bn0_b)
    h = jax.nn.relu(h)  # non-last outer layer: relu then dropout (identity in eval)
    # ---- outer layer 1 (last): inner GCN model ----
    t = _gcn_conv(h, src, dst, W10, b10)
    t = jax.nn.relu(t)
    t = _gcn_conv(t, src, dst, W11, b11)
    h = _bn_eval(t, bn1_g, bn1_b)
    # last outer layer: dropout only (identity in eval); JK='last'
    return h

if __name__ == "__main__":
    import jax
    _d = setup_inputs()
    print(jax.jit(kernel)(*tuple(_d.values())))

</pallas_src>

<mosaic_0001>
#map = affine_map<(d0, d1) -> (0, 0, 0)>
#map1 = affine_map<(d0, d1) -> (0)>
#map2 = affine_map<(d0, d1) -> (0, 0)>
module attributes {stable_mosaic.version = 14 : i64} {
  func.func @_deg_kernel(%arg0: i32, %arg1: i32, %arg2: memref<32x80x125xi32, #tpu.memory_space<hbm>>, %arg3: memref<125xf32, #tpu.memory_space<hbm>>, %arg4: memref<10000xf32, #tpu.memory_space<hbm>>, %arg5: memref<2x10000xf32, #tpu.memory_space<hbm>>, %arg6: memref<80x125xi32, #tpu.memory_space<vmem>>, %arg7: memref<125xf32, #tpu.memory_space<vmem>>, %arg8: memref<10000xf32, #tpu.memory_space<vmem_shared>>, %arg9: memref<!tpu.dma_semaphore, #tpu.memory_space<semaphore_mem>>) attributes {dimension_semantics = [#tpu.dimension_semantics<core_parallel>, #tpu.dimension_semantics<subcore_parallel>], iteration_bounds = array<i64: 2, 16>, scalar_prefetch = 0 : i64, scratch_operands = 4 : i64, tpu.core_type = #tpu.core_type<sc_vector_subcore>, window_params = [{transform_indices = #map}, {transform_indices = #map1}, {transform_indices = #map1}, {transform_indices = #map2}]} {
    %mul3A = arith.constant 16 : i32
    %mul3A_0 = arith.muli %arg0, %mul3A : i32
    %add3A = arith.addi %mul3A_0, %arg1 : i32
    %eq3A = arith.constant 0 : i32
    %eq3A_1 = arith.cmpi eq, %arg1, %eq3A : i32
    %convert_element_type3A = arith.extui %eq3A_1 : i1 to i32
    %cond3A = arith.constant 0 : i32
    %cond3A_2 = arith.cmpi ne, %convert_element_type3A, %cond3A : i32
    scf.if %cond3A_2 {
      "tpu.region"() ({
        %run_scoped3A = tpu.sem_alloc : memref<!tpu.dma_semaphore, #tpu.memory_space<semaphore_mem>>
        tpu.enqueue_dma source(%arg4 : memref<10000xf32, #tpu.memory_space<hbm>>) target(%arg8 : memref<10000xf32, #tpu.memory_space<vmem_shared>>) target_semaphore(%run_scoped3A : memref<!tpu.dma_semaphore, #tpu.memory_space<semaphore_mem>>)
        tpu.wait_dma2 semaphore(%run_scoped3A : memref<!tpu.dma_semaphore, #tpu.memory_space<semaphore_mem>>) src(%arg4 : memref<10000xf32, #tpu.memory_space<hbm>>) dst(%arg8 : memref<10000xf32, #tpu.memory_space<vmem_shared>>)
        tpu.yield
      }) : () -> ()
    } else {
    }
    "tpu.region"() ({
      %run_scoped3A = tpu.sem_alloc : memref<!tpu.dma_semaphore, #tpu.memory_space<semaphore_mem>>
      tpu.enqueue_dma source(%arg3 : memref<125xf32, #tpu.memory_space<hbm>>) target(%arg7 : memref<125xf32, #tpu.memory_space<vmem>>) target_semaphore(%run_scoped3A : memref<!tpu.dma_semaphore, #tpu.memory_space<semaphore_mem>>)
      tpu.wait_dma2 semaphore(%run_scoped3A : memref<!tpu.dma_semaphore, #tpu.memory_space<semaphore_mem>>) src(%arg3 : memref<125xf32, #tpu.memory_space<hbm>>) dst(%arg7 : memref<125xf32, #tpu.memory_space<vmem>>)
      tpu.yield
    }) : () -> ()
    "tpu.region"() ({
      %run_scoped3A = tpu.sem_alloc : memref<!tpu.dma_semaphore, #tpu.memory_space<semaphore_mem>>
      %dma_start3A = arith.constant 0 : i32
      %dma_start3A_14 = arith.constant 0 : i32
      %dma_start3A_15 = tpu.memref_slice %arg2[%add3A, %dma_start3A, %dma_start3A_14] : memref<32x80x125xi32, #tpu.memory_space<hbm>> -> memref<1x80x125xi32, #tpu.memory_space<hbm>>
      %dma_start3A_16 = tpu.memref_squeeze %dma_start3A_15 : memref<1x80x125xi32, #tpu.memory_space<hbm>> -> memref<80x125xi32, #tpu.memory_space<hbm>>
      %dma_start3A_17 = arith.constant 0 : i32
      %dma_start3A_18 = arith.constant 0 : i32
      %dma_start3A_19 = tpu.memref_slice %arg2[%add3A, %dma_start3A_17, %dma_start3A_18] : memref<32x80x125xi32, #tpu.memory_space<hbm>> -> memref<1x80x125xi32, #tpu.memory_space<hbm>>
      %dma_start3A_20 = tpu.memref_squeeze %dma_start3A_19 : memref<1x80x125xi32, #tpu.memory_space<hbm>> -> memref<80x125xi32, #tpu.memory_space<hbm>>
      tpu.enqueue_dma source(%dma_start3A_20 : memref<80x125xi32, #tpu.memory_space<hbm>>) target(%arg6 : memref<80x125xi32, #tpu.memory_space<vmem>>) target_semaphore(%run_scoped3A : memref<!tpu.dma_semaphore, #tpu.memory_space<semaphore_mem>>)
      %dma_wait3A = arith.constant 0 : i32
      %dma_wait3A_21 = arith.constant 0 : i32
      %dma_wait3A_22 = tpu.memref_slice %arg2[%add3A, %dma_wait3A, %dma_wait3A_21] : memref<32x80x125xi32, #tpu.memory_space<hbm>> -> memref<1x80x125xi32, #tpu.memory_space<hbm>>
      %dma_wait3A_23 = tpu.memref_squeeze %dma_wait3A_22 : memref<1x80x125xi32, #tpu.memory_space<hbm>> -> memref<80x125xi32, #tpu.memory_space<hbm>>
      %dma_wait3A_24 = arith.constant 0 : i32
      %dma_wait3A_25 = arith.constant 0 : i32
      %dma_wait3A_26 = tpu.memref_slice %arg2[%add3A, %dma_wait3A_24, %dma_wait3A_25] : memref<32x80x125xi32, #tpu.memory_space<hbm>> -> memref<1x80x125xi32, #tpu.memory_space<hbm>>
      %dma_wait3A_27 = tpu.memref_squeeze %dma_wait3A_26 : memref<1x80x125xi32, #tpu.memory_space<hbm>> -> memref<80x125xi32, #tpu.memory_space<hbm>>
      tpu.wait_dma2 semaphore(%run_scoped3A : memref<!tpu.dma_semaphore, #tpu.memory_space<semaphore_mem>>) src(%dma_wait3A_27 : memref<80x125xi32, #tpu.memory_space<hbm>>) dst(%arg6 : memref<80x125xi32, #tpu.memory_space<vmem>>)
      tpu.yield
    }) : () -> ()
    %barrier3A = arith.constant 0 : index
    tpu.barrier barrier_id(%barrier3A)
    %scan3A = arith.constant 0 : i32
    %scan3A_3 = arith.constant 0 : i32
    %scan3A_4 = arith.constant 80 : i32
    %scan3A_5 = arith.addi %scan3A_3, %scan3A_4 : i32
    %scan3A_6 = arith.constant 1 : i32
    scf.for %scan3A_14 = %scan3A_3 to %scan3A_5 step %scan3A_6  : i32 {
      "tpu.region"() ({
        %run_scoped3A = tpu.sem_alloc : memref<!tpu.dma_semaphore, #tpu.memory_space<semaphore_mem>>
        %dma_start3A = arith.constant 0 : i32
        %dma_start3A_15 = tpu.memref_slice %arg6[%scan3A_14, %dma_start3A] : memref<80x125xi32, #tpu.memory_space<vmem>> -> memref<1x125xi32, #tpu.memory_space<vmem>>
        %dma_start3A_16 = tpu.memref_squeeze %dma_start3A_15 : memref<1x125xi32, #tpu.memory_space<vmem>> -> memref<125xi32, #tpu.memory_space<vmem>>
        %dma_start3A_17 = arith.constant 0 : i32
        %dma_start3A_18 = tpu.memref_slice %arg8[%dma_start3A_17] : memref<10000xf32, #tpu.memory_space<vmem_shared>> -> memref<10000xf32, #tpu.memory_space<vmem_shared>>
        tpu.enqueue_indirect_dma source(%arg7 : memref<125xf32, #tpu.memory_space<vmem>>) target(%dma_start3A_18 : memref<10000xf32, #tpu.memory_space<vmem_shared>>) offsets(%dma_start3A_16 : memref<125xi32, #tpu.memory_space<vmem>>) semaphore(%run_scoped3A : memref<!tpu.dma_semaphore, #tpu.memory_space<semaphore_mem>>) {add = true}
        %dma_wait3A = arith.constant 0 : i32
        %dma_wait3A_19 = tpu.memref_slice %arg6[%scan3A_14, %dma_wait3A] : memref<80x125xi32, #tpu.memory_space<vmem>> -> memref<1x125xi32, #tpu.memory_space<vmem>>
        %dma_wait3A_20 = tpu.memref_squeeze %dma_wait3A_19 : memref<1x125xi32, #tpu.memory_space<vmem>> -> memref<125xi32, #tpu.memory_space<vmem>>
        %dma_wait3A_21 = arith.constant 0 : i32
        %dma_wait3A_22 = tpu.memref_slice %arg8[%dma_wait3A_21] : memref<10000xf32, #tpu.memory_space<vmem_shared>> -> memref<10000xf32, #tpu.memory_space<vmem_shared>>
        tpu.wait_indirect_dma semaphore(%run_scoped3A : memref<!tpu.dma_semaphore, #tpu.memory_space<semaphore_mem>>) src(%arg7 : memref<125xf32, #tpu.memory_space<vmem>>) dst(%dma_wait3A_22 : memref<10000xf32, #tpu.memory_space<vmem_shared>>)
        tpu.yield
      }) : () -> ()
    }
    %scan3A_7 = arith.constant 80 : i32
    %barrier3A_8 = arith.constant 0 : index
    tpu.barrier barrier_id(%barrier3A_8)
    %eq3A_9 = arith.constant 0 : i32
    %eq3A_10 = arith.cmpi eq, %arg1, %eq3A_9 : i32
    %convert_element_type3A_11 = arith.extui %eq3A_10 : i1 to i32
    %cond3A_12 = arith.constant 0 : i32
    %cond3A_13 = arith.cmpi ne, %convert_element_type3A_11, %cond3A_12 : i32
    scf.if %cond3A_13 {
      "tpu.region"() ({
        %run_scoped3A = tpu.sem_alloc : memref<!tpu.dma_semaphore, #tpu.memory_space<semaphore_mem>>
        %dma_start3A = arith.constant 0 : i32
        %dma_start3A_14 = tpu.memref_slice %arg5[%arg0, %dma_start3A] : memref<2x10000xf32, #tpu.memory_space<hbm>> -> memref<1x10000xf32, #tpu.memory_space<hbm>>
        %dma_start3A_15 = tpu.memref_squeeze %dma_start3A_14 : memref<1x10000xf32, #tpu.memory_space<hbm>> -> memref<10000xf32, #tpu.memory_space<hbm>>
        tpu.enqueue_dma source(%arg8 : memref<10000xf32, #tpu.memory_space<vmem_shared>>) target(%dma_start3A_15 : memref<10000xf32, #tpu.memory_space<hbm>>) target_semaphore(%run_scoped3A : memref<!tpu.dma_semaphore, #tpu.memory_space<semaphore_mem>>)
        %dma_wait3A = arith.constant 0 : i32
        %dma_wait3A_16 = tpu.memref_slice %arg5[%arg0, %dma_wait3A] : memref<2x10000xf32, #tpu.memory_space<hbm>> -> memref<1x10000xf32, #tpu.memory_space<hbm>>
        %dma_wait3A_17 = tpu.memref_squeeze %dma_wait3A_16 : memref<1x10000xf32, #tpu.memory_space<hbm>> -> memref<10000xf32, #tpu.memory_space<hbm>>
        tpu.wait_dma2 semaphore(%run_scoped3A : memref<!tpu.dma_semaphore, #tpu.memory_space<semaphore_mem>>) src(%arg8 : memref<10000xf32, #tpu.memory_space<vmem_shared>>) dst(%dma_wait3A_17 : memref<10000xf32, #tpu.memory_space<hbm>>)
        tpu.yield
      }) : () -> ()
    } else {
    }
    return
  }
}

#map = affine_map<(d0, d1) -> (0, 0)>
#map1 = affine_map<(d0, d1) -> (0, 0, 0)>
module attributes {stable_mosaic.version = 14 : i64} {
  func.func @_edge_kernel(%arg0: i32, %arg1: i32, %arg2: memref<10000x128xf32, #tpu.memory_space<hbm>>, %arg3: memref<64x40x125xi32, #tpu.memory_space<hbm>>, %arg4: memref<64x40x125xi32, #tpu.memory_space<hbm>>, %arg5: memref<10000x128xf32, #tpu.memory_space<hbm>>, %arg6: memref<20000x128xf32, #tpu.memory_space<hbm>>, %arg7: memref<40x125xi32, #tpu.memory_space<vmem>>, %arg8: memref<40x125xi32, #tpu.memory_space<vmem>>, %arg9: memref<125x128xf32, #tpu.memory_space<vmem>>, %arg10: memref<125x128xf32, #tpu.memory_space<vmem>>, %arg11: memref<10000x128xf32, #tpu.memory_space<vmem_shared>>, %arg12: memref<!tpu.dma_semaphore, #tpu.memory_space<semaphore_mem>>, %arg13: memref<!tpu.dma_semaphore, #tpu.memory_space<semaphore_mem>>) attributes {dimension_semantics = [#tpu.dimension_semantics<core_parallel>, #tpu.dimension_semantics<subcore_parallel>], iteration_bounds = array<i64: 2, 16>, scalar_prefetch = 0 : i64, scratch_operands = 7 : i64, tpu.core_type = #tpu.core_type<sc_vector_subcore>, window_params = [{transform_indices = #map}, {transform_indices = #map1}, {transform_indices = #map1}, {transform_indices = #map}, {transform_indices = #map}]} {
    %mul3A = arith.constant 16 : i32
    %mul3A_0 = arith.muli %arg0, %mul3A : i32
    %add3A = arith.addi %mul3A_0, %arg1 : i32
    %lt3A = arith.constant 10 : i32
    %lt3A_1 = arith.cmpi slt, %arg1, %lt3A : i32
    %convert_element_type3A = arith.extui %lt3A_1 : i1 to i32
    %cond3A = arith.constant 0 : i32
    %cond3A_2 = arith.cmpi ne, %convert_element_type3A, %cond3A : i32
    scf.if %cond3A_2 {
      %mul3A_49 = arith.constant 1000 : i32
      %mul3A_50 = arith.muli %arg1, %mul3A_49 : i32
      %mul3A_51 = arith.constant 1000 : i32
      %mul3A_52 = arith.muli %arg1, %mul3A_51 : i32
      "tpu.region"() ({
        %run_scoped3A = tpu.sem_alloc : memref<!tpu.dma_semaphore, #tpu.memory_space<semaphore_mem>>
        %dma_start3A_53 = arith.constant 0 : i32
        %dma_start3A_54 = tpu.memref_slice %arg11[%mul3A_52, %dma_start3A_53] : memref<10000x128xf32, #tpu.memory_space<vmem_shared>> -> memref<1000x128xf32, #tpu.memory_space<vmem_shared>>
        %dma_start3A_55 = arith.constant 0 : i32
        %dma_start3A_56 = tpu.memref_slice %arg5[%mul3A_50, %dma_start3A_55] : memref<10000x128xf32, #tpu.memory_space<hbm>> -> memref<1000x128xf32, #tpu.memory_space<hbm>>
        tpu.enqueue_dma source(%dma_start3A_56 : memref<1000x128xf32, #tpu.memory_space<hbm>>) target(%dma_start3A_54 : memref<1000x128xf32, #tpu.memory_space<vmem_shared>>) target_semaphore(%run_scoped3A : memref<!tpu.dma_semaphore, #tpu.memory_space<semaphore_mem>>)
        %dma_wait3A = arith.constant 0 : i32
        %dma_wait3A_57 = tpu.memref_slice %arg11[%mul3A_52, %dma_wait3A] : memref<10000x128xf32, #tpu.memory_space<vmem_shared>> -> memref<1000x128xf32, #tpu.memory_space<vmem_shared>>
        %dma_wait3A_58 = arith.constant 0 : i32
        %dma_wait3A_59 = tpu.memref_slice %arg5[%mul3A_50, %dma_wait3A_58] : memref<10000x128xf32, #tpu.memory_space<hbm>> -> memref<1000x128xf32, #tpu.memory_space<hbm>>
        tpu.wait_dma2 semaphore(%run_scoped3A : memref<!tpu.dma_semaphore, #tpu.memory_space<semaphore_mem>>) src(%dma_wait3A_59 : memref<1000x128xf32, #tpu.memory_space<hbm>>) dst(%dma_wait3A_57 : memref<1000x128xf32, #tpu.memory_space<vmem_shared>>)
        tpu.yield
      }) : () -> ()
    } else {
    }
    %mul3A_3 = arith.constant 2 : i32
    %mul3A_4 = arith.muli %add3A, %mul3A_3 : i32
    %add3A_5 = arith.constant 0 : i32
    %add3A_6 = arith.addi %mul3A_4, %add3A_5 : i32
    "tpu.region"() ({
      %run_scoped3A = tpu.sem_alloc : memref<!tpu.dma_semaphore, #tpu.memory_space<semaphore_mem>>
      %dma_start3A_49 = arith.constant 0 : i32
      %dma_start3A_50 = arith.constant 0 : i32
      %dma_start3A_51 = tpu.memref_slice %arg3[%add3A_6, %dma_start3A_49, %dma_start3A_50] : memref<64x40x125xi32, #tpu.memory_space<hbm>> -> memref<1x40x125xi32, #tpu.memory_space<hbm>>
      %dma_start3A_52 = tpu.memref_squeeze %dma_start3A_51 : memref<1x40x125xi32, #tpu.memory_space<hbm>> -> memref<40x125xi32, #tpu.memory_space<hbm>>
      %dma_start3A_53 = arith.constant 0 : i32
      %dma_start3A_54 = arith.constant 0 : i32
      %dma_start3A_55 = tpu.memref_slice %arg3[%add3A_6, %dma_start3A_53, %dma_start3A_54] : memref<64x40x125xi32, #tpu.memory_space<hbm>> -> memref<1x40x125xi32, #tpu.memory_space<hbm>>
      %dma_start3A_56 = tpu.memref_squeeze %dma_start3A_55 : memref<1x40x125xi32, #tpu.memory_space<hbm>> -> memref<40x125xi32, #tpu.memory_space<hbm>>
      tpu.enqueue_dma source(%dma_start3A_56 : memref<40x125xi32, #tpu.memory_space<hbm>>) target(%arg7 : memref<40x125xi32, #tpu.memory_space<vmem>>) target_semaphore(%run_scoped3A : memref<!tpu.dma_semaphore, #tpu.memory_space<semaphore_mem>>)
      %dma_wait3A = arith.constant 0 : i32
      %dma_wait3A_57 = arith.constant 0 : i32
      %dma_wait3A_58 = tpu.memref_slice %arg3[%add3A_6, %dma_wait3A, %dma_wait3A_57] : memref<64x40x125xi32, #tpu.memory_space<hbm>> -> memref<1x40x125xi32, #tpu.memory_space<hbm>>
      %dma_wait3A_59 = tpu.memref_squeeze %dma_wait3A_58 : memref<1x40x125xi32, #tpu.memory_space<hbm>> -> memref<40x125xi32, #tpu.memory_space<hbm>>
      %dma_wait3A_60 = arith.constant 0 : i32
      %dma_wait3A_61 = arith.constant 0 : i32
      %dma_wait3A_62 = tpu.memref_slice %arg3[%add3A_6, %dma_wait3A_60, %dma_wait3A_61] : memref<64x40x125xi32, #tpu.memory_space<hbm>> -> memref<1x40x125xi32, #tpu.memory_space<hbm>>
      %dma_wait3A_63 = tpu.memref_squeeze %dma_wait3A_62 : memref<1x40x125xi32, #tpu.memory_space<hbm>> -> memref<40x125xi32, #tpu.memory_space<hbm>>
      tpu.wait_dma2 semaphore(%run_scoped3A : memref<!tpu.dma_semaphore, #tpu.memory_space<semaphore_mem>>) src(%dma_wait3A_63 : memref<40x125xi32, #tpu.memory_space<hbm>>) dst(%arg7 : memref<40x125xi32, #tpu.memory_space<vmem>>)
      tpu.yield
    }) : () -> ()
    %mul3A_7 = arith.constant 2 : i32
    %mul3A_8 = arith.muli %add3A, %mul3A_7 : i32
    %add3A_9 = arith.constant 0 : i32
    %add3A_10 = arith.addi %mul3A_8, %add3A_9 : i32
    "tpu.region"() ({
      %run_scoped3A = tpu.sem_alloc : memref<!tpu.dma_semaphore, #tpu.memory_space<semaphore_mem>>
      %dma_start3A_49 = arith.constant 0 : i32
      %dma_start3A_50 = arith.constant 0 : i32
      %dma_start3A_51 = tpu.memref_slice %arg4[%add3A_10, %dma_start3A_49, %dma_start3A_50] : memref<64x40x125xi32, #tpu.memory_space<hbm>> -> memref<1x40x125xi32, #tpu.memory_space<hbm>>
      %dma_start3A_52 = tpu.memref_squeeze %dma_start3A_51 : memref<1x40x125xi32, #tpu.memory_space<hbm>> -> memref<40x125xi32, #tpu.memory_space<hbm>>
      %dma_start3A_53 = arith.constant 0 : i32
      %dma_start3A_54 = arith.constant 0 : i32
      %dma_start3A_55 = tpu.memref_slice %arg4[%add3A_10, %dma_start3A_53, %dma_start3A_54] : memref<64x40x125xi32, #tpu.memory_space<hbm>> -> memref<1x40x125xi32, #tpu.memory_space<hbm>>
      %dma_start3A_56 = tpu.memref_squeeze %dma_start3A_55 : memref<1x40x125xi32, #tpu.memory_space<hbm>> -> memref<40x125xi32, #tpu.memory_space<hbm>>
      tpu.enqueue_dma source(%dma_start3A_56 : memref<40x125xi32, #tpu.memory_space<hbm>>) target(%arg8 : memref<40x125xi32, #tpu.memory_space<vmem>>) target_semaphore(%run_scoped3A : memref<!tpu.dma_semaphore, #tpu.memory_space<semaphore_mem>>)
      %dma_wait3A = arith.constant 0 : i32
      %dma_wait3A_57 = arith.constant 0 : i32
      %dma_wait3A_58 = tpu.memref_slice %arg4[%add3A_10, %dma_wait3A, %dma_wait3A_57] : memref<64x40x125xi32, #tpu.memory_space<hbm>> -> memref<1x40x125xi32, #tpu.memory_space<hbm>>
      %dma_wait3A_59 = tpu.memref_squeeze %dma_wait3A_58 : memref<1x40x125xi32, #tpu.memory_space<hbm>> -> memref<40x125xi32, #tpu.memory_space<hbm>>
      %dma_wait3A_60 = arith.constant 0 : i32
      %dma_wait3A_61 = arith.constant 0 : i32
      %dma_wait3A_62 = tpu.memref_slice %arg4[%add3A_10, %dma_wait3A_60, %dma_wait3A_61] : memref<64x40x125xi32, #tpu.memory_space<hbm>> -> memref<1x40x125xi32, #tpu.memory_space<hbm>>
      %dma_wait3A_63 = tpu.memref_squeeze %dma_wait3A_62 : memref<1x40x125xi32, #tpu.memory_space<hbm>> -> memref<40x125xi32, #tpu.memory_space<hbm>>
      tpu.wait_dma2 semaphore(%run_scoped3A : memref<!tpu.dma_semaphore, #tpu.memory_space<semaphore_mem>>) src(%dma_wait3A_63 : memref<40x125xi32, #tpu.memory_space<hbm>>) dst(%arg8 : memref<40x125xi32, #tpu.memory_space<vmem>>)
      tpu.yield
    }) : () -> ()
    %barrier3A = arith.constant 0 : index
    tpu.barrier barrier_id(%barrier3A)
    %dma_start3A = arith.constant 0 : i32
    %dma_start3A_11 = arith.constant 0 : i32
    %dma_start3A_12 = tpu.memref_slice %arg7[%dma_start3A, %dma_start3A_11] : memref<40x125xi32, #tpu.memory_space<vmem>> -> memref<1x125xi32, #tpu.memory_space<vmem>>
    %dma_start3A_13 = tpu.memref_squeeze %dma_start3A_12 : memref<1x125xi32, #tpu.memory_space<vmem>> -> memref<125xi32, #tpu.memory_space<vmem>>
    %dma_start3A_14 = arith.constant 0 : i32
    %dma_start3A_15 = arith.constant 0 : i32
    %dma_start3A_16 = tpu.memref_slice %arg2[%dma_start3A_14, %dma_start3A_15] : memref<10000x128xf32, #tpu.memory_space<hbm>> -> memref<10000x128xf32, #tpu.memory_space<hbm>>
    tpu.enqueue_indirect_dma source(%dma_start3A_16 : memref<10000x128xf32, #tpu.memory_space<hbm>>) target(%arg9 : memref<125x128xf32, #tpu.memory_space<vmem>>) offsets(%dma_start3A_13 : memref<125xi32, #tpu.memory_space<vmem>>) semaphore(%arg12 : memref<!tpu.dma_semaphore, #tpu.memory_space<semaphore_mem>>)
    %scan3A = arith.constant 0 : i32
    %scan3A_17 = arith.constant 0 : i32
    %scan3A_18 = arith.constant 20 : i32
    %scan3A_19 = arith.addi %scan3A_17, %scan3A_18 : i32
    %scan3A_20 = arith.constant 1 : i32
    scf.for %scan3A_49 = %scan3A_17 to %scan3A_19 step %scan3A_20  : i32 {
      %mul3A_50 = arith.constant 2 : i32
      %mul3A_51 = arith.muli %mul3A_50, %scan3A_49 : i32
      %add3A_52 = arith.constant 1 : i32
      %add3A_53 = arith.addi %mul3A_51, %add3A_52 : i32
      %dma_start3A_54 = arith.constant 0 : i32
      %dma_start3A_55 = tpu.memref_slice %arg7[%add3A_53, %dma_start3A_54] : memref<40x125xi32, #tpu.memory_space<vmem>> -> memref<1x125xi32, #tpu.memory_space<vmem>>
      %dma_start3A_56 = tpu.memref_squeeze %dma_start3A_55 : memref<1x125xi32, #tpu.memory_space<vmem>> -> memref<125xi32, #tpu.memory_space<vmem>>
      %dma_start3A_57 = arith.constant 0 : i32
      %dma_start3A_58 = arith.constant 0 : i32
      %dma_start3A_59 = tpu.memref_slice %arg2[%dma_start3A_57, %dma_start3A_58] : memref<10000x128xf32, #tpu.memory_space<hbm>> -> memref<10000x128xf32, #tpu.memory_space<hbm>>
      tpu.enqueue_indirect_dma source(%dma_start3A_59 : memref<10000x128xf32, #tpu.memory_space<hbm>>) target(%arg10 : memref<125x128xf32, #tpu.memory_space<vmem>>) offsets(%dma_start3A_56 : memref<125xi32, #tpu.memory_space<vmem>>) semaphore(%arg13 : memref<!tpu.dma_semaphore, #tpu.memory_space<semaphore_mem>>)
      %dma_wait3A = arith.constant 0 : i32
      %dma_wait3A_60 = arith.constant 0 : i32
      %dma_wait3A_61 = tpu.memref_slice %arg7[%dma_wait3A, %dma_wait3A_60] : memref<40x125xi32, #tpu.memory_space<vmem>> -> memref<1x125xi32, #tpu.memory_space<vmem>>
      %dma_wait3A_62 = tpu.memref_squeeze %dma_wait3A_61 : memref<1x125xi32, #tpu.memory_space<vmem>> -> memref<125xi32, #tpu.memory_space<vmem>>
      %dma_wait3A_63 = arith.constant 0 : i32
      %dma_wait3A_64 = arith.constant 0 : i32
      %dma_wait3A_65 = tpu.memref_slice %arg2[%dma_wait3A_63, %dma_wait3A_64] : memref<10000x128xf32, #tpu.memory_space<hbm>> -> memref<10000x128xf32, #tpu.memory_space<hbm>>
      tpu.wait_indirect_dma semaphore(%arg12 : memref<!tpu.dma_semaphore, #tpu.memory_space<semaphore_mem>>) src(%dma_wait3A_65 : memref<10000x128xf32, #tpu.memory_space<hbm>>) dst(%arg9 : memref<125x128xf32, #tpu.memory_space<vmem>>)
      "tpu.region"() ({
        %run_scoped3A = tpu.sem_alloc : memref<!tpu.dma_semaphore, #tpu.memory_space<semaphore_mem>>
        %dma_start3A_80 = arith.constant 0 : i32
        %dma_start3A_81 = tpu.memref_slice %arg8[%mul3A_51, %dma_start3A_80] : memref<40x125xi32, #tpu.memory_space<vmem>> -> memref<1x125xi32, #tpu.memory_space<vmem>>
        %dma_start3A_82 = tpu.memref_squeeze %dma_start3A_81 : memref<1x125xi32, #tpu.memory_space<vmem>> -> memref<125xi32, #tpu.memory_space<vmem>>
        %dma_start3A_83 = arith.constant 0 : i32
        %dma_start3A_84 = arith.constant 0 : i32
        %dma_start3A_85 = tpu.memref_slice %arg11[%dma_start3A_83, %dma_start3A_84] : memref<10000x128xf32, #tpu.memory_space<vmem_shared>> -> memref<10000x128xf32, #tpu.memory_space<vmem_shared>>
        tpu.enqueue_indirect_dma source(%arg9 : memref<125x128xf32, #tpu.memory_space<vmem>>) target(%dma_start3A_85 : memref<10000x128xf32, #tpu.memory_space<vmem_shared>>) offsets(%dma_start3A_82 : memref<125xi32, #tpu.memory_space<vmem>>) semaphore(%run_scoped3A : memref<!tpu.dma_semaphore, #tpu.memory_space<semaphore_mem>>) {add = true}
        %dma_wait3A_86 = arith.constant 0 : i32
        %dma_wait3A_87 = tpu.memref_slice %arg8[%mul3A_51, %dma_wait3A_86] : memref<40x125xi32, #tpu.memory_space<vmem>> -> memref<1x125xi32, #tpu.memory_space<vmem>>
        %dma_wait3A_88 = tpu.memref_squeeze %dma_wait3A_87 : memref<1x125xi32, #tpu.memory_space<vmem>> -> memref<125xi32, #tpu.memory_space<vmem>>
        %dma_wait3A_89 = arith.constant 0 : i32
        %dma_wait3A_90 = arith.constant 0 : i32
        %dma_wait3A_91 = tpu.memref_slice %arg11[%dma_wait3A_89, %dma_wait3A_90] : memref<10000x128xf32, #tpu.memory_space<vmem_shared>> -> memref<10000x128xf32, #tpu.memory_space<vmem_shared>>
        tpu.wait_indirect_dma semaphore(%run_scoped3A : memref<!tpu.dma_semaphore, #tpu.memory_space<semaphore_mem>>) src(%arg9 : memref<125x128xf32, #tpu.memory_space<vmem>>) dst(%dma_wait3A_91 : memref<10000x128xf32, #tpu.memory_space<vmem_shared>>)
        tpu.yield
      }) : () -> ()
      %lt3A_66 = arith.constant 19 : i32
      %lt3A_67 = arith.cmpi slt, %scan3A_49, %lt3A_66 : i32
      %convert_element_type3A_68 = arith.extui %lt3A_67 : i1 to i32
      %cond3A_69 = arith.constant 0 : i32
      %cond3A_70 = arith.cmpi ne, %convert_element_type3A_68, %cond3A_69 : i32
      scf.if %cond3A_70 {
        %add3A_80 = arith.constant 2 : i32
        %add3A_81 = arith.addi %mul3A_51, %add3A_80 : i32
        %dma_start3A_82 = arith.constant 0 : i32
        %dma_start3A_83 = tpu.memref_slice %arg7[%add3A_81, %dma_start3A_82] : memref<40x125xi32, #tpu.memory_space<vmem>> -> memref<1x125xi32, #tpu.memory_space<vmem>>
        %dma_start3A_84 = tpu.memref_squeeze %dma_start3A_83 : memref<1x125xi32, #tpu.memory_space<vmem>> -> memref<125xi32, #tpu.memory_space<vmem>>
        %dma_start3A_85 = arith.constant 0 : i32
        %dma_start3A_86 = arith.constant 0 : i32
        %dma_start3A_87 = tpu.memref_slice %arg2[%dma_start3A_85, %dma_start3A_86] : memref<10000x128xf32, #tpu.memory_space<hbm>> -> memref<10000x128xf32, #tpu.memory_space<hbm>>
        tpu.enqueue_indirect_dma source(%dma_start3A_87 : memref<10000x128xf32, #tpu.memory_space<hbm>>) target(%arg9 : memref<125x128xf32, #tpu.memory_space<vmem>>) offsets(%dma_start3A_84 : memref<125xi32, #tpu.memory_space<vmem>>) semaphore(%arg12 : memref<!tpu.dma_semaphore, #tpu.memory_space<semaphore_mem>>)
      } else {
      }
      %dma_wait3A_71 = arith.constant 0 : i32
      %dma_wait3A_72 = arith.constant 0 : i32
      %dma_wait3A_73 = tpu.memref_slice %arg7[%dma_wait3A_71, %dma_wait3A_72] : memref<40x125xi32, #tpu.memory_space<vmem>> -> memref<1x125xi32, #tpu.memory_space<vmem>>
      %dma_wait3A_74 = tpu.memref_squeeze %dma_wait3A_73 : memref<1x125xi32, #tpu.memory_space<vmem>> -> memref<125xi32, #tpu.memory_space<vmem>>
      %dma_wait3A_75 = arith.constant 0 : i32
      %dma_wait3A_76 = arith.constant 0 : i32
      %dma_wait3A_77 = tpu.memref_slice %arg2[%dma_wait3A_75, %dma_wait3A_76] : memref<10000x128xf32, #tpu.memory_space<hbm>> -> memref<10000x128xf32, #tpu.memory_space<hbm>>
      tpu.wait_indirect_dma semaphore(%arg13 : memref<!tpu.dma_semaphore, #tpu.memory_space<semaphore_mem>>) src(%dma_wait3A_77 : memref<10000x128xf32, #tpu.memory_space<hbm>>) dst(%arg10 : memref<125x128xf32, #tpu.memory_space<vmem>>)
      %add3A_78 = arith.constant 1 : i32
      %add3A_79 = arith.addi %mul3A_51, %add3A_78 : i32
      "tpu.region"() ({
        %run_scoped3A = tpu.sem_alloc : memref<!tpu.dma_semaphore, #tpu.memory_space<semaphore_mem>>
        %dma_start3A_80 = arith.constant 0 : i32
        %dma_start3A_81 = tpu.memref_slice %arg8[%add3A_79, %dma_start3A_80] : memref<40x125xi32, #tpu.memory_space<vmem>> -> memref<1x125xi32, #tpu.memory_space<vmem>>
        %dma_start3A_82 = tpu.memref_squeeze %dma_start3A_81 : memref<1x125xi32, #tpu.memory_space<vmem>> -> memref<125xi32, #tpu.memory_space<vmem>>
        %dma_start3A_83 = arith.constant 0 : i32
        %dma_start3A_84 = arith.constant 0 : i32
        %dma_start3A_85 = tpu.memref_slice %arg11[%dma_start3A_83, %dma_start3A_84] : memref<10000x128xf32, #tpu.memory_space<vmem_shared>> -> memref<10000x128xf32, #tpu.memory_space<vmem_shared>>
        tpu.enqueue_indirect_dma source(%arg10 : memref<125x128xf32, #tpu.memory_space<vmem>>) target(%dma_start3A_85 : memref<10000x128xf32, #tpu.memory_space<vmem_shared>>) offsets(%dma_start3A_82 : memref<125xi32, #tpu.memory_space<vmem>>) semaphore(%run_scoped3A : memref<!tpu.dma_semaphore, #tpu.memory_space<semaphore_mem>>) {add = true}
        %dma_wait3A_86 = arith.constant 0 : i32
        %dma_wait3A_87 = tpu.memref_slice %arg8[%add3A_79, %dma_wait3A_86] : memref<40x125xi32, #tpu.memory_space<vmem>> -> memref<1x125xi32, #tpu.memory_space<vmem>>
        %dma_wait3A_88 = tpu.memref_squeeze %dma_wait3A_87 : memref<1x125xi32, #tpu.memory_space<vmem>> -> memref<125xi32, #tpu.memory_space<vmem>>
        %dma_wait3A_89 = arith.constant 0 : i32
        %dma_wait3A_90 = arith.constant 0 : i32
        %dma_wait3A_91 = tpu.memref_slice %arg11[%dma_wait3A_89, %dma_wait3A_90] : memref<10000x128xf32, #tpu.memory_space<vmem_shared>> -> memref<10000x128xf32, #tpu.memory_space<vmem_shared>>
        tpu.wait_indirect_dma semaphore(%run_scoped3A : memref<!tpu.dma_semaphore, #tpu.memory_space<semaphore_mem>>) src(%arg10 : memref<125x128xf32, #tpu.memory_space<vmem>>) dst(%dma_wait3A_91 : memref<10000x128xf32, #tpu.memory_space<vmem_shared>>)
        tpu.yield
      }) : () -> ()
    }
    %scan3A_21 = arith.constant 20 : i32
    %mul3A_22 = arith.constant 2 : i32
    %mul3A_23 = arith.muli %add3A, %mul3A_22 : i32
    %add3A_24 = arith.constant 1 : i32
    %add3A_25 = arith.addi %mul3A_23, %add3A_24 : i32
    "tpu.region"() ({
      %run_scoped3A = tpu.sem_alloc : memref<!tpu.dma_semaphore, #tpu.memory_space<semaphore_mem>>
      %dma_start3A_49 = arith.constant 0 : i32
      %dma_start3A_50 = arith.constant 0 : i32
      %dma_start3A_51 = tpu.memref_slice %arg3[%add3A_25, %dma_start3A_49, %dma_start3A_50] : memref<64x40x125xi32, #tpu.memory_space<hbm>> -> memref<1x40x125xi32, #tpu.memory_space<hbm>>
      %dma_start3A_52 = tpu.memref_squeeze %dma_start3A_51 : memref<1x40x125xi32, #tpu.memory_space<hbm>> -> memref<40x125xi32, #tpu.memory_space<hbm>>
      %dma_start3A_53 = arith.constant 0 : i32
      %dma_start3A_54 = arith.constant 0 : i32
      %dma_start3A_55 = tpu.memref_slice %arg3[%add3A_25, %dma_start3A_53, %dma_start3A_54] : memref<64x40x125xi32, #tpu.memory_space<hbm>> -> memref<1x40x125xi32, #tpu.memory_space<hbm>>
      %dma_start3A_56 = tpu.memref_squeeze %dma_start3A_55 : memref<1x40x125xi32, #tpu.memory_space<hbm>> -> memref<40x125xi32, #tpu.memory_space<hbm>>
      tpu.enqueue_dma source(%dma_start3A_56 : memref<40x125xi32, #tpu.memory_space<hbm>>) target(%arg7 : memref<40x125xi32, #tpu.memory_space<vmem>>) target_semaphore(%run_scoped3A : memref<!tpu.dma_semaphore, #tpu.memory_space<semaphore_mem>>)
      %dma_wait3A = arith.constant 0 : i32
      %dma_wait3A_57 = arith.constant 0 : i32
      %dma_wait3A_58 = tpu.memref_slice %arg3[%add3A_25, %dma_wait3A, %dma_wait3A_57] : memref<64x40x125xi32, #tpu.memory_space<hbm>> -> memref<1x40x125xi32, #tpu.memory_space<hbm>>
      %dma_wait3A_59 = tpu.memref_squeeze %dma_wait3A_58 : memref<1x40x125xi32, #tpu.memory_space<hbm>> -> memref<40x125xi32, #tpu.memory_space<hbm>>
      %dma_wait3A_60 = arith.constant 0 : i32
      %dma_wait3A_61 = arith.constant 0 : i32
      %dma_wait3A_62 = tpu.memref_slice %arg3[%add3A_25, %dma_wait3A_60, %dma_wait3A_61] : memref<64x40x125xi32, #tpu.memory_space<hbm>> -> memref<1x40x125xi32, #tpu.memory_space<hbm>>
      %dma_wait3A_63 = tpu.memref_squeeze %dma_wait3A_62 : memref<1x40x125xi32, #tpu.memory_space<hbm>> -> memref<40x125xi32, #tpu.memory_space<hbm>>
      tpu.wait_dma2 semaphore(%run_scoped3A : memref<!tpu.dma_semaphore, #tpu.memory_space<semaphore_mem>>) src(%dma_wait3A_63 : memref<40x125xi32, #tpu.memory_space<hbm>>) dst(%arg7 : memref<40x125xi32, #tpu.memory_space<vmem>>)
      tpu.yield
    }) : () -> ()
    %mul3A_26 = arith.constant 2 : i32
    %mul3A_27 = arith.muli %add3A, %mul3A_26 : i32
    %add3A_28 = arith.constant 1 : i32
    %add3A_29 = arith.addi %mul3A_27, %add3A_28 : i32
    "tpu.region"() ({
      %run_scoped3A = tpu.sem_alloc : memref<!tpu.dma_semaphore, #tpu.memory_space<semaphore_mem>>
      %dma_start3A_49 = arith.constant 0 : i32
      %dma_start3A_50 = arith.constant 0 : i32
      %dma_start3A_51 = tpu.memref_slice %arg4[%add3A_29, %dma_start3A_49, %dma_start3A_50] : memref<64x40x125xi32, #tpu.memory_space<hbm>> -> memref<1x40x125xi32, #tpu.memory_space<hbm>>
      %dma_start3A_52 = tpu.memref_squeeze %dma_start3A_51 : memref<1x40x125xi32, #tpu.memory_space<hbm>> -> memref<40x125xi32, #tpu.memory_space<hbm>>
      %dma_start3A_53 = arith.constant 0 : i32
      %dma_start3A_54 = arith.constant 0 : i32
      %dma_start3A_55 = tpu.memref_slice %arg4[%add3A_29, %dma_start3A_53, %dma_start3A_54] : memref<64x40x125xi32, #tpu.memory_space<hbm>> -> memref<1x40x125xi32, #tpu.memory_space<hbm>>
      %dma_start3A_56 = tpu.memref_squeeze %dma_start3A_55 : memref<1x40x125xi32, #tpu.memory_space<hbm>> -> memref<40x125xi32, #tpu.memory_space<hbm>>
      tpu.enqueue_dma source(%dma_start3A_56 : memref<40x125xi32, #tpu.memory_space<hbm>>) target(%arg8 : memref<40x125xi32, #tpu.memory_space<vmem>>) target_semaphore(%run_scoped3A : memref<!tpu.dma_semaphore, #tpu.memory_space<semaphore_mem>>)
      %dma_wait3A = arith.constant 0 : i32
      %dma_wait3A_57 = arith.constant 0 : i32
      %dma_wait3A_58 = tpu.memref_slice %arg4[%add3A_29, %dma_wait3A, %dma_wait3A_57] : memref<64x40x125xi32, #tpu.memory_space<hbm>> -> memref<1x40x125xi32, #tpu.memory_space<hbm>>
      %dma_wait3A_59 = tpu.memref_squeeze %dma_wait3A_58 : memref<1x40x125xi32, #tpu.memory_space<hbm>> -> memref<40x125xi32, #tpu.memory_space<hbm>>
      %dma_wait3A_60 = arith.constant 0 : i32
      %dma_wait3A_61 = arith.constant 0 : i32
      %dma_wait3A_62 = tpu.memref_slice %arg4[%add3A_29, %dma_wait3A_60, %dma_wait3A_61] : memref<64x40x125xi32, #tpu.memory_space<hbm>> -> memref<1x40x125xi32, #tpu.memory_space<hbm>>
      %dma_wait3A_63 = tpu.memref_squeeze %dma_wait3A_62 : memref<1x40x125xi32, #tpu.memory_space<hbm>> -> memref<40x125xi32, #tpu.memory_space<hbm>>
      tpu.wait_dma2 semaphore(%run_scoped3A : memref<!tpu.dma_semaphore, #tpu.memory_space<semaphore_mem>>) src(%dma_wait3A_63 : memref<40x125xi32, #tpu.memory_space<hbm>>) dst(%arg8 : memref<40x125xi32, #tpu.memory_space<vmem>>)
      tpu.yield
    }) : () -> ()
    %dma_start3A_30 = arith.constant 0 : i32
    %dma_start3A_31 = arith.constant 0 : i32
    %dma_start3A_32 = tpu.memref_slice %arg7[%dma_start3A_30, %dma_start3A_31] : memref<40x125xi32, #tpu.memory_space<vmem>> -> memref<1x125xi32, #tpu.memory_space<vmem>>
    %dma_start3A_33 = tpu.memref_squeeze %dma_start3A_32 : memref<1x125xi32, #tpu.memory_space<vmem>> -> memref<125xi32, #tpu.memory_space<vmem>>
    %dma_start3A_34 = arith.constant 0 : i32
    %dma_start3A_35 = arith.constant 0 : i32
    %dma_start3A_36 = tpu.memref_slice %arg2[%dma_start3A_34, %dma_start3A_35] : memref<10000x128xf32, #tpu.memory_space<hbm>> -> memref<10000x128xf32, #tpu.memory_space<hbm>>
    tpu.enqueue_indirect_dma source(%dma_start3A_36 : memref<10000x128xf32, #tpu.memory_space<hbm>>) target(%arg9 : memref<125x128xf32, #tpu.memory_space<vmem>>) offsets(%dma_start3A_33 : memref<125xi32, #tpu.memory_space<vmem>>) semaphore(%arg12 : memref<!tpu.dma_semaphore, #tpu.memory_space<semaphore_mem>>)
    %scan3A_37 = arith.constant 0 : i32
    %scan3A_38 = arith.constant 0 : i32
    %scan3A_39 = arith.constant 20 : i32
    %scan3A_40 = arith.addi %scan3A_38, %scan3A_39 : i32
    %scan3A_41 = arith.constant 1 : i32
    scf.for %scan3A_49 = %scan3A_38 to %scan3A_40 step %scan3A_41  : i32 {
      %mul3A_50 = arith.constant 2 : i32
      %mul3A_51 = arith.muli %mul3A_50, %scan3A_49 : i32
      %add3A_52 = arith.constant 1 : i32
      %add3A_53 = arith.addi %mul3A_51, %add3A_52 : i32
      %dma_start3A_54 = arith.constant 0 : i32
      %dma_start3A_55 = tpu.memref_slice %arg7[%add3A_53, %dma_start3A_54] : memref<40x125xi32, #tpu.memory_space<vmem>> -> memref<1x125xi32, #tpu.memory_space<vmem>>
      %dma_start3A_56 = tpu.memref_squeeze %dma_start3A_55 : memref<1x125xi32, #tpu.memory_space<vmem>> -> memref<125xi32, #tpu.memory_space<vmem>>
      %dma_start3A_57 = arith.constant 0 : i32
      %dma_start3A_58 = arith.constant 0 : i32
      %dma_start3A_59 = tpu.memref_slice %arg2[%dma_start3A_57, %dma_start3A_58] : memref<10000x128xf32, #tpu.memory_space<hbm>> -> memref<10000x128xf32, #tpu.memory_space<hbm>>
      tpu.enqueue_indirect_dma source(%dma_start3A_59 : memref<10000x128xf32, #tpu.memory_space<hbm>>) target(%arg10 : memref<125x128xf32, #tpu.memory_space<vmem>>) offsets(%dma_start3A_56 : memref<125xi32, #tpu.memory_space<vmem>>) semaphore(%arg13 : memref<!tpu.dma_semaphore, #tpu.memory_space<semaphore_mem>>)
      %dma_wait3A = arith.constant 0 : i32
      %dma_wait3A_60 = arith.constant 0 : i32
      %dma_wait3A_61 = tpu.memref_slice %arg7[%dma_wait3A, %dma_wait3A_60] : memref<40x125xi32, #tpu.memory_space<vmem>> -> memref<1x125xi32, #tpu.memory_space<vmem>>
      %dma_wait3A_62 = tpu.memref_squeeze %dma_wait3A_61 : memref<1x125xi32, #tpu.memory_space<vmem>> -> memref<125xi32, #tpu.memory_space<vmem>>
      %dma_wait3A_63 = arith.constant 0 : i32
      %dma_wait3A_64 = arith.constant 0 : i32
      %dma_wait3A_65 = tpu.memref_slice %arg2[%dma_wait3A_63, %dma_wait3A_64] : memref<10000x128xf32, #tpu.memory_space<hbm>> -> memref<10000x128xf32, #tpu.memory_space<hbm>>
      tpu.wait_indirect_dma semaphore(%arg12 : memref<!tpu.dma_semaphore, #tpu.memory_space<semaphore_mem>>) src(%dma_wait3A_65 : memref<10000x128xf32, #tpu.memory_space<hbm>>) dst(%arg9 : memref<125x128xf32, #tpu.memory_space<vmem>>)
      "tpu.region"() ({
        %run_scoped3A = tpu.sem_alloc : memref<!tpu.dma_semaphore, #tpu.memory_space<semaphore_mem>>
        %dma_start3A_80 = arith.constant 0 : i32
        %dma_start3A_81 = tpu.memref_slice %arg8[%mul3A_51, %dma_start3A_80] : memref<40x125xi32, #tpu.memory_space<vmem>> -> memref<1x125xi32, #tpu.memory_space<vmem>>
        %dma_start3A_82 = tpu.memref_squeeze %dma_start3A_81 : memref<1x125xi32, #tpu.memory_space<vmem>> -> memref<125xi32, #tpu.memory_space<vmem>>
        %dma_start3A_83 = arith.constant 0 : i32
        %dma_start3A_84 = arith.constant 0 : i32
        %dma_start3A_85 = tpu.memref_slice %arg11[%dma_start3A_83, %dma_start3A_84] : memref<10000x128xf32, #tpu.memory_space<vmem_shared>> -> memref<10000x128xf32, #tpu.memory_space<vmem_shared>>
        tpu.enqueue_indirect_dma source(%arg9 : memref<125x128xf32, #tpu.memory_space<vmem>>) target(%dma_start3A_85 : memref<10000x128xf32, #tpu.memory_space<vmem_shared>>) offsets(%dma_start3A_82 : memref<125xi32, #tpu.memory_space<vmem>>) semaphore(%run_scoped3A : memref<!tpu.dma_semaphore, #tpu.memory_space<semaphore_mem>>) {add = true}
        %dma_wait3A_86 = arith.constant 0 : i32
        %dma_wait3A_87 = tpu.memref_slice %arg8[%mul3A_51, %dma_wait3A_86] : memref<40x125xi32, #tpu.memory_space<vmem>> -> memref<1x125xi32, #tpu.memory_space<vmem>>
        %dma_wait3A_88 = tpu.memref_squeeze %dma_wait3A_87 : memref<1x125xi32, #tpu.memory_space<vmem>> -> memref<125xi32, #tpu.memory_space<vmem>>
        %dma_wait3A_89 = arith.constant 0 : i32
        %dma_wait3A_90 = arith.constant 0 : i32
        %dma_wait3A_91 = tpu.memref_slice %arg11[%dma_wait3A_89, %dma_wait3A_90] : memref<10000x128xf32, #tpu.memory_space<vmem_shared>> -> memref<10000x128xf32, #tpu.memory_space<vmem_shared>>
        tpu.wait_indirect_dma semaphore(%run_scoped3A : memref<!tpu.dma_semaphore, #tpu.memory_space<semaphore_mem>>) src(%arg9 : memref<125x128xf32, #tpu.memory_space<vmem>>) dst(%dma_wait3A_91 : memref<10000x128xf32, #tpu.memory_space<vmem_shared>>)
        tpu.yield
      }) : () -> ()
      %lt3A_66 = arith.constant 19 : i32
      %lt3A_67 = arith.cmpi slt, %scan3A_49, %lt3A_66 : i32
      %convert_element_type3A_68 = arith.extui %lt3A_67 : i1 to i32
      %cond3A_69 = arith.constant 0 : i32
      %cond3A_70 = arith.cmpi ne, %convert_element_type3A_68, %cond3A_69 : i32
      scf.if %cond3A_70 {
        %add3A_80 = arith.constant 2 : i32
        %add3A_81 = arith.addi %mul3A_51, %add3A_80 : i32
        %dma_start3A_82 = arith.constant 0 : i32
        %dma_start3A_83 = tpu.memref_slice %arg7[%add3A_81, %dma_start3A_82] : memref<40x125xi32, #tpu.memory_space<vmem>> -> memref<1x125xi32, #tpu.memory_space<vmem>>
        %dma_start3A_84 = tpu.memref_squeeze %dma_start3A_83 : memref<1x125xi32, #tpu.memory_space<vmem>> -> memref<125xi32, #tpu.memory_space<vmem>>
        %dma_start3A_85 = arith.constant 0 : i32
        %dma_start3A_86 = arith.constant 0 : i32
        %dma_start3A_87 = tpu.memref_slice %arg2[%dma_start3A_85, %dma_start3A_86] : memref<10000x128xf32, #tpu.memory_space<hbm>> -> memref<10000x128xf32, #tpu.memory_space<hbm>>
        tpu.enqueue_indirect_dma source(%dma_start3A_87 : memref<10000x128xf32, #tpu.memory_space<hbm>>) target(%arg9 : memref<125x128xf32, #tpu.memory_space<vmem>>) offsets(%dma_start3A_84 : memref<125xi32, #tpu.memory_space<vmem>>) semaphore(%arg12 : memref<!tpu.dma_semaphore, #tpu.memory_space<semaphore_mem>>)
      } else {
      }
      %dma_wait3A_71 = arith.constant 0 : i32
      %dma_wait3A_72 = arith.constant 0 : i32
      %dma_wait3A_73 = tpu.memref_slice %arg7[%dma_wait3A_71, %dma_wait3A_72] : memref<40x125xi32, #tpu.memory_space<vmem>> -> memref<1x125xi32, #tpu.memory_space<vmem>>
      %dma_wait3A_74 = tpu.memref_squeeze %dma_wait3A_73 : memref<1x125xi32, #tpu.memory_space<vmem>> -> memref<125xi32, #tpu.memory_space<vmem>>
      %dma_wait3A_75 = arith.constant 0 : i32
      %dma_wait3A_76 = arith.constant 0 : i32
      %dma_wait3A_77 = tpu.memref_slice %arg2[%dma_wait3A_75, %dma_wait3A_76] : memref<10000x128xf32, #tpu.memory_space<hbm>> -> memref<10000x128xf32, #tpu.memory_space<hbm>>
      tpu.wait_indirect_dma semaphore(%arg13 : memref<!tpu.dma_semaphore, #tpu.memory_space<semaphore_mem>>) src(%dma_wait3A_77 : memref<10000x128xf32, #tpu.memory_space<hbm>>) dst(%arg10 : memref<125x128xf32, #tpu.memory_space<vmem>>)
      %add3A_78 = arith.constant 1 : i32
      %add3A_79 = arith.addi %mul3A_51, %add3A_78 : i32
      "tpu.region"() ({
        %run_scoped3A = tpu.sem_alloc : memref<!tpu.dma_semaphore, #tpu.memory_space<semaphore_mem>>
        %dma_start3A_80 = arith.constant 0 : i32
        %dma_start3A_81 = tpu.memref_slice %arg8[%add3A_79, %dma_start3A_80] : memref<40x125xi32, #tpu.memory_space<vmem>> -> memref<1x125xi32, #tpu.memory_space<vmem>>
        %dma_start3A_82 = tpu.memref_squeeze %dma_start3A_81 : memref<1x125xi32, #tpu.memory_space<vmem>> -> memref<125xi32, #tpu.memory_space<vmem>>
        %dma_start3A_83 = arith.constant 0 : i32
        %dma_start3A_84 = arith.constant 0 : i32
        %dma_start3A_85 = tpu.memref_slice %arg11[%dma_start3A_83, %dma_start3A_84] : memref<10000x128xf32, #tpu.memory_space<vmem_shared>> -> memref<10000x128xf32, #tpu.memory_space<vmem_shared>>
        tpu.enqueue_indirect_dma source(%arg10 : memref<125x128xf32, #tpu.memory_space<vmem>>) target(%dma_start3A_85 : memref<10000x128xf32, #tpu.memory_space<vmem_shared>>) offsets(%dma_start3A_82 : memref<125xi32, #tpu.memory_space<vmem>>) semaphore(%run_scoped3A : memref<!tpu.dma_semaphore, #tpu.memory_space<semaphore_mem>>) {add = true}
        %dma_wait3A_86 = arith.constant 0 : i32
        %dma_wait3A_87 = tpu.memref_slice %arg8[%add3A_79, %dma_wait3A_86] : memref<40x125xi32, #tpu.memory_space<vmem>> -> memref<1x125xi32, #tpu.memory_space<vmem>>
        %dma_wait3A_88 = tpu.memref_squeeze %dma_wait3A_87 : memref<1x125xi32, #tpu.memory_space<vmem>> -> memref<125xi32, #tpu.memory_space<vmem>>
        %dma_wait3A_89 = arith.constant 0 : i32
        %dma_wait3A_90 = arith.constant 0 : i32
        %dma_wait3A_91 = tpu.memref_slice %arg11[%dma_wait3A_89, %dma_wait3A_90] : memref<10000x128xf32, #tpu.memory_space<vmem_shared>> -> memref<10000x128xf32, #tpu.memory_space<vmem_shared>>
        tpu.wait_indirect_dma semaphore(%run_scoped3A : memref<!tpu.dma_semaphore, #tpu.memory_space<semaphore_mem>>) src(%arg10 : memref<125x128xf32, #tpu.memory_space<vmem>>) dst(%dma_wait3A_91 : memref<10000x128xf32, #tpu.memory_space<vmem_shared>>)
        tpu.yield
      }) : () -> ()
    }
    %scan3A_42 = arith.constant 20 : i32
    %barrier3A_43 = arith.constant 0 : index
    tpu.barrier barrier_id(%barrier3A_43)
    %lt3A_44 = arith.constant 10 : i32
    %lt3A_45 = arith.cmpi slt, %arg1, %lt3A_44 : i32
    %convert_element_type3A_46 = arith.extui %lt3A_45 : i1 to i32
    %cond3A_47 = arith.constant 0 : i32
    %cond3A_48 = arith.cmpi ne, %convert_element_type3A_46, %cond3A_47 : i32
    scf.if %cond3A_48 {
      %mul3A_49 = arith.constant 1000 : i32
      %mul3A_50 = arith.muli %arg1, %mul3A_49 : i32
      %mul3A_51 = arith.constant 10000 : i32
      %mul3A_52 = arith.muli %arg0, %mul3A_51 : i32
      %mul3A_53 = arith.constant 1000 : i32
      %mul3A_54 = arith.muli %arg1, %mul3A_53 : i32
      %add3A_55 = arith.addi %mul3A_52, %mul3A_54 : i32
      "tpu.region"() ({
        %run_scoped3A = tpu.sem_alloc : memref<!tpu.dma_semaphore, #tpu.memory_space<semaphore_mem>>
        %dma_start3A_56 = arith.constant 0 : i32
        %dma_start3A_57 = tpu.memref_slice %arg6[%add3A_55, %dma_start3A_56] : memref<20000x128xf32, #tpu.memory_space<hbm>> -> memref<1000x128xf32, #tpu.memory_space<hbm>>
        %dma_start3A_58 = arith.constant 0 : i32
        %dma_start3A_59 = tpu.memref_slice %arg11[%mul3A_50, %dma_start3A_58] : memref<10000x128xf32, #tpu.memory_space<vmem_shared>> -> memref<1000x128xf32, #tpu.memory_space<vmem_shared>>
        tpu.enqueue_dma source(%dma_start3A_59 : memref<1000x128xf32, #tpu.memory_space<vmem_shared>>) target(%dma_start3A_57 : memref<1000x128xf32, #tpu.memory_space<hbm>>) target_semaphore(%run_scoped3A : memref<!tpu.dma_semaphore, #tpu.memory_space<semaphore_mem>>)
        %dma_wait3A = arith.constant 0 : i32
        %dma_wait3A_60 = tpu.memref_slice %arg6[%add3A_55, %dma_wait3A] : memref<20000x128xf32, #tpu.memory_space<hbm>> -> memref<1000x128xf32, #tpu.memory_space<hbm>>
        %dma_wait3A_61 = arith.constant 0 : i32
        %dma_wait3A_62 = tpu.memref_slice %arg11[%mul3A_50, %dma_wait3A_61] : memref<10000x128xf32, #tpu.memory_space<vmem_shared>> -> memref<1000x128xf32, #tpu.memory_space<vmem_shared>>
        tpu.wait_dma2 semaphore(%run_scoped3A : memref<!tpu.dma_semaphore, #tpu.memory_space<semaphore_mem>>) src(%dma_wait3A_62 : memref<1000x128xf32, #tpu.memory_space<vmem_shared>>) dst(%dma_wait3A_60 : memref<1000x128xf32, #tpu.memory_space<hbm>>)
        tpu.yield
      }) : () -> ()
    } else {
    }
    return
  }
}

#map = affine_map<(d0, d1) -> (0, 0)>
#map1 = affine_map<(d0, d1) -> (0, 0, 0)>
module attributes {stable_mosaic.version = 14 : i64} {
  func.func @_edge_kernel(%arg0: i32, %arg1: i32, %arg2: memref<10000x128xf32, #tpu.memory_space<hbm>>, %arg3: memref<64x40x125xi32, #tpu.memory_space<hbm>>, %arg4: memref<64x40x125xi32, #tpu.memory_space<hbm>>, %arg5: memref<10000x128xf32, #tpu.memory_space<hbm>>, %arg6: memref<20000x128xf32, #tpu.memory_space<hbm>>, %arg7: memref<40x125xi32, #tpu.memory_space<vmem>>, %arg8: memref<40x125xi32, #tpu.memory_space<vmem>>, %arg9: memref<125x128xf32, #tpu.memory_space<vmem>>, %arg10: memref<125x128xf32, #tpu.memory_space<vmem>>, %arg11: memref<10000x128xf32, #tpu.memory_space<vmem_shared>>, %arg12: memref<!tpu.dma_semaphore, #tpu.memory_space<semaphore_mem>>, %arg13: memref<!tpu.dma_semaphore, #tpu.memory_space<semaphore_mem>>) attributes {dimension_semantics = [#tpu.dimension_semantics<core_parallel>, #tpu.dimension_semantics<subcore_parallel>], iteration_bounds = array<i64: 2, 16>, scalar_prefetch = 0 : i64, scratch_operands = 7 : i64, tpu.core_type = #tpu.core_type<sc_vector_subcore>, window_params = [{transform_indices = #map}, {transform_indices = #map1}, {transform_indices = #map1}, {transform_indices = #map}, {transform_indices = #map}]} {
    %mul3A = arith.constant 16 : i32
    %mul3A_0 = arith.muli %arg0, %mul3A : i32
    %add3A = arith.addi %mul3A_0, %arg1 : i32
    %lt3A = arith.constant 10 : i32
    %lt3A_1 = arith.cmpi slt, %arg1, %lt3A : i32
    %convert_element_type3A = arith.extui %lt3A_1 : i1 to i32
    %cond3A = arith.constant 0 : i32
    %cond3A_2 = arith.cmpi ne, %convert_element_type3A, %cond3A : i32
    scf.if %cond3A_2 {
      %mul3A_49 = arith.constant 1000 : i32
      %mul3A_50 = arith.muli %arg1, %mul3A_49 : i32
      %mul3A_51 = arith.constant 1000 : i32
      %mul3A_52 = arith.muli %arg1, %mul3A_51 : i32
      "tpu.region"() ({
        %run_scoped3A = tpu.sem_alloc : memref<!tpu.dma_semaphore, #tpu.memory_space<semaphore_mem>>
        %dma_start3A_53 = arith.constant 0 : i32
        %dma_start3A_54 = tpu.memref_slice %arg11[%mul3A_52, %dma_start3A_53] : memref<10000x128xf32, #tpu.memory_space<vmem_shared>> -> memref<1000x128xf32, #tpu.memory_space<vmem_shared>>
        %dma_start3A_55 = arith.constant 0 : i32
        %dma_start3A_56 = tpu.memref_slice %arg5[%mul3A_50, %dma_start3A_55] : memref<10000x128xf32, #tpu.memory_space<hbm>> -> memref<1000x128xf32, #tpu.memory_space<hbm>>
        tpu.enqueue_dma source(%dma_start3A_56 : memref<1000x128xf32, #tpu.memory_space<hbm>>) target(%dma_start3A_54 : memref<1000x128xf32, #tpu.memory_space<vmem_shared>>) target_semaphore(%run_scoped3A : memref<!tpu.dma_semaphore, #tpu.memory_space<semaphore_mem>>)
        %dma_wait3A = arith.constant 0 : i32
        %dma_wait3A_57 = tpu.memref_slice %arg11[%mul3A_52, %dma_wait3A] : memref<10000x128xf32, #tpu.memory_space<vmem_shared>> -> memref<1000x128xf32, #tpu.memory_space<vmem_shared>>
        %dma_wait3A_58 = arith.constant 0 : i32
        %dma_wait3A_59 = tpu.memref_slice %arg5[%mul3A_50, %dma_wait3A_58] : memref<10000x128xf32, #tpu.memory_space<hbm>> -> memref<1000x128xf32, #tpu.memory_space<hbm>>
        tpu.wait_dma2 semaphore(%run_scoped3A : memref<!tpu.dma_semaphore, #tpu.memory_space<semaphore_mem>>) src(%dma_wait3A_59 : memref<1000x128xf32, #tpu.memory_space<hbm>>) dst(%dma_wait3A_57 : memref<1000x128xf32, #tpu.memory_space<vmem_shared>>)
        tpu.yield
      }) : () -> ()
    } else {
    }
    %mul3A_3 = arith.constant 2 : i32
    %mul3A_4 = arith.muli %add3A, %mul3A_3 : i32
    %add3A_5 = arith.constant 0 : i32
    %add3A_6 = arith.addi %mul3A_4, %add3A_5 : i32
    "tpu.region"() ({
      %run_scoped3A = tpu.sem_alloc : memref<!tpu.dma_semaphore, #tpu.memory_space<semaphore_mem>>
      %dma_start3A_49 = arith.constant 0 : i32
      %dma_start3A_50 = arith.constant 0 : i32
      %dma_start3A_51 = tpu.memref_slice %arg3[%add3A_6, %dma_start3A_49, %dma_start3A_50] : memref<64x40x125xi32, #tpu.memory_space<hbm>> -> memref<1x40x125xi32, #tpu.memory_space<hbm>>
      %dma_start3A_52 = tpu.memref_squeeze %dma_start3A_51 : memref<1x40x125xi32, #tpu.memory_space<hbm>> -> memref<40x125xi32, #tpu.memory_space<hbm>>
      %dma_start3A_53 = arith.constant 0 : i32
      %dma_start3A_54 = arith.constant 0 : i32
      %dma_start3A_55 = tpu.memref_slice %arg3[%add3A_6, %dma_start3A_53, %dma_start3A_54] : memref<64x40x125xi32, #tpu.memory_space<hbm>> -> memref<1x40x125xi32, #tpu.memory_space<hbm>>
      %dma_start3A_56 = tpu.memref_squeeze %dma_start3A_55 : memref<1x40x125xi32, #tpu.memory_space<hbm>> -> memref<40x125xi32, #tpu.memory_space<hbm>>
      tpu.enqueue_dma source(%dma_start3A_56 : memref<40x125xi32, #tpu.memory_space<hbm>>) target(%arg7 : memref<40x125xi32, #tpu.memory_space<vmem>>) target_semaphore(%run_scoped3A : memref<!tpu.dma_semaphore, #tpu.memory_space<semaphore_mem>>)
      %dma_wait3A = arith.constant 0 : i32
      %dma_wait3A_57 = arith.constant 0 : i32
      %dma_wait3A_58 = tpu.memref_slice %arg3[%add3A_6, %dma_wait3A, %dma_wait3A_57] : memref<64x40x125xi32, #tpu.memory_space<hbm>> -> memref<1x40x125xi32, #tpu.memory_space<hbm>>
      %dma_wait3A_59 = tpu.memref_squeeze %dma_wait3A_58 : memref<1x40x125xi32, #tpu.memory_space<hbm>> -> memref<40x125xi32, #tpu.memory_space<hbm>>
      %dma_wait3A_60 = arith.constant 0 : i32
      %dma_wait3A_61 = arith.constant 0 : i32
      %dma_wait3A_62 = tpu.memref_slice %arg3[%add3A_6, %dma_wait3A_60, %dma_wait3A_61] : memref<64x40x125xi32, #tpu.memory_space<hbm>> -> memref<1x40x125xi32, #tpu.memory_space<hbm>>
      %dma_wait3A_63 = tpu.memref_squeeze %dma_wait3A_62 : memref<1x40x125xi32, #tpu.memory_space<hbm>> -> memref<40x125xi32, #tpu.memory_space<hbm>>
      tpu.wait_dma2 semaphore(%run_scoped3A : memref<!tpu.dma_semaphore, #tpu.memory_space<semaphore_mem>>) src(%dma_wait3A_63 : memref<40x125xi32, #tpu.memory_space<hbm>>) dst(%arg7 : memref<40x125xi32, #tpu.memory_space<vmem>>)
      tpu.yield
    }) : () -> ()
    %mul3A_7 = arith.constant 2 : i32
    %mul3A_8 = arith.muli %add3A, %mul3A_7 : i32
    %add3A_9 = arith.constant 0 : i32
    %add3A_10 = arith.addi %mul3A_8, %add3A_9 : i32
    "tpu.region"() ({
      %run_scoped3A = tpu.sem_alloc : memref<!tpu.dma_semaphore, #tpu.memory_space<semaphore_mem>>
      %dma_start3A_49 = arith.constant 0 : i32
      %dma_start3A_50 = arith.constant 0 : i32
      %dma_start3A_51 = tpu.memref_slice %arg4[%add3A_10, %dma_start3A_49, %dma_start3A_50] : memref<64x40x125xi32, #tpu.memory_space<hbm>> -> memref<1x40x125xi32, #tpu.memory_space<hbm>>
      %dma_start3A_52 = tpu.memref_squeeze %dma_start3A_51 : memref<1x40x125xi32, #tpu.memory_space<hbm>> -> memref<40x125xi32, #tpu.memory_space<hbm>>
      %dma_start3A_53 = arith.constant 0 : i32
      %dma_start3A_54 = arith.constant 0 : i32
      %dma_start3A_55 = tpu.memref_slice %arg4[%add3A_10, %dma_start3A_53, %dma_start3A_54] : memref<64x40x125xi32, #tpu.memory_space<hbm>> -> memref<1x40x125xi32, #tpu.memory_space<hbm>>
      %dma_start3A_56 = tpu.memref_squeeze %dma_start3A_55 : memref<1x40x125xi32, #tpu.memory_space<hbm>> -> memref<40x125xi32, #tpu.memory_space<hbm>>
      tpu.enqueue_dma source(%dma_start3A_56 : memref<40x125xi32, #tpu.memory_space<hbm>>) target(%arg8 : memref<40x125xi32, #tpu.memory_space<vmem>>) target_semaphore(%run_scoped3A : memref<!tpu.dma_semaphore, #tpu.memory_space<semaphore_mem>>)
      %dma_wait3A = arith.constant 0 : i32
      %dma_wait3A_57 = arith.constant 0 : i32
      %dma_wait3A_58 = tpu.memref_slice %arg4[%add3A_10, %dma_wait3A, %dma_wait3A_57] : memref<64x40x125xi32, #tpu.memory_space<hbm>> -> memref<1x40x125xi32, #tpu.memory_space<hbm>>
      %dma_wait3A_59 = tpu.memref_squeeze %dma_wait3A_58 : memref<1x40x125xi32, #tpu.memory_space<hbm>> -> memref<40x125xi32, #tpu.memory_space<hbm>>
      %dma_wait3A_60 = arith.constant 0 : i32
      %dma_wait3A_61 = arith.constant 0 : i32
      %dma_wait3A_62 = tpu.memref_slice %arg4[%add3A_10, %dma_wait3A_60, %dma_wait3A_61] : memref<64x40x125xi32, #tpu.memory_space<hbm>> -> memref<1x40x125xi32, #tpu.memory_space<hbm>>
      %dma_wait3A_63 = tpu.memref_squeeze %dma_wait3A_62 : memref<1x40x125xi32, #tpu.memory_space<hbm>> -> memref<40x125xi32, #tpu.memory_space<hbm>>
      tpu.wait_dma2 semaphore(%run_scoped3A : memref<!tpu.dma_semaphore, #tpu.memory_space<semaphore_mem>>) src(%dma_wait3A_63 : memref<40x125xi32, #tpu.memory_space<hbm>>) dst(%arg8 : memref<40x125xi32, #tpu.memory_space<vmem>>)
      tpu.yield
    }) : () -> ()
    %barrier3A = arith.constant 0 : index
    tpu.barrier barrier_id(%barrier3A)
    %dma_start3A = arith.constant 0 : i32
    %dma_start3A_11 = arith.constant 0 : i32
    %dma_start3A_12 = tpu.memref_slice %arg7[%dma_start3A, %dma_start3A_11] : memref<40x125xi32, #tpu.memory_space<vmem>> -> memref<1x125xi32, #tpu.memory_space<vmem>>
    %dma_start3A_13 = tpu.memref_squeeze %dma_start3A_12 : memref<1x125xi32, #tpu.memory_space<vmem>> -> memref<125xi32, #tpu.memory_space<vmem>>
    %dma_start3A_14 = arith.constant 0 : i32
    %dma_start3A_15 = arith.constant 0 : i32
    %dma_start3A_16 = tpu.memref_slice %arg2[%dma_start3A_14, %dma_start3A_15] : memref<10000x128xf32, #tpu.memory_space<hbm>> -> memref<10000x128xf32, #tpu.memory_space<hbm>>
    tpu.enqueue_indirect_dma source(%dma_start3A_16 : memref<10000x128xf32, #tpu.memory_space<hbm>>) target(%arg9 : memref<125x128xf32, #tpu.memory_space<vmem>>) offsets(%dma_start3A_13 : memref<125xi32, #tpu.memory_space<vmem>>) semaphore(%arg12 : memref<!tpu.dma_semaphore, #tpu.memory_space<semaphore_mem>>)
    %scan3A = arith.constant 0 : i32
    %scan3A_17 = arith.constant 0 : i32
    %scan3A_18 = arith.constant 20 : i32
    %scan3A_19 = arith.addi %scan3A_17, %scan3A_18 : i32
    %scan3A_20 = arith.constant 1 : i32
    scf.for %scan3A_49 = %scan3A_17 to %scan3A_19 step %scan3A_20  : i32 {
      %mul3A_50 = arith.constant 2 : i32
      %mul3A_51 = arith.muli %mul3A_50, %scan3A_49 : i32
      %add3A_52 = arith.constant 1 : i32
      %add3A_53 = arith.addi %mul3A_51, %add3A_52 : i32
      %dma_start3A_54 = arith.constant 0 : i32
      %dma_start3A_55 = tpu.memref_slice %arg7[%add3A_53, %dma_start3A_54] : memref<40x125xi32, #tpu.memory_space<vmem>> -> memref<1x125xi32, #tpu.memory_space<vmem>>
      %dma_start3A_56 = tpu.memref_squeeze %dma_start3A_55 : memref<1x125xi32, #tpu.memory_space<vmem>> -> memref<125xi32, #tpu.memory_space<vmem>>
      %dma_start3A_57 = arith.constant 0 : i32
      %dma_start3A_58 = arith.constant 0 : i32
      %dma_start3A_59 = tpu.memref_slice %arg2[%dma_start3A_57, %dma_start3A_58] : memref<10000x128xf32, #tpu.memory_space<hbm>> -> memref<10000x128xf32, #tpu.memory_space<hbm>>
      tpu.enqueue_indirect_dma source(%dma_start3A_59 : memref<10000x128xf32, #tpu.memory_space<hbm>>) target(%arg10 : memref<125x128xf32, #tpu.memory_space<vmem>>) offsets(%dma_start3A_56 : memref<125xi32, #tpu.memory_space<vmem>>) semaphore(%arg13 : memref<!tpu.dma_semaphore, #tpu.memory_space<semaphore_mem>>)
      %dma_wait3A = arith.constant 0 : i32
      %dma_wait3A_60 = arith.constant 0 : i32
      %dma_wait3A_61 = tpu.memref_slice %arg7[%dma_wait3A, %dma_wait3A_60] : memref<40x125xi32, #tpu.memory_space<vmem>> -> memref<1x125xi32, #tpu.memory_space<vmem>>
      %dma_wait3A_62 = tpu.memref_squeeze %dma_wait3A_61 : memref<1x125xi32, #tpu.memory_space<vmem>> -> memref<125xi32, #tpu.memory_space<vmem>>
      %dma_wait3A_63 = arith.constant 0 : i32
      %dma_wait3A_64 = arith.constant 0 : i32
      %dma_wait3A_65 = tpu.memref_slice %arg2[%dma_wait3A_63, %dma_wait3A_64] : memref<10000x128xf32, #tpu.memory_space<hbm>> -> memref<10000x128xf32, #tpu.memory_space<hbm>>
      tpu.wait_indirect_dma semaphore(%arg12 : memref<!tpu.dma_semaphore, #tpu.memory_space<semaphore_mem>>) src(%dma_wait3A_65 : memref<10000x128xf32, #tpu.memory_space<hbm>>) dst(%arg9 : memref<125x128xf32, #tpu.memory_space<vmem>>)
      "tpu.region"() ({
        %run_scoped3A = tpu.sem_alloc : memref<!tpu.dma_semaphore, #tpu.memory_space<semaphore_mem>>
        %dma_start3A_80 = arith.constant 0 : i32
        %dma_start3A_81 = tpu.memref_slice %arg8[%mul3A_51, %dma_start3A_80] : memref<40x125xi32, #tpu.memory_space<vmem>> -> memref<1x125xi32, #tpu.memory_space<vmem>>
        %dma_start3A_82 = tpu.memref_squeeze %dma_start3A_81 : memref<1x125xi32, #tpu.memory_space<vmem>> -> memref<125xi32, #tpu.memory_space<vmem>>
        %dma_start3A_83 = arith.constant 0 : i32
        %dma_start3A_84 = arith.constant 0 : i32
        %dma_start3A_85 = tpu.memref_slice %arg11[%dma_start3A_83, %dma_start3A_84] : memref<10000x128xf32, #tpu.memory_space<vmem_shared>> -> memref<10000x128xf32, #tpu.memory_space<vmem_shared>>
        tpu.enqueue_indirect_dma source(%arg9 : memref<125x128xf32, #tpu.memory_space<vmem>>) target(%dma_start3A_85 : memref<10000x128xf32, #tpu.memory_space<vmem_shared>>) offsets(%dma_start3A_82 : memref<125xi32, #tpu.memory_space<vmem>>) semaphore(%run_scoped3A : memref<!tpu.dma_semaphore, #tpu.memory_space<semaphore_mem>>) {add = true}
        %dma_wait3A_86 = arith.constant 0 : i32
        %dma_wait3A_87 = tpu.memref_slice %arg8[%mul3A_51, %dma_wait3A_86] : memref<40x125xi32, #tpu.memory_space<vmem>> -> memref<1x125xi32, #tpu.memory_space<vmem>>
        %dma_wait3A_88 = tpu.memref_squeeze %dma_wait3A_87 : memref<1x125xi32, #tpu.memory_space<vmem>> -> memref<125xi32, #tpu.memory_space<vmem>>
        %dma_wait3A_89 = arith.constant 0 : i32
        %dma_wait3A_90 = arith.constant 0 : i32
        %dma_wait3A_91 = tpu.memref_slice %arg11[%dma_wait3A_89, %dma_wait3A_90] : memref<10000x128xf32, #tpu.memory_space<vmem_shared>> -> memref<10000x128xf32, #tpu.memory_space<vmem_shared>>
        tpu.wait_indirect_dma semaphore(%run_scoped3A : memref<!tpu.dma_semaphore, #tpu.memory_space<semaphore_mem>>) src(%arg9 : memref<125x128xf32, #tpu.memory_space<vmem>>) dst(%dma_wait3A_91 : memref<10000x128xf32, #tpu.memory_space<vmem_shared>>)
        tpu.yield
      }) : () -> ()
      %lt3A_66 = arith.constant 19 : i32
      %lt3A_67 = arith.cmpi slt, %scan3A_49, %lt3A_66 : i32
      %convert_element_type3A_68 = arith.extui %lt3A_67 : i1 to i32
      %cond3A_69 = arith.constant 0 : i32
      %cond3A_70 = arith.cmpi ne, %convert_element_type3A_68, %cond3A_69 : i32
      scf.if %cond3A_70 {
        %add3A_80 = arith.constant 2 : i32
        %add3A_81 = arith.addi %mul3A_51, %add3A_80 : i32
        %dma_start3A_82 = arith.constant 0 : i32
        %dma_start3A_83 = tpu.memref_slice %arg7[%add3A_81, %dma_start3A_82] : memref<40x125xi32, #tpu.memory_space<vmem>> -> memref<1x125xi32, #tpu.memory_space<vmem>>
        %dma_start3A_84 = tpu.memref_squeeze %dma_start3A_83 : memref<1x125xi32, #tpu.memory_space<vmem>> -> memref<125xi32, #tpu.memory_space<vmem>>
        %dma_start3A_85 = arith.constant 0 : i32
        %dma_start3A_86 = arith.constant 0 : i32
        %dma_start3A_87 = tpu.memref_slice %arg2[%dma_start3A_85, %dma_start3A_86] : memref<10000x128xf32, #tpu.memory_space<hbm>> -> memref<10000x128xf32, #tpu.memory_space<hbm>>
        tpu.enqueue_indirect_dma source(%dma_start3A_87 : memref<10000x128xf32, #tpu.memory_space<hbm>>) target(%arg9 : memref<125x128xf32, #tpu.memory_space<vmem>>) offsets(%dma_start3A_84 : memref<125xi32, #tpu.memory_space<vmem>>) semaphore(%arg12 : memref<!tpu.dma_semaphore, #tpu.memory_space<semaphore_mem>>)
      } else {
      }
      %dma_wait3A_71 = arith.constant 0 : i32
      %dma_wait3A_72 = arith.constant 0 : i32
      %dma_wait3A_73 = tpu.memref_slice %arg7[%dma_wait3A_71, %dma_wait3A_72] : memref<40x125xi32, #tpu.memory_space<vmem>> -> memref<1x125xi32, #tpu.memory_space<vmem>>
      %dma_wait3A_74 = tpu.memref_squeeze %dma_wait3A_73 : memref<1x125xi32, #tpu.memory_space<vmem>> -> memref<125xi32, #tpu.memory_space<vmem>>
      %dma_wait3A_75 = arith.constant 0 : i32
      %dma_wait3A_76 = arith.constant 0 : i32
      %dma_wait3A_77 = tpu.memref_slice %arg2[%dma_wait3A_75, %dma_wait3A_76] : memref<10000x128xf32, #tpu.memory_space<hbm>> -> memref<10000x128xf32, #tpu.memory_space<hbm>>
      tpu.wait_indirect_dma semaphore(%arg13 : memref<!tpu.dma_semaphore, #tpu.memory_space<semaphore_mem>>) src(%dma_wait3A_77 : memref<10000x128xf32, #tpu.memory_space<hbm>>) dst(%arg10 : memref<125x128xf32, #tpu.memory_space<vmem>>)
      %add3A_78 = arith.constant 1 : i32
      %add3A_79 = arith.addi %mul3A_51, %add3A_78 : i32
      "tpu.region"() ({
        %run_scoped3A = tpu.sem_alloc : memref<!tpu.dma_semaphore, #tpu.memory_space<semaphore_mem>>
        %dma_start3A_80 = arith.constant 0 : i32
        %dma_start3A_81 = tpu.memref_slice %arg8[%add3A_79, %dma_start3A_80] : memref<40x125xi32, #tpu.memory_space<vmem>> -> memref<1x125xi32, #tpu.memory_space<vmem>>
        %dma_start3A_82 = tpu.memref_squeeze %dma_start3A_81 : memref<1x125xi32, #tpu.memory_space<vmem>> -> memref<125xi32, #tpu.memory_space<vmem>>
        %dma_start3A_83 = arith.constant 0 : i32
        %dma_start3A_84 = arith.constant 0 : i32
        %dma_start3A_85 = tpu.memref_slice %arg11[%dma_start3A_83, %dma_start3A_84] : memref<10000x128xf32, #tpu.memory_space<vmem_shared>> -> memref<10000x128xf32, #tpu.memory_space<vmem_shared>>
        tpu.enqueue_indirect_dma source(%arg10 : memref<125x128xf32, #tpu.memory_space<vmem>>) target(%dma_start3A_85 : memref<10000x128xf32, #tpu.memory_space<vmem_shared>>) offsets(%dma_start3A_82 : memref<125xi32, #tpu.memory_space<vmem>>) semaphore(%run_scoped3A : memref<!tpu.dma_semaphore, #tpu.memory_space<semaphore_mem>>) {add = true}
        %dma_wait3A_86 = arith.constant 0 : i32
        %dma_wait3A_87 = tpu.memref_slice %arg8[%add3A_79, %dma_wait3A_86] : memref<40x125xi32, #tpu.memory_space<vmem>> -> memref<1x125xi32, #tpu.memory_space<vmem>>
        %dma_wait3A_88 = tpu.memref_squeeze %dma_wait3A_87 : memref<1x125xi32, #tpu.memory_space<vmem>> -> memref<125xi32, #tpu.memory_space<vmem>>
        %dma_wait3A_89 = arith.constant 0 : i32
        %dma_wait3A_90 = arith.constant 0 : i32
        %dma_wait3A_91 = tpu.memref_slice %arg11[%dma_wait3A_89, %dma_wait3A_90] : memref<10000x128xf32, #tpu.memory_space<vmem_shared>> -> memref<10000x128xf32, #tpu.memory_space<vmem_shared>>
        tpu.wait_indirect_dma semaphore(%run_scoped3A : memref<!tpu.dma_semaphore, #tpu.memory_space<semaphore_mem>>) src(%arg10 : memref<125x128xf32, #tpu.memory_space<vmem>>) dst(%dma_wait3A_91 : memref<10000x128xf32, #tpu.memory_space<vmem_shared>>)
        tpu.yield
      }) : () -> ()
    }
    %scan3A_21 = arith.constant 20 : i32
    %mul3A_22 = arith.constant 2 : i32
    %mul3A_23 = arith.muli %add3A, %mul3A_22 : i32
    %add3A_24 = arith.constant 1 : i32
    %add3A_25 = arith.addi %mul3A_23, %add3A_24 : i32
    "tpu.region"() ({
      %run_scoped3A = tpu.sem_alloc : memref<!tpu.dma_semaphore, #tpu.memory_space<semaphore_mem>>
      %dma_start3A_49 = arith.constant 0 : i32
      %dma_start3A_50 = arith.constant 0 : i32
      %dma_start3A_51 = tpu.memref_slice %arg3[%add3A_25, %dma_start3A_49, %dma_start3A_50] : memref<64x40x125xi32, #tpu.memory_space<hbm>> -> memref<1x40x125xi32, #tpu.memory_space<hbm>>
      %dma_start3A_52 = tpu.memref_squeeze %dma_start3A_51 : memref<1x40x125xi32, #tpu.memory_space<hbm>> -> memref<40x125xi32, #tpu.memory_space<hbm>>
      %dma_start3A_53 = arith.constant 0 : i32
      %dma_start3A_54 = arith.constant 0 : i32
      %dma_start3A_55 = tpu.memref_slice %arg3[%add3A_25, %dma_start3A_53, %dma_start3A_54] : memref<64x40x125xi32, #tpu.memory_space<hbm>> -> memref<1x40x125xi32, #tpu.memory_space<hbm>>
      %dma_start3A_56 = tpu.memref_squeeze %dma_start3A_55 : memref<1x40x125xi32, #tpu.memory_space<hbm>> -> memref<40x125xi32, #tpu.memory_space<hbm>>
      tpu.enqueue_dma source(%dma_start3A_56 : memref<40x125xi32, #tpu.memory_space<hbm>>) target(%arg7 : memref<40x125xi32, #tpu.memory_space<vmem>>) target_semaphore(%run_scoped3A : memref<!tpu.dma_semaphore, #tpu.memory_space<semaphore_mem>>)
      %dma_wait3A = arith.constant 0 : i32
      %dma_wait3A_57 = arith.constant 0 : i32
      %dma_wait3A_58 = tpu.memref_slice %arg3[%add3A_25, %dma_wait3A, %dma_wait3A_57] : memref<64x40x125xi32, #tpu.memory_space<hbm>> -> memref<1x40x125xi32, #tpu.memory_space<hbm>>
      %dma_wait3A_59 = tpu.memref_squeeze %dma_wait3A_58 : memref<1x40x125xi32, #tpu.memory_space<hbm>> -> memref<40x125xi32, #tpu.memory_space<hbm>>
      %dma_wait3A_60 = arith.constant 0 : i32
      %dma_wait3A_61 = arith.constant 0 : i32
      %dma_wait3A_62 = tpu.memref_slice %arg3[%add3A_25, %dma_wait3A_60, %dma_wait3A_61] : memref<64x40x125xi32, #tpu.memory_space<hbm>> -> memref<1x40x125xi32, #tpu.memory_space<hbm>>
      %dma_wait3A_63 = tpu.memref_squeeze %dma_wait3A_62 : memref<1x40x125xi32, #tpu.memory_space<hbm>> -> memref<40x125xi32, #tpu.memory_space<hbm>>
      tpu.wait_dma2 semaphore(%run_scoped3A : memref<!tpu.dma_semaphore, #tpu.memory_space<semaphore_mem>>) src(%dma_wait3A_63 : memref<40x125xi32, #tpu.memory_space<hbm>>) dst(%arg7 : memref<40x125xi32, #tpu.memory_space<vmem>>)
      tpu.yield
    }) : () -> ()
    %mul3A_26 = arith.constant 2 : i32
    %mul3A_27 = arith.muli %add3A, %mul3A_26 : i32
    %add3A_28 = arith.constant 1 : i32
    %add3A_29 = arith.addi %mul3A_27, %add3A_28 : i32
    "tpu.region"() ({
      %run_scoped3A = tpu.sem_alloc : memref<!tpu.dma_semaphore, #tpu.memory_space<semaphore_mem>>
      %dma_start3A_49 = arith.constant 0 : i32
      %dma_start3A_50 = arith.constant 0 : i32
      %dma_start3A_51 = tpu.memref_slice %arg4[%add3A_29, %dma_start3A_49, %dma_start3A_50] : memref<64x40x125xi32, #tpu.memory_space<hbm>> -> memref<1x40x125xi32, #tpu.memory_space<hbm>>
      %dma_start3A_52 = tpu.memref_squeeze %dma_start3A_51 : memref<1x40x125xi32, #tpu.memory_space<hbm>> -> memref<40x125xi32, #tpu.memory_space<hbm>>
      %dma_start3A_53 = arith.constant 0 : i32
      %dma_start3A_54 = arith.constant 0 : i32
      %dma_start3A_55 = tpu.memref_slice %arg4[%add3A_29, %dma_start3A_53, %dma_start3A_54] : memref<64x40x125xi32, #tpu.memory_space<hbm>> -> memref<1x40x125xi32, #tpu.memory_space<hbm>>
      %dma_start3A_56 = tpu.memref_squeeze %dma_start3A_55 : memref<1x40x125xi32, #tpu.memory_space<hbm>> -> memref<40x125xi32, #tpu.memory_space<hbm>>
      tpu.enqueue_dma source(%dma_start3A_56 : memref<40x125xi32, #tpu.memory_space<hbm>>) target(%arg8 : memref<40x125xi32, #tpu.memory_space<vmem>>) target_semaphore(%run_scoped3A : memref<!tpu.dma_semaphore, #tpu.memory_space<semaphore_mem>>)
      %dma_wait3A = arith.constant 0 : i32
      %dma_wait3A_57 = arith.constant 0 : i32
      %dma_wait3A_58 = tpu.memref_slice %arg4[%add3A_29, %dma_wait3A, %dma_wait3A_57] : memref<64x40x125xi32, #tpu.memory_space<hbm>> -> memref<1x40x125xi32, #tpu.memory_space<hbm>>
      %dma_wait3A_59 = tpu.memref_squeeze %dma_wait3A_58 : memref<1x40x125xi32, #tpu.memory_space<hbm>> -> memref<40x125xi32, #tpu.memory_space<hbm>>
      %dma_wait3A_60 = arith.constant 0 : i32
      %dma_wait3A_61 = arith.constant 0 : i32
      %dma_wait3A_62 = tpu.memref_slice %arg4[%add3A_29, %dma_wait3A_60, %dma_wait3A_61] : memref<64x40x125xi32, #tpu.memory_space<hbm>> -> memref<1x40x125xi32, #tpu.memory_space<hbm>>
      %dma_wait3A_63 = tpu.memref_squeeze %dma_wait3A_62 : memref<1x40x125xi32, #tpu.memory_space<hbm>> -> memref<40x125xi32, #tpu.memory_space<hbm>>
      tpu.wait_dma2 semaphore(%run_scoped3A : memref<!tpu.dma_semaphore, #tpu.memory_space<semaphore_mem>>) src(%dma_wait3A_63 : memref<40x125xi32, #tpu.memory_space<hbm>>) dst(%arg8 : memref<40x125xi32, #tpu.memory_space<vmem>>)
      tpu.yield
    }) : () -> ()
    %dma_start3A_30 = arith.constant 0 : i32
    %dma_start3A_31 = arith.constant 0 : i32
    %dma_start3A_32 = tpu.memref_slice %arg7[%dma_start3A_30, %dma_start3A_31] : memref<40x125xi32, #tpu.memory_space<vmem>> -> memref<1x125xi32, #tpu.memory_space<vmem>>
    %dma_start3A_33 = tpu.memref_squeeze %dma_start3A_32 : memref<1x125xi32, #tpu.memory_space<vmem>> -> memref<125xi32, #tpu.memory_space<vmem>>
    %dma_start3A_34 = arith.constant 0 : i32
    %dma_start3A_35 = arith.constant 0 : i32
    %dma_start3A_36 = tpu.memref_slice %arg2[%dma_start3A_34, %dma_start3A_35] : memref<10000x128xf32, #tpu.memory_space<hbm>> -> memref<10000x128xf32, #tpu.memory_space<hbm>>
    tpu.enqueue_indirect_dma source(%dma_start3A_36 : memref<10000x128xf32, #tpu.memory_space<hbm>>) target(%arg9 : memref<125x128xf32, #tpu.memory_space<vmem>>) offsets(%dma_start3A_33 : memref<125xi32, #tpu.memory_space<vmem>>) semaphore(%arg12 : memref<!tpu.dma_semaphore, #tpu.memory_space<semaphore_mem>>)
    %scan3A_37 = arith.constant 0 : i32
    %scan3A_38 = arith.constant 0 : i32
    %scan3A_39 = arith.constant 20 : i32
    %scan3A_40 = arith.addi %scan3A_38, %scan3A_39 : i32
    %scan3A_41 = arith.constant 1 : i32
    scf.for %scan3A_49 = %scan3A_38 to %scan3A_40 step %scan3A_41  : i32 {
      %mul3A_50 = arith.constant 2 : i32
      %mul3A_51 = arith.muli %mul3A_50, %scan3A_49 : i32
      %add3A_52 = arith.constant 1 : i32
      %add3A_53 = arith.addi %mul3A_51, %add3A_52 : i32
      %dma_start3A_54 = arith.constant 0 : i32
      %dma_start3A_55 = tpu.memref_slice %arg7[%add3A_53, %dma_start3A_54] : memref<40x125xi32, #tpu.memory_space<vmem>> -> memref<1x125xi32, #tpu.memory_space<vmem>>
      %dma_start3A_56 = tpu.memref_squeeze %dma_start3A_55 : memref<1x125xi32, #tpu.memory_space<vmem>> -> memref<125xi32, #tpu.memory_space<vmem>>
      %dma_start3A_57 = arith.constant 0 : i32
      %dma_start3A_58 = arith.constant 0 : i32
      %dma_start3A_59 = tpu.memref_slice %arg2[%dma_start3A_57, %dma_start3A_58] : memref<10000x128xf32, #tpu.memory_space<hbm>> -> memref<10000x128xf32, #tpu.memory_space<hbm>>
      tpu.enqueue_indirect_dma source(%dma_start3A_59 : memref<10000x128xf32, #tpu.memory_space<hbm>>) target(%arg10 : memref<125x128xf32, #tpu.memory_space<vmem>>) offsets(%dma_start3A_56 : memref<125xi32, #tpu.memory_space<vmem>>) semaphore(%arg13 : memref<!tpu.dma_semaphore, #tpu.memory_space<semaphore_mem>>)
      %dma_wait3A = arith.constant 0 : i32
      %dma_wait3A_60 = arith.constant 0 : i32
      %dma_wait3A_61 = tpu.memref_slice %arg7[%dma_wait3A, %dma_wait3A_60] : memref<40x125xi32, #tpu.memory_space<vmem>> -> memref<1x125xi32, #tpu.memory_space<vmem>>
      %dma_wait3A_62 = tpu.memref_squeeze %dma_wait3A_61 : memref<1x125xi32, #tpu.memory_space<vmem>> -> memref<125xi32, #tpu.memory_space<vmem>>
      %dma_wait3A_63 = arith.constant 0 : i32
      %dma_wait3A_64 = arith.constant 0 : i32
      %dma_wait3A_65 = tpu.memref_slice %arg2[%dma_wait3A_63, %dma_wait3A_64] : memref<10000x128xf32, #tpu.memory_space<hbm>> -> memref<10000x128xf32, #tpu.memory_space<hbm>>
      tpu.wait_indirect_dma semaphore(%arg12 : memref<!tpu.dma_semaphore, #tpu.memory_space<semaphore_mem>>) src(%dma_wait3A_65 : memref<10000x128xf32, #tpu.memory_space<hbm>>) dst(%arg9 : memref<125x128xf32, #tpu.memory_space<vmem>>)
      "tpu.region"() ({
        %run_scoped3A = tpu.sem_alloc : memref<!tpu.dma_semaphore, #tpu.memory_space<semaphore_mem>>
        %dma_start3A_80 = arith.constant 0 : i32
        %dma_start3A_81 = tpu.memref_slice %arg8[%mul3A_51, %dma_start3A_80] : memref<40x125xi32, #tpu.memory_space<vmem>> -> memref<1x125xi32, #tpu.memory_space<vmem>>
        %dma_start3A_82 = tpu.memref_squeeze %dma_start3A_81 : memref<1x125xi32, #tpu.memory_space<vmem>> -> memref<125xi32, #tpu.memory_space<vmem>>
        %dma_start3A_83 = arith.constant 0 : i32
        %dma_start3A_84 = arith.constant 0 : i32
        %dma_start3A_85 = tpu.memref_slice %arg11[%dma_start3A_83, %dma_start3A_84] : memref<10000x128xf32, #tpu.memory_space<vmem_shared>> -> memref<10000x128xf32, #tpu.memory_space<vmem_shared>>
        tpu.enqueue_indirect_dma source(%arg9 : memref<125x128xf32, #tpu.memory_space<vmem>>) target(%dma_start3A_85 : memref<10000x128xf32, #tpu.memory_space<vmem_shared>>) offsets(%dma_start3A_82 : memref<125xi32, #tpu.memory_space<vmem>>) semaphore(%run_scoped3A : memref<!tpu.dma_semaphore, #tpu.memory_space<semaphore_mem>>) {add = true}
        %dma_wait3A_86 = arith.constant 0 : i32
        %dma_wait3A_87 = tpu.memref_slice %arg8[%mul3A_51, %dma_wait3A_86] : memref<40x125xi32, #tpu.memory_space<vmem>> -> memref<1x125xi32, #tpu.memory_space<vmem>>
        %dma_wait3A_88 = tpu.memref_squeeze %dma_wait3A_87 : memref<1x125xi32, #tpu.memory_space<vmem>> -> memref<125xi32, #tpu.memory_space<vmem>>
        %dma_wait3A_89 = arith.constant 0 : i32
        %dma_wait3A_90 = arith.constant 0 : i32
        %dma_wait3A_91 = tpu.memref_slice %arg11[%dma_wait3A_89, %dma_wait3A_90] : memref<10000x128xf32, #tpu.memory_space<vmem_shared>> -> memref<10000x128xf32, #tpu.memory_space<vmem_shared>>
        tpu.wait_indirect_dma semaphore(%run_scoped3A : memref<!tpu.dma_semaphore, #tpu.memory_space<semaphore_mem>>) src(%arg9 : memref<125x128xf32, #tpu.memory_space<vmem>>) dst(%dma_wait3A_91 : memref<10000x128xf32, #tpu.memory_space<vmem_shared>>)
        tpu.yield
      }) : () -> ()
      %lt3A_66 = arith.constant 19 : i32
      %lt3A_67 = arith.cmpi slt, %scan3A_49, %lt3A_66 : i32
      %convert_element_type3A_68 = arith.extui %lt3A_67 : i1 to i32
      %cond3A_69 = arith.constant 0 : i32
      %cond3A_70 = arith.cmpi ne, %convert_element_type3A_68, %cond3A_69 : i32
      scf.if %cond3A_70 {
        %add3A_80 = arith.constant 2 : i32
        %add3A_81 = arith.addi %mul3A_51, %add3A_80 : i32
        %dma_start3A_82 = arith.constant 0 : i32
        %dma_start3A_83 = tpu.memref_slice %arg7[%add3A_81, %dma_start3A_82] : memref<40x125xi32, #tpu.memory_space<vmem>> -> memref<1x125xi32, #tpu.memory_space<vmem>>
        %dma_start3A_84 = tpu.memref_squeeze %dma_start3A_83 : memref<1x125xi32, #tpu.memory_space<vmem>> -> memref<125xi32, #tpu.memory_space<vmem>>
        %dma_start3A_85 = arith.constant 0 : i32
        %dma_start3A_86 = arith.constant 0 : i32
        %dma_start3A_87 = tpu.memref_slice %arg2[%dma_start3A_85, %dma_start3A_86] : memref<10000x128xf32, #tpu.memory_space<hbm>> -> memref<10000x128xf32, #tpu.memory_space<hbm>>
        tpu.enqueue_indirect_dma source(%dma_start3A_87 : memref<10000x128xf32, #tpu.memory_space<hbm>>) target(%arg9 : memref<125x128xf32, #tpu.memory_space<vmem>>) offsets(%dma_start3A_84 : memref<125xi32, #tpu.memory_space<vmem>>) semaphore(%arg12 : memref<!tpu.dma_semaphore, #tpu.memory_space<semaphore_mem>>)
      } else {
      }
      %dma_wait3A_71 = arith.constant 0 : i32
      %dma_wait3A_72 = arith.constant 0 : i32
      %dma_wait3A_73 = tpu.memref_slice %arg7[%dma_wait3A_71, %dma_wait3A_72] : memref<40x125xi32, #tpu.memory_space<vmem>> -> memref<1x125xi32, #tpu.memory_space<vmem>>
      %dma_wait3A_74 = tpu.memref_squeeze %dma_wait3A_73 : memref<1x125xi32, #tpu.memory_space<vmem>> -> memref<125xi32, #tpu.memory_space<vmem>>
      %dma_wait3A_75 = arith.constant 0 : i32
      %dma_wait3A_76 = arith.constant 0 : i32
      %dma_wait3A_77 = tpu.memref_slice %arg2[%dma_wait3A_75, %dma_wait3A_76] : memref<10000x128xf32, #tpu.memory_space<hbm>> -> memref<10000x128xf32, #tpu.memory_space<hbm>>
      tpu.wait_indirect_dma semaphore(%arg13 : memref<!tpu.dma_semaphore, #tpu.memory_space<semaphore_mem>>) src(%dma_wait3A_77 : memref<10000x128xf32, #tpu.memory_space<hbm>>) dst(%arg10 : memref<125x128xf32, #tpu.memory_space<vmem>>)
      %add3A_78 = arith.constant 1 : i32
      %add3A_79 = arith.addi %mul3A_51, %add3A_78 : i32
      "tpu.region"() ({
        %run_scoped3A = tpu.sem_alloc : memref<!tpu.dma_semaphore, #tpu.memory_space<semaphore_mem>>
        %dma_start3A_80 = arith.constant 0 : i32
        %dma_start3A_81 = tpu.memref_slice %arg8[%add3A_79, %dma_start3A_80] : memref<40x125xi32, #tpu.memory_space<vmem>> -> memref<1x125xi32, #tpu.memory_space<vmem>>
        %dma_start3A_82 = tpu.memref_squeeze %dma_start3A_81 : memref<1x125xi32, #tpu.memory_space<vmem>> -> memref<125xi32, #tpu.memory_space<vmem>>
        %dma_start3A_83 = arith.constant 0 : i32
        %dma_start3A_84 = arith.constant 0 : i32
        %dma_start3A_85 = tpu.memref_slice %arg11[%dma_start3A_83, %dma_start3A_84] : memref<10000x128xf32, #tpu.memory_space<vmem_shared>> -> memref<10000x128xf32, #tpu.memory_space<vmem_shared>>
        tpu.enqueue_indirect_dma source(%arg10 : memref<125x128xf32, #tpu.memory_space<vmem>>) target(%dma_start3A_85 : memref<10000x128xf32, #tpu.memory_space<vmem_shared>>) offsets(%dma_start3A_82 : memref<125xi32, #tpu.memory_space<vmem>>) semaphore(%run_scoped3A : memref<!tpu.dma_semaphore, #tpu.memory_space<semaphore_mem>>) {add = true}
        %dma_wait3A_86 = arith.constant 0 : i32
        %dma_wait3A_87 = tpu.memref_slice %arg8[%add3A_79, %dma_wait3A_86] : memref<40x125xi32, #tpu.memory_space<vmem>> -> memref<1x125xi32, #tpu.memory_space<vmem>>
        %dma_wait3A_88 = tpu.memref_squeeze %dma_wait3A_87 : memref<1x125xi32, #tpu.memory_space<vmem>> -> memref<125xi32, #tpu.memory_space<vmem>>
        %dma_wait3A_89 = arith.constant 0 : i32
        %dma_wait3A_90 = arith.constant 0 : i32
        %dma_wait3A_91 = tpu.memref_slice %arg11[%dma_wait3A_89, %dma_wait3A_90] : memref<10000x128xf32, #tpu.memory_space<vmem_shared>> -> memref<10000x128xf32, #tpu.memory_space<vmem_shared>>
        tpu.wait_indirect_dma semaphore(%run_scoped3A : memref<!tpu.dma_semaphore, #tpu.memory_space<semaphore_mem>>) src(%arg10 : memref<125x128xf32, #tpu.memory_space<vmem>>) dst(%dma_wait3A_91 : memref<10000x128xf32, #tpu.memory_space<vmem_shared>>)
        tpu.yield
      }) : () -> ()
    }
    %scan3A_42 = arith.constant 20 : i32
    %barrier3A_43 = arith.constant 0 : index
    tpu.barrier barrier_id(%barrier3A_43)
    %lt3A_44 = arith.constant 10 : i32
    %lt3A_45 = arith.cmpi slt, %arg1, %lt3A_44 : i32
    %convert_element_type3A_46 = arith.extui %lt3A_45 : i1 to i32
    %cond3A_47 = arith.constant 0 : i32
    %cond3A_48 = arith.cmpi ne, %convert_element_type3A_46, %cond3A_47 : i32
    scf.if %cond3A_48 {
      %mul3A_49 = arith.constant 1000 : i32
      %mul3A_50 = arith.muli %arg1, %mul3A_49 : i32
      %mul3A_51 = arith.constant 10000 : i32
      %mul3A_52 = arith.muli %arg0, %mul3A_51 : i32
      %mul3A_53 = arith.constant 1000 : i32
      %mul3A_54 = arith.muli %arg1, %mul3A_53 : i32
      %add3A_55 = arith.addi %mul3A_52, %mul3A_54 : i32
      "tpu.region"() ({
        %run_scoped3A = tpu.sem_alloc : memref<!tpu.dma_semaphore, #tpu.memory_space<semaphore_mem>>
        %dma_start3A_56 = arith.constant 0 : i32
        %dma_start3A_57 = tpu.memref_slice %arg6[%add3A_55, %dma_start3A_56] : memref<20000x128xf32, #tpu.memory_space<hbm>> -> memref<1000x128xf32, #tpu.memory_space<hbm>>
        %dma_start3A_58 = arith.constant 0 : i32
        %dma_start3A_59 = tpu.memref_slice %arg11[%mul3A_50, %dma_start3A_58] : memref<10000x128xf32, #tpu.memory_space<vmem_shared>> -> memref<1000x128xf32, #tpu.memory_space<vmem_shared>>
        tpu.enqueue_dma source(%dma_start3A_59 : memref<1000x128xf32, #tpu.memory_space<vmem_shared>>) target(%dma_start3A_57 : memref<1000x128xf32, #tpu.memory_space<hbm>>) target_semaphore(%run_scoped3A : memref<!tpu.dma_semaphore, #tpu.memory_space<semaphore_mem>>)
        %dma_wait3A = arith.constant 0 : i32
        %dma_wait3A_60 = tpu.memref_slice %arg6[%add3A_55, %dma_wait3A] : memref<20000x128xf32, #tpu.memory_space<hbm>> -> memref<1000x128xf32, #tpu.memory_space<hbm>>
        %dma_wait3A_61 = arith.constant 0 : i32
        %dma_wait3A_62 = tpu.memref_slice %arg11[%mul3A_50, %dma_wait3A_61] : memref<10000x128xf32, #tpu.memory_space<vmem_shared>> -> memref<1000x128xf32, #tpu.memory_space<vmem_shared>>
        tpu.wait_dma2 semaphore(%run_scoped3A : memref<!tpu.dma_semaphore, #tpu.memory_space<semaphore_mem>>) src(%dma_wait3A_62 : memref<1000x128xf32, #tpu.memory_space<vmem_shared>>) dst(%dma_wait3A_60 : memref<1000x128xf32, #tpu.memory_space<hbm>>)
        tpu.yield
      }) : () -> ()
    } else {
    }
    return
  }
}

#map = affine_map<(d0, d1) -> (0, 0)>
#map1 = affine_map<(d0, d1) -> (0, 0, 0)>
module attributes {stable_mosaic.version = 14 : i64} {
  func.func @_edge_kernel(%arg0: i32, %arg1: i32, %arg2: memref<10000x128xf32, #tpu.memory_space<hbm>>, %arg3: memref<64x40x125xi32, #tpu.memory_space<hbm>>, %arg4: memref<64x40x125xi32, #tpu.memory_space<hbm>>, %arg5: memref<10000x128xf32, #tpu.memory_space<hbm>>, %arg6: memref<20000x128xf32, #tpu.memory_space<hbm>>, %arg7: memref<40x125xi32, #tpu.memory_space<vmem>>, %arg8: memref<40x125xi32, #tpu.memory_space<vmem>>, %arg9: memref<125x128xf32, #tpu.memory_space<vmem>>, %arg10: memref<125x128xf32, #tpu.memory_space<vmem>>, %arg11: memref<10000x128xf32, #tpu.memory_space<vmem_shared>>, %arg12: memref<!tpu.dma_semaphore, #tpu.memory_space<semaphore_mem>>, %arg13: memref<!tpu.dma_semaphore, #tpu.memory_space<semaphore_mem>>) attributes {dimension_semantics = [#tpu.dimension_semantics<core_parallel>, #tpu.dimension_semantics<subcore_parallel>], iteration_bounds = array<i64: 2, 16>, scalar_prefetch = 0 : i64, scratch_operands = 7 : i64, tpu.core_type = #tpu.core_type<sc_vector_subcore>, window_params = [{transform_indices = #map}, {transform_indices = #map1}, {transform_indices = #map1}, {transform_indices = #map}, {transform_indices = #map}]} {
    %mul3A = arith.constant 16 : i32
    %mul3A_0 = arith.muli %arg0, %mul3A : i32
    %add3A = arith.addi %mul3A_0, %arg1 : i32
    %lt3A = arith.constant 10 : i32
    %lt3A_1 = arith.cmpi slt, %arg1, %lt3A : i32
    %convert_element_type3A = arith.extui %lt3A_1 : i1 to i32
    %cond3A = arith.constant 0 : i32
    %cond3A_2 = arith.cmpi ne, %convert_element_type3A, %cond3A : i32
    scf.if %cond3A_2 {
      %mul3A_49 = arith.constant 1000 : i32
      %mul3A_50 = arith.muli %arg1, %mul3A_49 : i32
      %mul3A_51 = arith.constant 1000 : i32
      %mul3A_52 = arith.muli %arg1, %mul3A_51 : i32
      "tpu.region"() ({
        %run_scoped3A = tpu.sem_alloc : memref<!tpu.dma_semaphore, #tpu.memory_space<semaphore_mem>>
        %dma_start3A_53 = arith.constant 0 : i32
        %dma_start3A_54 = tpu.memref_slice %arg11[%mul3A_52, %dma_start3A_53] : memref<10000x128xf32, #tpu.memory_space<vmem_shared>> -> memref<1000x128xf32, #tpu.memory_space<vmem_shared>>
        %dma_start3A_55 = arith.constant 0 : i32
        %dma_start3A_56 = tpu.memref_slice %arg5[%mul3A_50, %dma_start3A_55] : memref<10000x128xf32, #tpu.memory_space<hbm>> -> memref<1000x128xf32, #tpu.memory_space<hbm>>
        tpu.enqueue_dma source(%dma_start3A_56 : memref<1000x128xf32, #tpu.memory_space<hbm>>) target(%dma_start3A_54 : memref<1000x128xf32, #tpu.memory_space<vmem_shared>>) target_semaphore(%run_scoped3A : memref<!tpu.dma_semaphore, #tpu.memory_space<semaphore_mem>>)
        %dma_wait3A = arith.constant 0 : i32
        %dma_wait3A_57 = tpu.memref_slice %arg11[%mul3A_52, %dma_wait3A] : memref<10000x128xf32, #tpu.memory_space<vmem_shared>> -> memref<1000x128xf32, #tpu.memory_space<vmem_shared>>
        %dma_wait3A_58 = arith.constant 0 : i32
        %dma_wait3A_59 = tpu.memref_slice %arg5[%mul3A_50, %dma_wait3A_58] : memref<10000x128xf32, #tpu.memory_space<hbm>> -> memref<1000x128xf32, #tpu.memory_space<hbm>>
        tpu.wait_dma2 semaphore(%run_scoped3A : memref<!tpu.dma_semaphore, #tpu.memory_space<semaphore_mem>>) src(%dma_wait3A_59 : memref<1000x128xf32, #tpu.memory_space<hbm>>) dst(%dma_wait3A_57 : memref<1000x128xf32, #tpu.memory_space<vmem_shared>>)
        tpu.yield
      }) : () -> ()
    } else {
    }
    %mul3A_3 = arith.constant 2 : i32
    %mul3A_4 = arith.muli %add3A, %mul3A_3 : i32
    %add3A_5 = arith.constant 0 : i32
    %add3A_6 = arith.addi %mul3A_4, %add3A_5 : i32
    "tpu.region"() ({
      %run_scoped3A = tpu.sem_alloc : memref<!tpu.dma_semaphore, #tpu.memory_space<semaphore_mem>>
      %dma_start3A_49 = arith.constant 0 : i32
      %dma_start3A_50 = arith.constant 0 : i32
      %dma_start3A_51 = tpu.memref_slice %arg3[%add3A_6, %dma_start3A_49, %dma_start3A_50] : memref<64x40x125xi32, #tpu.memory_space<hbm>> -> memref<1x40x125xi32, #tpu.memory_space<hbm>>
      %dma_start3A_52 = tpu.memref_squeeze %dma_start3A_51 : memref<1x40x125xi32, #tpu.memory_space<hbm>> -> memref<40x125xi32, #tpu.memory_space<hbm>>
      %dma_start3A_53 = arith.constant 0 : i32
      %dma_start3A_54 = arith.constant 0 : i32
      %dma_start3A_55 = tpu.memref_slice %arg3[%add3A_6, %dma_start3A_53, %dma_start3A_54] : memref<64x40x125xi32, #tpu.memory_space<hbm>> -> memref<1x40x125xi32, #tpu.memory_space<hbm>>
      %dma_start3A_56 = tpu.memref_squeeze %dma_start3A_55 : memref<1x40x125xi32, #tpu.memory_space<hbm>> -> memref<40x125xi32, #tpu.memory_space<hbm>>
      tpu.enqueue_dma source(%dma_start3A_56 : memref<40x125xi32, #tpu.memory_space<hbm>>) target(%arg7 : memref<40x125xi32, #tpu.memory_space<vmem>>) target_semaphore(%run_scoped3A : memref<!tpu.dma_semaphore, #tpu.memory_space<semaphore_mem>>)
      %dma_wait3A = arith.constant 0 : i32
      %dma_wait3A_57 = arith.constant 0 : i32
      %dma_wait3A_58 = tpu.memref_slice %arg3[%add3A_6, %dma_wait3A, %dma_wait3A_57] : memref<64x40x125xi32, #tpu.memory_space<hbm>> -> memref<1x40x125xi32, #tpu.memory_space<hbm>>
      %dma_wait3A_59 = tpu.memref_squeeze %dma_wait3A_58 : memref<1x40x125xi32, #tpu.memory_space<hbm>> -> memref<40x125xi32, #tpu.memory_space<hbm>>
      %dma_wait3A_60 = arith.constant 0 : i32
      %dma_wait3A_61 = arith.constant 0 : i32
      %dma_wait3A_62 = tpu.memref_slice %arg3[%add3A_6, %dma_wait3A_60, %dma_wait3A_61] : memref<64x40x125xi32, #tpu.memory_space<hbm>> -> memref<1x40x125xi32, #tpu.memory_space<hbm>>
      %dma_wait3A_63 = tpu.memref_squeeze %dma_wait3A_62 : memref<1x40x125xi32, #tpu.memory_space<hbm>> -> memref<40x125xi32, #tpu.memory_space<hbm>>
      tpu.wait_dma2 semaphore(%run_scoped3A : memref<!tpu.dma_semaphore, #tpu.memory_space<semaphore_mem>>) src(%dma_wait3A_63 : memref<40x125xi32, #tpu.memory_space<hbm>>) dst(%arg7 : memref<40x125xi32, #tpu.memory_space<vmem>>)
      tpu.yield
    }) : () -> ()
    %mul3A_7 = arith.constant 2 : i32
    %mul3A_8 = arith.muli %add3A, %mul3A_7 : i32
    %add3A_9 = arith.constant 0 : i32
    %add3A_10 = arith.addi %mul3A_8, %add3A_9 : i32
    "tpu.region"() ({
      %run_scoped3A = tpu.sem_alloc : memref<!tpu.dma_semaphore, #tpu.memory_space<semaphore_mem>>
      %dma_start3A_49 = arith.constant 0 : i32
      %dma_start3A_50 = arith.constant 0 : i32
      %dma_start3A_51 = tpu.memref_slice %arg4[%add3A_10, %dma_start3A_49, %dma_start3A_50] : memref<64x40x125xi32, #tpu.memory_space<hbm>> -> memref<1x40x125xi32, #tpu.memory_space<hbm>>
      %dma_start3A_52 = tpu.memref_squeeze %dma_start3A_51 : memref<1x40x125xi32, #tpu.memory_space<hbm>> -> memref<40x125xi32, #tpu.memory_space<hbm>>
      %dma_start3A_53 = arith.constant 0 : i32
      %dma_start3A_54 = arith.constant 0 : i32
      %dma_start3A_55 = tpu.memref_slice %arg4[%add3A_10, %dma_start3A_53, %dma_start3A_54] : memref<64x40x125xi32, #tpu.memory_space<hbm>> -> memref<1x40x125xi32, #tpu.memory_space<hbm>>
      %dma_start3A_56 = tpu.memref_squeeze %dma_start3A_55 : memref<1x40x125xi32, #tpu.memory_space<hbm>> -> memref<40x125xi32, #tpu.memory_space<hbm>>
      tpu.enqueue_dma source(%dma_start3A_56 : memref<40x125xi32, #tpu.memory_space<hbm>>) target(%arg8 : memref<40x125xi32, #tpu.memory_space<vmem>>) target_semaphore(%run_scoped3A : memref<!tpu.dma_semaphore, #tpu.memory_space<semaphore_mem>>)
      %dma_wait3A = arith.constant 0 : i32
      %dma_wait3A_57 = arith.constant 0 : i32
      %dma_wait3A_58 = tpu.memref_slice %arg4[%add3A_10, %dma_wait3A, %dma_wait3A_57] : memref<64x40x125xi32, #tpu.memory_space<hbm>> -> memref<1x40x125xi32, #tpu.memory_space<hbm>>
      %dma_wait3A_59 = tpu.memref_squeeze %dma_wait3A_58 : memref<1x40x125xi32, #tpu.memory_space<hbm>> -> memref<40x125xi32, #tpu.memory_space<hbm>>
      %dma_wait3A_60 = arith.constant 0 : i32
      %dma_wait3A_61 = arith.constant 0 : i32
      %dma_wait3A_62 = tpu.memref_slice %arg4[%add3A_10, %dma_wait3A_60, %dma_wait3A_61] : memref<64x40x125xi32, #tpu.memory_space<hbm>> -> memref<1x40x125xi32, #tpu.memory_space<hbm>>
      %dma_wait3A_63 = tpu.memref_squeeze %dma_wait3A_62 : memref<1x40x125xi32, #tpu.memory_space<hbm>> -> memref<40x125xi32, #tpu.memory_space<hbm>>
      tpu.wait_dma2 semaphore(%run_scoped3A : memref<!tpu.dma_semaphore, #tpu.memory_space<semaphore_mem>>) src(%dma_wait3A_63 : memref<40x125xi32, #tpu.memory_space<hbm>>) dst(%arg8 : memref<40x125xi32, #tpu.memory_space<vmem>>)
      tpu.yield
    }) : () -> ()
    %barrier3A = arith.constant 0 : index
    tpu.barrier barrier_id(%barrier3A)
    %dma_start3A = arith.constant 0 : i32
    %dma_start3A_11 = arith.constant 0 : i32
    %dma_start3A_12 = tpu.memref_slice %arg7[%dma_start3A, %dma_start3A_11] : memref<40x125xi32, #tpu.memory_space<vmem>> -> memref<1x125xi32, #tpu.memory_space<vmem>>
    %dma_start3A_13 = tpu.memref_squeeze %dma_start3A_12 : memref<1x125xi32, #tpu.memory_space<vmem>> -> memref<125xi32, #tpu.memory_space<vmem>>
    %dma_start3A_14 = arith.constant 0 : i32
    %dma_start3A_15 = arith.constant 0 : i32
    %dma_start3A_16 = tpu.memref_slice %arg2[%dma_start3A_14, %dma_start3A_15] : memref<10000x128xf32, #tpu.memory_space<hbm>> -> memref<10000x128xf32, #tpu.memory_space<hbm>>
    tpu.enqueue_indirect_dma source(%dma_start3A_16 : memref<10000x128xf32, #tpu.memory_space<hbm>>) target(%arg9 : memref<125x128xf32, #tpu.memory_space<vmem>>) offsets(%dma_start3A_13 : memref<125xi32, #tpu.memory_space<vmem>>) semaphore(%arg12 : memref<!tpu.dma_semaphore, #tpu.memory_space<semaphore_mem>>)
    %scan3A = arith.constant 0 : i32
    %scan3A_17 = arith.constant 0 : i32
    %scan3A_18 = arith.constant 20 : i32
    %scan3A_19 = arith.addi %scan3A_17, %scan3A_18 : i32
    %scan3A_20 = arith.constant 1 : i32
    scf.for %scan3A_49 = %scan3A_17 to %scan3A_19 step %scan3A_20  : i32 {
      %mul3A_50 = arith.constant 2 : i32
      %mul3A_51 = arith.muli %mul3A_50, %scan3A_49 : i32
      %add3A_52 = arith.constant 1 : i32
      %add3A_53 = arith.addi %mul3A_51, %add3A_52 : i32
      %dma_start3A_54 = arith.constant 0 : i32
      %dma_start3A_55 = tpu.memref_slice %arg7[%add3A_53, %dma_start3A_54] : memref<40x125xi32, #tpu.memory_space<vmem>> -> memref<1x125xi32, #tpu.memory_space<vmem>>
      %dma_start3A_56 = tpu.memref_squeeze %dma_start3A_55 : memref<1x125xi32, #tpu.memory_space<vmem>> -> memref<125xi32, #tpu.memory_space<vmem>>
      %dma_start3A_57 = arith.constant 0 : i32
      %dma_start3A_58 = arith.constant 0 : i32
      %dma_start3A_59 = tpu.memref_slice %arg2[%dma_start3A_57, %dma_start3A_58] : memref<10000x128xf32, #tpu.memory_space<hbm>> -> memref<10000x128xf32, #tpu.memory_space<hbm>>
      tpu.enqueue_indirect_dma source(%dma_start3A_59 : memref<10000x128xf32, #tpu.memory_space<hbm>>) target(%arg10 : memref<125x128xf32, #tpu.memory_space<vmem>>) offsets(%dma_start3A_56 : memref<125xi32, #tpu.memory_space<vmem>>) semaphore(%arg13 : memref<!tpu.dma_semaphore, #tpu.memory_space<semaphore_mem>>)
      %dma_wait3A = arith.constant 0 : i32
      %dma_wait3A_60 = arith.constant 0 : i32
      %dma_wait3A_61 = tpu.memref_slice %arg7[%dma_wait3A, %dma_wait3A_60] : memref<40x125xi32, #tpu.memory_space<vmem>> -> memref<1x125xi32, #tpu.memory_space<vmem>>
      %dma_wait3A_62 = tpu.memref_squeeze %dma_wait3A_61 : memref<1x125xi32, #tpu.memory_space<vmem>> -> memref<125xi32, #tpu.memory_space<vmem>>
      %dma_wait3A_63 = arith.constant 0 : i32
      %dma_wait3A_64 = arith.constant 0 : i32
      %dma_wait3A_65 = tpu.memref_slice %arg2[%dma_wait3A_63, %dma_wait3A_64] : memref<10000x128xf32, #tpu.memory_space<hbm>> -> memref<10000x128xf32, #tpu.memory_space<hbm>>
      tpu.wait_indirect_dma semaphore(%arg12 : memref<!tpu.dma_semaphore, #tpu.memory_space<semaphore_mem>>) src(%dma_wait3A_65 : memref<10000x128xf32, #tpu.memory_space<hbm>>) dst(%arg9 : memref<125x128xf32, #tpu.memory_space<vmem>>)
      "tpu.region"() ({
        %run_scoped3A = tpu.sem_alloc : memref<!tpu.dma_semaphore, #tpu.memory_space<semaphore_mem>>
        %dma_start3A_80 = arith.constant 0 : i32
        %dma_start3A_81 = tpu.memref_slice %arg8[%mul3A_51, %dma_start3A_80] : memref<40x125xi32, #tpu.memory_space<vmem>> -> memref<1x125xi32, #tpu.memory_space<vmem>>
        %dma_start3A_82 = tpu.memref_squeeze %dma_start3A_81 : memref<1x125xi32, #tpu.memory_space<vmem>> -> memref<125xi32, #tpu.memory_space<vmem>>
        %dma_start3A_83 = arith.constant 0 : i32
        %dma_start3A_84 = arith.constant 0 : i32
        %dma_start3A_85 = tpu.memref_slice %arg11[%dma_start3A_83, %dma_start3A_84] : memref<10000x128xf32, #tpu.memory_space<vmem_shared>> -> memref<10000x128xf32, #tpu.memory_space<vmem_shared>>
        tpu.enqueue_indirect_dma source(%arg9 : memref<125x128xf32, #tpu.memory_space<vmem>>) target(%dma_start3A_85 : memref<10000x128xf32, #tpu.memory_space<vmem_shared>>) offsets(%dma_start3A_82 : memref<125xi32, #tpu.memory_space<vmem>>) semaphore(%run_scoped3A : memref<!tpu.dma_semaphore, #tpu.memory_space<semaphore_mem>>) {add = true}
        %dma_wait3A_86 = arith.constant 0 : i32
        %dma_wait3A_87 = tpu.memref_slice %arg8[%mul3A_51, %dma_wait3A_86] : memref<40x125xi32, #tpu.memory_space<vmem>> -> memref<1x125xi32, #tpu.memory_space<vmem>>
        %dma_wait3A_88 = tpu.memref_squeeze %dma_wait3A_87 : memref<1x125xi32, #tpu.memory_space<vmem>> -> memref<125xi32, #tpu.memory_space<vmem>>
        %dma_wait3A_89 = arith.constant 0 : i32
        %dma_wait3A_90 = arith.constant 0 : i32
        %dma_wait3A_91 = tpu.memref_slice %arg11[%dma_wait3A_89, %dma_wait3A_90] : memref<10000x128xf32, #tpu.memory_space<vmem_shared>> -> memref<10000x128xf32, #tpu.memory_space<vmem_shared>>
        tpu.wait_indirect_dma semaphore(%run_scoped3A : memref<!tpu.dma_semaphore, #tpu.memory_space<semaphore_mem>>) src(%arg9 : memref<125x128xf32, #tpu.memory_space<vmem>>) dst(%dma_wait3A_91 : memref<10000x128xf32, #tpu.memory_space<vmem_shared>>)
        tpu.yield
      }) : () -> ()
      %lt3A_66 = arith.constant 19 : i32
      %lt3A_67 = arith.cmpi slt, %scan3A_49, %lt3A_66 : i32
      %convert_element_type3A_68 = arith.extui %lt3A_67 : i1 to i32
      %cond3A_69 = arith.constant 0 : i32
      %cond3A_70 = arith.cmpi ne, %convert_element_type3A_68, %cond3A_69 : i32
      scf.if %cond3A_70 {
        %add3A_80 = arith.constant 2 : i32
        %add3A_81 = arith.addi %mul3A_51, %add3A_80 : i32
        %dma_start3A_82 = arith.constant 0 : i32
        %dma_start3A_83 = tpu.memref_slice %arg7[%add3A_81, %dma_start3A_82] : memref<40x125xi32, #tpu.memory_space<vmem>> -> memref<1x125xi32, #tpu.memory_space<vmem>>
        %dma_start3A_84 = tpu.memref_squeeze %dma_start3A_83 : memref<1x125xi32, #tpu.memory_space<vmem>> -> memref<125xi32, #tpu.memory_space<vmem>>
        %dma_start3A_85 = arith.constant 0 : i32
        %dma_start3A_86 = arith.constant 0 : i32
        %dma_start3A_87 = tpu.memref_slice %arg2[%dma_start3A_85, %dma_start3A_86] : memref<10000x128xf32, #tpu.memory_space<hbm>> -> memref<10000x128xf32, #tpu.memory_space<hbm>>
        tpu.enqueue_indirect_dma source(%dma_start3A_87 : memref<10000x128xf32, #tpu.memory_space<hbm>>) target(%arg9 : memref<125x128xf32, #tpu.memory_space<vmem>>) offsets(%dma_start3A_84 : memref<125xi32, #tpu.memory_space<vmem>>) semaphore(%arg12 : memref<!tpu.dma_semaphore, #tpu.memory_space<semaphore_mem>>)
      } else {
      }
      %dma_wait3A_71 = arith.constant 0 : i32
      %dma_wait3A_72 = arith.constant 0 : i32
      %dma_wait3A_73 = tpu.memref_slice %arg7[%dma_wait3A_71, %dma_wait3A_72] : memref<40x125xi32, #tpu.memory_space<vmem>> -> memref<1x125xi32, #tpu.memory_space<vmem>>
      %dma_wait3A_74 = tpu.memref_squeeze %dma_wait3A_73 : memref<1x125xi32, #tpu.memory_space<vmem>> -> memref<125xi32, #tpu.memory_space<vmem>>
      %dma_wait3A_75 = arith.constant 0 : i32
      %dma_wait3A_76 = arith.constant 0 : i32
      %dma_wait3A_77 = tpu.memref_slice %arg2[%dma_wait3A_75, %dma_wait3A_76] : memref<10000x128xf32, #tpu.memory_space<hbm>> -> memref<10000x128xf32, #tpu.memory_space<hbm>>
      tpu.wait_indirect_dma semaphore(%arg13 : memref<!tpu.dma_semaphore, #tpu.memory_space<semaphore_mem>>) src(%dma_wait3A_77 : memref<10000x128xf32, #tpu.memory_space<hbm>>) dst(%arg10 : memref<125x128xf32, #tpu.memory_space<vmem>>)
      %add3A_78 = arith.constant 1 : i32
      %add3A_79 = arith.addi %mul3A_51, %add3A_78 : i32
      "tpu.region"() ({
        %run_scoped3A = tpu.sem_alloc : memref<!tpu.dma_semaphore, #tpu.memory_space<semaphore_mem>>
        %dma_start3A_80 = arith.constant 0 : i32
        %dma_start3A_81 = tpu.memref_slice %arg8[%add3A_79, %dma_start3A_80] : memref<40x125xi32, #tpu.memory_space<vmem>> -> memref<1x125xi32, #tpu.memory_space<vmem>>
        %dma_start3A_82 = tpu.memref_squeeze %dma_start3A_81 : memref<1x125xi32, #tpu.memory_space<vmem>> -> memref<125xi32, #tpu.memory_space<vmem>>
        %dma_start3A_83 = arith.constant 0 : i32
        %dma_start3A_84 = arith.constant 0 : i32
        %dma_start3A_85 = tpu.memref_slice %arg11[%dma_start3A_83, %dma_start3A_84] : memref<10000x128xf32, #tpu.memory_space<vmem_shared>> -> memref<10000x128xf32, #tpu.memory_space<vmem_shared>>
        tpu.enqueue_indirect_dma source(%arg10 : memref<125x128xf32, #tpu.memory_space<vmem>>) target(%dma_start3A_85 : memref<10000x128xf32, #tpu.memory_space<vmem_shared>>) offsets(%dma_start3A_82 : memref<125xi32, #tpu.memory_space<vmem>>) semaphore(%run_scoped3A : memref<!tpu.dma_semaphore, #tpu.memory_space<semaphore_mem>>) {add = true}
        %dma_wait3A_86 = arith.constant 0 : i32
        %dma_wait3A_87 = tpu.memref_slice %arg8[%add3A_79, %dma_wait3A_86] : memref<40x125xi32, #tpu.memory_space<vmem>> -> memref<1x125xi32, #tpu.memory_space<vmem>>
        %dma_wait3A_88 = tpu.memref_squeeze %dma_wait3A_87 : memref<1x125xi32, #tpu.memory_space<vmem>> -> memref<125xi32, #tpu.memory_space<vmem>>
        %dma_wait3A_89 = arith.constant 0 : i32
        %dma_wait3A_90 = arith.constant 0 : i32
        %dma_wait3A_91 = tpu.memref_slice %arg11[%dma_wait3A_89, %dma_wait3A_90] : memref<10000x128xf32, #tpu.memory_space<vmem_shared>> -> memref<10000x128xf32, #tpu.memory_space<vmem_shared>>
        tpu.wait_indirect_dma semaphore(%run_scoped3A : memref<!tpu.dma_semaphore, #tpu.memory_space<semaphore_mem>>) src(%arg10 : memref<125x128xf32, #tpu.memory_space<vmem>>) dst(%dma_wait3A_91 : memref<10000x128xf32, #tpu.memory_space<vmem_shared>>)
        tpu.yield
      }) : () -> ()
    }
    %scan3A_21 = arith.constant 20 : i32
    %mul3A_22 = arith.constant 2 : i32
    %mul3A_23 = arith.muli %add3A, %mul3A_22 : i32
    %add3A_24 = arith.constant 1 : i32
    %add3A_25 = arith.addi %mul3A_23, %add3A_24 : i32
    "tpu.region"() ({
      %run_scoped3A = tpu.sem_alloc : memref<!tpu.dma_semaphore, #tpu.memory_space<semaphore_mem>>
      %dma_start3A_49 = arith.constant 0 : i32
      %dma_start3A_50 = arith.constant 0 : i32
      %dma_start3A_51 = tpu.memref_slice %arg3[%add3A_25, %dma_start3A_49, %dma_start3A_50] : memref<64x40x125xi32, #tpu.memory_space<hbm>> -> memref<1x40x125xi32, #tpu.memory_space<hbm>>
      %dma_start3A_52 = tpu.memref_squeeze %dma_start3A_51 : memref<1x40x125xi32, #tpu.memory_space<hbm>> -> memref<40x125xi32, #tpu.memory_space<hbm>>
      %dma_start3A_53 = arith.constant 0 : i32
      %dma_start3A_54 = arith.constant 0 : i32
      %dma_start3A_55 = tpu.memref_slice %arg3[%add3A_25, %dma_start3A_53, %dma_start3A_54] : memref<64x40x125xi32, #tpu.memory_space<hbm>> -> memref<1x40x125xi32, #tpu.memory_space<hbm>>
      %dma_start3A_56 = tpu.memref_squeeze %dma_start3A_55 : memref<1x40x125xi32, #tpu.memory_space<hbm>> -> memref<40x125xi32, #tpu.memory_space<hbm>>
      tpu.enqueue_dma source(%dma_start3A_56 : memref<40x125xi32, #tpu.memory_space<hbm>>) target(%arg7 : memref<40x125xi32, #tpu.memory_space<vmem>>) target_semaphore(%run_scoped3A : memref<!tpu.dma_semaphore, #tpu.memory_space<semaphore_mem>>)
      %dma_wait3A = arith.constant 0 : i32
      %dma_wait3A_57 = arith.constant 0 : i32
      %dma_wait3A_58 = tpu.memref_slice %arg3[%add3A_25, %dma_wait3A, %dma_wait3A_57] : memref<64x40x125xi32, #tpu.memory_space<hbm>> -> memref<1x40x125xi32, #tpu.memory_space<hbm>>
      %dma_wait3A_59 = tpu.memref_squeeze %dma_wait3A_58 : memref<1x40x125xi32, #tpu.memory_space<hbm>> -> memref<40x125xi32, #tpu.memory_space<hbm>>
      %dma_wait3A_60 = arith.constant 0 : i32
      %dma_wait3A_61 = arith.constant 0 : i32
      %dma_wait3A_62 = tpu.memref_slice %arg3[%add3A_25, %dma_wait3A_60, %dma_wait3A_61] : memref<64x40x125xi32, #tpu.memory_space<hbm>> -> memref<1x40x125xi32, #tpu.memory_space<hbm>>
      %dma_wait3A_63 = tpu.memref_squeeze %dma_wait3A_62 : memref<1x40x125xi32, #tpu.memory_space<hbm>> -> memref<40x125xi32, #tpu.memory_space<hbm>>
      tpu.wait_dma2 semaphore(%run_scoped3A : memref<!tpu.dma_semaphore, #tpu.memory_space<semaphore_mem>>) src(%dma_wait3A_63 : memref<40x125xi32, #tpu.memory_space<hbm>>) dst(%arg7 : memref<40x125xi32, #tpu.memory_space<vmem>>)
      tpu.yield
    }) : () -> ()
    %mul3A_26 = arith.constant 2 : i32
    %mul3A_27 = arith.muli %add3A, %mul3A_26 : i32
    %add3A_28 = arith.constant 1 : i32
    %add3A_29 = arith.addi %mul3A_27, %add3A_28 : i32
    "tpu.region"() ({
      %run_scoped3A = tpu.sem_alloc : memref<!tpu.dma_semaphore, #tpu.memory_space<semaphore_mem>>
      %dma_start3A_49 = arith.constant 0 : i32
      %dma_start3A_50 = arith.constant 0 : i32
      %dma_start3A_51 = tpu.memref_slice %arg4[%add3A_29, %dma_start3A_49, %dma_start3A_50] : memref<64x40x125xi32, #tpu.memory_space<hbm>> -> memref<1x40x125xi32, #tpu.memory_space<hbm>>
      %dma_start3A_52 = tpu.memref_squeeze %dma_start3A_51 : memref<1x40x125xi32, #tpu.memory_space<hbm>> -> memref<40x125xi32, #tpu.memory_space<hbm>>
      %dma_start3A_53 = arith.constant 0 : i32
      %dma_start3A_54 = arith.constant 0 : i32
      %dma_start3A_55 = tpu.memref_slice %arg4[%add3A_29, %dma_start3A_53, %dma_start3A_54] : memref<64x40x125xi32, #tpu.memory_space<hbm>> -> memref<1x40x125xi32, #tpu.memory_space<hbm>>
      %dma_start3A_56 = tpu.memref_squeeze %dma_start3A_55 : memref<1x40x125xi32, #tpu.memory_space<hbm>> -> memref<40x125xi32, #tpu.memory_space<hbm>>
      tpu.enqueue_dma source(%dma_start3A_56 : memref<40x125xi32, #tpu.memory_space<hbm>>) target(%arg8 : memref<40x125xi32, #tpu.memory_space<vmem>>) target_semaphore(%run_scoped3A : memref<!tpu.dma_semaphore, #tpu.memory_space<semaphore_mem>>)
      %dma_wait3A = arith.constant 0 : i32
      %dma_wait3A_57 = arith.constant 0 : i32
      %dma_wait3A_58 = tpu.memref_slice %arg4[%add3A_29, %dma_wait3A, %dma_wait3A_57] : memref<64x40x125xi32, #tpu.memory_space<hbm>> -> memref<1x40x125xi32, #tpu.memory_space<hbm>>
      %dma_wait3A_59 = tpu.memref_squeeze %dma_wait3A_58 : memref<1x40x125xi32, #tpu.memory_space<hbm>> -> memref<40x125xi32, #tpu.memory_space<hbm>>
      %dma_wait3A_60 = arith.constant 0 : i32
      %dma_wait3A_61 = arith.constant 0 : i32
      %dma_wait3A_62 = tpu.memref_slice %arg4[%add3A_29, %dma_wait3A_60, %dma_wait3A_61] : memref<64x40x125xi32, #tpu.memory_space<hbm>> -> memref<1x40x125xi32, #tpu.memory_space<hbm>>
      %dma_wait3A_63 = tpu.memref_squeeze %dma_wait3A_62 : memref<1x40x125xi32, #tpu.memory_space<hbm>> -> memref<40x125xi32, #tpu.memory_space<hbm>>
      tpu.wait_dma2 semaphore(%run_scoped3A : memref<!tpu.dma_semaphore, #tpu.memory_space<semaphore_mem>>) src(%dma_wait3A_63 : memref<40x125xi32, #tpu.memory_space<hbm>>) dst(%arg8 : memref<40x125xi32, #tpu.memory_space<vmem>>)
      tpu.yield
    }) : () -> ()
    %dma_start3A_30 = arith.constant 0 : i32
    %dma_start3A_31 = arith.constant 0 : i32
    %dma_start3A_32 = tpu.memref_slice %arg7[%dma_start3A_30, %dma_start3A_31] : memref<40x125xi32, #tpu.memory_space<vmem>> -> memref<1x125xi32, #tpu.memory_space<vmem>>
    %dma_start3A_33 = tpu.memref_squeeze %dma_start3A_32 : memref<1x125xi32, #tpu.memory_space<vmem>> -> memref<125xi32, #tpu.memory_space<vmem>>
    %dma_start3A_34 = arith.constant 0 : i32
    %dma_start3A_35 = arith.constant 0 : i32
    %dma_start3A_36 = tpu.memref_slice %arg2[%dma_start3A_34, %dma_start3A_35] : memref<10000x128xf32, #tpu.memory_space<hbm>> -> memref<10000x128xf32, #tpu.memory_space<hbm>>
    tpu.enqueue_indirect_dma source(%dma_start3A_36 : memref<10000x128xf32, #tpu.memory_space<hbm>>) target(%arg9 : memref<125x128xf32, #tpu.memory_space<vmem>>) offsets(%dma_start3A_33 : memref<125xi32, #tpu.memory_space<vmem>>) semaphore(%arg12 : memref<!tpu.dma_semaphore, #tpu.memory_space<semaphore_mem>>)
    %scan3A_37 = arith.constant 0 : i32
    %scan3A_38 = arith.constant 0 : i32
    %scan3A_39 = arith.constant 20 : i32
    %scan3A_40 = arith.addi %scan3A_38, %scan3A_39 : i32
    %scan3A_41 = arith.constant 1 : i32
    scf.for %scan3A_49 = %scan3A_38 to %scan3A_40 step %scan3A_41  : i32 {
      %mul3A_50 = arith.constant 2 : i32
      %mul3A_51 = arith.muli %mul3A_50, %scan3A_49 : i32
      %add3A_52 = arith.constant 1 : i32
      %add3A_53 = arith.addi %mul3A_51, %add3A_52 : i32
      %dma_start3A_54 = arith.constant 0 : i32
      %dma_start3A_55 = tpu.memref_slice %arg7[%add3A_53, %dma_start3A_54] : memref<40x125xi32, #tpu.memory_space<vmem>> -> memref<1x125xi32, #tpu.memory_space<vmem>>
      %dma_start3A_56 = tpu.memref_squeeze %dma_start3A_55 : memref<1x125xi32, #tpu.memory_space<vmem>> -> memref<125xi32, #tpu.memory_space<vmem>>
      %dma_start3A_57 = arith.constant 0 : i32
      %dma_start3A_58 = arith.constant 0 : i32
      %dma_start3A_59 = tpu.memref_slice %arg2[%dma_start3A_57, %dma_start3A_58] : memref<10000x128xf32, #tpu.memory_space<hbm>> -> memref<10000x128xf32, #tpu.memory_space<hbm>>
      tpu.enqueue_indirect_dma source(%dma_start3A_59 : memref<10000x128xf32, #tpu.memory_space<hbm>>) target(%arg10 : memref<125x128xf32, #tpu.memory_space<vmem>>) offsets(%dma_start3A_56 : memref<125xi32, #tpu.memory_space<vmem>>) semaphore(%arg13 : memref<!tpu.dma_semaphore, #tpu.memory_space<semaphore_mem>>)
      %dma_wait3A = arith.constant 0 : i32
      %dma_wait3A_60 = arith.constant 0 : i32
      %dma_wait3A_61 = tpu.memref_slice %arg7[%dma_wait3A, %dma_wait3A_60] : memref<40x125xi32, #tpu.memory_space<vmem>> -> memref<1x125xi32, #tpu.memory_space<vmem>>
      %dma_wait3A_62 = tpu.memref_squeeze %dma_wait3A_61 : memref<1x125xi32, #tpu.memory_space<vmem>> -> memref<125xi32, #tpu.memory_space<vmem>>
      %dma_wait3A_63 = arith.constant 0 : i32
      %dma_wait3A_64 = arith.constant 0 : i32
      %dma_wait3A_65 = tpu.memref_slice %arg2[%dma_wait3A_63, %dma_wait3A_64] : memref<10000x128xf32, #tpu.memory_space<hbm>> -> memref<10000x128xf32, #tpu.memory_space<hbm>>
      tpu.wait_indirect_dma semaphore(%arg12 : memref<!tpu.dma_semaphore, #tpu.memory_space<semaphore_mem>>) src(%dma_wait3A_65 : memref<10000x128xf32, #tpu.memory_space<hbm>>) dst(%arg9 : memref<125x128xf32, #tpu.memory_space<vmem>>)
      "tpu.region"() ({
        %run_scoped3A = tpu.sem_alloc : memref<!tpu.dma_semaphore, #tpu.memory_space<semaphore_mem>>
        %dma_start3A_80 = arith.constant 0 : i32
        %dma_start3A_81 = tpu.memref_slice %arg8[%mul3A_51, %dma_start3A_80] : memref<40x125xi32, #tpu.memory_space<vmem>> -> memref<1x125xi32, #tpu.memory_space<vmem>>
        %dma_start3A_82 = tpu.memref_squeeze %dma_start3A_81 : memref<1x125xi32, #tpu.memory_space<vmem>> -> memref<125xi32, #tpu.memory_space<vmem>>
        %dma_start3A_83 = arith.constant 0 : i32
        %dma_start3A_84 = arith.constant 0 : i32
        %dma_start3A_85 = tpu.memref_slice %arg11[%dma_start3A_83, %dma_start3A_84] : memref<10000x128xf32, #tpu.memory_space<vmem_shared>> -> memref<10000x128xf32, #tpu.memory_space<vmem_shared>>
        tpu.enqueue_indirect_dma source(%arg9 : memref<125x128xf32, #tpu.memory_space<vmem>>) target(%dma_start3A_85 : memref<10000x128xf32, #tpu.memory_space<vmem_shared>>) offsets(%dma_start3A_82 : memref<125xi32, #tpu.memory_space<vmem>>) semaphore(%run_scoped3A : memref<!tpu.dma_semaphore, #tpu.memory_space<semaphore_mem>>) {add = true}
        %dma_wait3A_86 = arith.constant 0 : i32
        %dma_wait3A_87 = tpu.memref_slice %arg8[%mul3A_51, %dma_wait3A_86] : memref<40x125xi32, #tpu.memory_space<vmem>> -> memref<1x125xi32, #tpu.memory_space<vmem>>
        %dma_wait3A_88 = tpu.memref_squeeze %dma_wait3A_87 : memref<1x125xi32, #tpu.memory_space<vmem>> -> memref<125xi32, #tpu.memory_space<vmem>>
        %dma_wait3A_89 = arith.constant 0 : i32
        %dma_wait3A_90 = arith.constant 0 : i32
        %dma_wait3A_91 = tpu.memref_slice %arg11[%dma_wait3A_89, %dma_wait3A_90] : memref<10000x128xf32, #tpu.memory_space<vmem_shared>> -> memref<10000x128xf32, #tpu.memory_space<vmem_shared>>
        tpu.wait_indirect_dma semaphore(%run_scoped3A : memref<!tpu.dma_semaphore, #tpu.memory_space<semaphore_mem>>) src(%arg9 : memref<125x128xf32, #tpu.memory_space<vmem>>) dst(%dma_wait3A_91 : memref<10000x128xf32, #tpu.memory_space<vmem_shared>>)
        tpu.yield
      }) : () -> ()
      %lt3A_66 = arith.constant 19 : i32
      %lt3A_67 = arith.cmpi slt, %scan3A_49, %lt3A_66 : i32
      %convert_element_type3A_68 = arith.extui %lt3A_67 : i1 to i32
      %cond3A_69 = arith.constant 0 : i32
      %cond3A_70 = arith.cmpi ne, %convert_element_type3A_68, %cond3A_69 : i32
      scf.if %cond3A_70 {
        %add3A_80 = arith.constant 2 : i32
        %add3A_81 = arith.addi %mul3A_51, %add3A_80 : i32
        %dma_start3A_82 = arith.constant 0 : i32
        %dma_start3A_83 = tpu.memref_slice %arg7[%add3A_81, %dma_start3A_82] : memref<40x125xi32, #tpu.memory_space<vmem>> -> memref<1x125xi32, #tpu.memory_space<vmem>>
        %dma_start3A_84 = tpu.memref_squeeze %dma_start3A_83 : memref<1x125xi32, #tpu.memory_space<vmem>> -> memref<125xi32, #tpu.memory_space<vmem>>
        %dma_start3A_85 = arith.constant 0 : i32
        %dma_start3A_86 = arith.constant 0 : i32
        %dma_start3A_87 = tpu.memref_slice %arg2[%dma_start3A_85, %dma_start3A_86] : memref<10000x128xf32, #tpu.memory_space<hbm>> -> memref<10000x128xf32, #tpu.memory_space<hbm>>
        tpu.enqueue_indirect_dma source(%dma_start3A_87 : memref<10000x128xf32, #tpu.memory_space<hbm>>) target(%arg9 : memref<125x128xf32, #tpu.memory_space<vmem>>) offsets(%dma_start3A_84 : memref<125xi32, #tpu.memory_space<vmem>>) semaphore(%arg12 : memref<!tpu.dma_semaphore, #tpu.memory_space<semaphore_mem>>)
      } else {
      }
      %dma_wait3A_71 = arith.constant 0 : i32
      %dma_wait3A_72 = arith.constant 0 : i32
      %dma_wait3A_73 = tpu.memref_slice %arg7[%dma_wait3A_71, %dma_wait3A_72] : memref<40x125xi32, #tpu.memory_space<vmem>> -> memref<1x125xi32, #tpu.memory_space<vmem>>
      %dma_wait3A_74 = tpu.memref_squeeze %dma_wait3A_73 : memref<1x125xi32, #tpu.memory_space<vmem>> -> memref<125xi32, #tpu.memory_space<vmem>>
      %dma_wait3A_75 = arith.constant 0 : i32
      %dma_wait3A_76 = arith.constant 0 : i32
      %dma_wait3A_77 = tpu.memref_slice %arg2[%dma_wait3A_75, %dma_wait3A_76] : memref<10000x128xf32, #tpu.memory_space<hbm>> -> memref<10000x128xf32, #tpu.memory_space<hbm>>
      tpu.wait_indirect_dma semaphore(%arg13 : memref<!tpu.dma_semaphore, #tpu.memory_space<semaphore_mem>>) src(%dma_wait3A_77 : memref<10000x128xf32, #tpu.memory_space<hbm>>) dst(%arg10 : memref<125x128xf32, #tpu.memory_space<vmem>>)
      %add3A_78 = arith.constant 1 : i32
      %add3A_79 = arith.addi %mul3A_51, %add3A_78 : i32
      "tpu.region"() ({
        %run_scoped3A = tpu.sem_alloc : memref<!tpu.dma_semaphore, #tpu.memory_space<semaphore_mem>>
        %dma_start3A_80 = arith.constant 0 : i32
        %dma_start3A_81 = tpu.memref_slice %arg8[%add3A_79, %dma_start3A_80] : memref<40x125xi32, #tpu.memory_space<vmem>> -> memref<1x125xi32, #tpu.memory_space<vmem>>
        %dma_start3A_82 = tpu.memref_squeeze %dma_start3A_81 : memref<1x125xi32, #tpu.memory_space<vmem>> -> memref<125xi32, #tpu.memory_space<vmem>>
        %dma_start3A_83 = arith.constant 0 : i32
        %dma_start3A_84 = arith.constant 0 : i32
        %dma_start3A_85 = tpu.memref_slice %arg11[%dma_start3A_83, %dma_start3A_84] : memref<10000x128xf32, #tpu.memory_space<vmem_shared>> -> memref<10000x128xf32, #tpu.memory_space<vmem_shared>>
        tpu.enqueue_indirect_dma source(%arg10 : memref<125x128xf32, #tpu.memory_space<vmem>>) target(%dma_start3A_85 : memref<10000x128xf32, #tpu.memory_space<vmem_shared>>) offsets(%dma_start3A_82 : memref<125xi32, #tpu.memory_space<vmem>>) semaphore(%run_scoped3A : memref<!tpu.dma_semaphore, #tpu.memory_space<semaphore_mem>>) {add = true}
        %dma_wait3A_86 = arith.constant 0 : i32
        %dma_wait3A_87 = tpu.memref_slice %arg8[%add3A_79, %dma_wait3A_86] : memref<40x125xi32, #tpu.memory_space<vmem>> -> memref<1x125xi32, #tpu.memory_space<vmem>>
        %dma_wait3A_88 = tpu.memref_squeeze %dma_wait3A_87 : memref<1x125xi32, #tpu.memory_space<vmem>> -> memref<125xi32, #tpu.memory_space<vmem>>
        %dma_wait3A_89 = arith.constant 0 : i32
        %dma_wait3A_90 = arith.constant 0 : i32
        %dma_wait3A_91 = tpu.memref_slice %arg11[%dma_wait3A_89, %dma_wait3A_90] : memref<10000x128xf32, #tpu.memory_space<vmem_shared>> -> memref<10000x128xf32, #tpu.memory_space<vmem_shared>>
        tpu.wait_indirect_dma semaphore(%run_scoped3A : memref<!tpu.dma_semaphore, #tpu.memory_space<semaphore_mem>>) src(%arg10 : memref<125x128xf32, #tpu.memory_space<vmem>>) dst(%dma_wait3A_91 : memref<10000x128xf32, #tpu.memory_space<vmem_shared>>)
        tpu.yield
      }) : () -> ()
    }
    %scan3A_42 = arith.constant 20 : i32
    %barrier3A_43 = arith.constant 0 : index
    tpu.barrier barrier_id(%barrier3A_43)
    %lt3A_44 = arith.constant 10 : i32
    %lt3A_45 = arith.cmpi slt, %arg1, %lt3A_44 : i32
    %convert_element_type3A_46 = arith.extui %lt3A_45 : i1 to i32
    %cond3A_47 = arith.constant 0 : i32
    %cond3A_48 = arith.cmpi ne, %convert_element_type3A_46, %cond3A_47 : i32
    scf.if %cond3A_48 {
      %mul3A_49 = arith.constant 1000 : i32
      %mul3A_50 = arith.muli %arg1, %mul3A_49 : i32
      %mul3A_51 = arith.constant 10000 : i32
      %mul3A_52 = arith.muli %arg0, %mul3A_51 : i32
      %mul3A_53 = arith.constant 1000 : i32
      %mul3A_54 = arith.muli %arg1, %mul3A_53 : i32
      %add3A_55 = arith.addi %mul3A_52, %mul3A_54 : i32
      "tpu.region"() ({
        %run_scoped3A = tpu.sem_alloc : memref<!tpu.dma_semaphore, #tpu.memory_space<semaphore_mem>>
        %dma_start3A_56 = arith.constant 0 : i32
        %dma_start3A_57 = tpu.memref_slice %arg6[%add3A_55, %dma_start3A_56] : memref<20000x128xf32, #tpu.memory_space<hbm>> -> memref<1000x128xf32, #tpu.memory_space<hbm>>
        %dma_start3A_58 = arith.constant 0 : i32
        %dma_start3A_59 = tpu.memref_slice %arg11[%mul3A_50, %dma_start3A_58] : memref<10000x128xf32, #tpu.memory_space<vmem_shared>> -> memref<1000x128xf32, #tpu.memory_space<vmem_shared>>
        tpu.enqueue_dma source(%dma_start3A_59 : memref<1000x128xf32, #tpu.memory_space<vmem_shared>>) target(%dma_start3A_57 : memref<1000x128xf32, #tpu.memory_space<hbm>>) target_semaphore(%run_scoped3A : memref<!tpu.dma_semaphore, #tpu.memory_space<semaphore_mem>>)
        %dma_wait3A = arith.constant 0 : i32
        %dma_wait3A_60 = tpu.memref_slice %arg6[%add3A_55, %dma_wait3A] : memref<20000x128xf32, #tpu.memory_space<hbm>> -> memref<1000x128xf32, #tpu.memory_space<hbm>>
        %dma_wait3A_61 = arith.constant 0 : i32
        %dma_wait3A_62 = tpu.memref_slice %arg11[%mul3A_50, %dma_wait3A_61] : memref<10000x128xf32, #tpu.memory_space<vmem_shared>> -> memref<1000x128xf32, #tpu.memory_space<vmem_shared>>
        tpu.wait_dma2 semaphore(%run_scoped3A : memref<!tpu.dma_semaphore, #tpu.memory_space<semaphore_mem>>) src(%dma_wait3A_62 : memref<1000x128xf32, #tpu.memory_space<vmem_shared>>) dst(%dma_wait3A_60 : memref<1000x128xf32, #tpu.memory_space<hbm>>)
        tpu.yield
      }) : () -> ()
    } else {
    }
    return
  }
}

#map = affine_map<(d0, d1) -> (0, 0)>
#map1 = affine_map<(d0, d1) -> (0, 0, 0)>
module attributes {stable_mosaic.version = 14 : i64} {
  func.func @_edge_kernel(%arg0: i32, %arg1: i32, %arg2: memref<10000x128xf32, #tpu.memory_space<hbm>>, %arg3: memref<64x40x125xi32, #tpu.memory_space<hbm>>, %arg4: memref<64x40x125xi32, #tpu.memory_space<hbm>>, %arg5: memref<10000x128xf32, #tpu.memory_space<hbm>>, %arg6: memref<20000x128xf32, #tpu.memory_space<hbm>>, %arg7: memref<40x125xi32, #tpu.memory_space<vmem>>, %arg8: memref<40x125xi32, #tpu.memory_space<vmem>>, %arg9: memref<125x128xf32, #tpu.memory_space<vmem>>, %arg10: memref<125x128xf32, #tpu.memory_space<vmem>>, %arg11: memref<10000x128xf32, #tpu.memory_space<vmem_shared>>, %arg12: memref<!tpu.dma_semaphore, #tpu.memory_space<semaphore_mem>>, %arg13: memref<!tpu.dma_semaphore, #tpu.memory_space<semaphore_mem>>) attributes {dimension_semantics = [#tpu.dimension_semantics<core_parallel>, #tpu.dimension_semantics<subcore_parallel>], iteration_bounds = array<i64: 2, 16>, scalar_prefetch = 0 : i64, scratch_operands = 7 : i64, tpu.core_type = #tpu.core_type<sc_vector_subcore>, window_params = [{transform_indices = #map}, {transform_indices = #map1}, {transform_indices = #map1}, {transform_indices = #map}, {transform_indices = #map}]} {
    %mul3A = arith.constant 16 : i32
    %mul3A_0 = arith.muli %arg0, %mul3A : i32
    %add3A = arith.addi %mul3A_0, %arg1 : i32
    %lt3A = arith.constant 10 : i32
    %lt3A_1 = arith.cmpi slt, %arg1, %lt3A : i32
    %convert_element_type3A = arith.extui %lt3A_1 : i1 to i32
    %cond3A = arith.constant 0 : i32
    %cond3A_2 = arith.cmpi ne, %convert_element_type3A, %cond3A : i32
    scf.if %cond3A_2 {
      %mul3A_49 = arith.constant 1000 : i32
      %mul3A_50 = arith.muli %arg1, %mul3A_49 : i32
      %mul3A_51 = arith.constant 1000 : i32
      %mul3A_52 = arith.muli %arg1, %mul3A_51 : i32
      "tpu.region"() ({
        %run_scoped3A = tpu.sem_alloc : memref<!tpu.dma_semaphore, #tpu.memory_space<semaphore_mem>>
        %dma_start3A_53 = arith.constant 0 : i32
        %dma_start3A_54 = tpu.memref_slice %arg11[%mul3A_52, %dma_start3A_53] : memref<10000x128xf32, #tpu.memory_space<vmem_shared>> -> memref<1000x128xf32, #tpu.memory_space<vmem_shared>>
        %dma_start3A_55 = arith.constant 0 : i32
        %dma_start3A_56 = tpu.memref_slice %arg5[%mul3A_50, %dma_start3A_55] : memref<10000x128xf32, #tpu.memory_space<hbm>> -> memref<1000x128xf32, #tpu.memory_space<hbm>>
        tpu.enqueue_dma source(%dma_start3A_56 : memref<1000x128xf32, #tpu.memory_space<hbm>>) target(%dma_start3A_54 : memref<1000x128xf32, #tpu.memory_space<vmem_shared>>) target_semaphore(%run_scoped3A : memref<!tpu.dma_semaphore, #tpu.memory_space<semaphore_mem>>)
        %dma_wait3A = arith.constant 0 : i32
        %dma_wait3A_57 = tpu.memref_slice %arg11[%mul3A_52, %dma_wait3A] : memref<10000x128xf32, #tpu.memory_space<vmem_shared>> -> memref<1000x128xf32, #tpu.memory_space<vmem_shared>>
        %dma_wait3A_58 = arith.constant 0 : i32
        %dma_wait3A_59 = tpu.memref_slice %arg5[%mul3A_50, %dma_wait3A_58] : memref<10000x128xf32, #tpu.memory_space<hbm>> -> memref<1000x128xf32, #tpu.memory_space<hbm>>
        tpu.wait_dma2 semaphore(%run_scoped3A : memref<!tpu.dma_semaphore, #tpu.memory_space<semaphore_mem>>) src(%dma_wait3A_59 : memref<1000x128xf32, #tpu.memory_space<hbm>>) dst(%dma_wait3A_57 : memref<1000x128xf32, #tpu.memory_space<vmem_shared>>)
        tpu.yield
      }) : () -> ()
    } else {
    }
    %mul3A_3 = arith.constant 2 : i32
    %mul3A_4 = arith.muli %add3A, %mul3A_3 : i32
    %add3A_5 = arith.constant 0 : i32
    %add3A_6 = arith.addi %mul3A_4, %add3A_5 : i32
    "tpu.region"() ({
      %run_scoped3A = tpu.sem_alloc : memref<!tpu.dma_semaphore, #tpu.memory_space<semaphore_mem>>
      %dma_start3A_49 = arith.constant 0 : i32
      %dma_start3A_50 = arith.constant 0 : i32
      %dma_start3A_51 = tpu.memref_slice %arg3[%add3A_6, %dma_start3A_49, %dma_start3A_50] : memref<64x40x125xi32, #tpu.memory_space<hbm>> -> memref<1x40x125xi32, #tpu.memory_space<hbm>>
      %dma_start3A_52 = tpu.memref_squeeze %dma_start3A_51 : memref<1x40x125xi32, #tpu.memory_space<hbm>> -> memref<40x125xi32, #tpu.memory_space<hbm>>
      %dma_start3A_53 = arith.constant 0 : i32
      %dma_start3A_54 = arith.constant 0 : i32
      %dma_start3A_55 = tpu.memref_slice %arg3[%add3A_6, %dma_start3A_53, %dma_start3A_54] : memref<64x40x125xi32, #tpu.memory_space<hbm>> -> memref<1x40x125xi32, #tpu.memory_space<hbm>>
      %dma_start3A_56 = tpu.memref_squeeze %dma_start3A_55 : memref<1x40x125xi32, #tpu.memory_space<hbm>> -> memref<40x125xi32, #tpu.memory_space<hbm>>
      tpu.enqueue_dma source(%dma_start3A_56 : memref<40x125xi32, #tpu.memory_space<hbm>>) target(%arg7 : memref<40x125xi32, #tpu.memory_space<vmem>>) target_semaphore(%run_scoped3A : memref<!tpu.dma_semaphore, #tpu.memory_space<semaphore_mem>>)
      %dma_wait3A = arith.constant 0 : i32
      %dma_wait3A_57 = arith.constant 0 : i32
      %dma_wait3A_58 = tpu.memref_slice %arg3[%add3A_6, %dma_wait3A, %dma_wait3A_57] : memref<64x40x125xi32, #tpu.memory_space<hbm>> -> memref<1x40x125xi32, #tpu.memory_space<hbm>>
      %dma_wait3A_59 = tpu.memref_squeeze %dma_wait3A_58 : memref<1x40x125xi32, #tpu.memory_space<hbm>> -> memref<40x125xi32, #tpu.memory_space<hbm>>
      %dma_wait3A_60 = arith.constant 0 : i32
      %dma_wait3A_61 = arith.constant 0 : i32
      %dma_wait3A_62 = tpu.memref_slice %arg3[%add3A_6, %dma_wait3A_60, %dma_wait3A_61] : memref<64x40x125xi32, #tpu.memory_space<hbm>> -> memref<1x40x125xi32, #tpu.memory_space<hbm>>
      %dma_wait3A_63 = tpu.memref_squeeze %dma_wait3A_62 : memref<1x40x125xi32, #tpu.memory_space<hbm>> -> memref<40x125xi32, #tpu.memory_space<hbm>>
      tpu.wait_dma2 semaphore(%run_scoped3A : memref<!tpu.dma_semaphore, #tpu.memory_space<semaphore_mem>>) src(%dma_wait3A_63 : memref<40x125xi32, #tpu.memory_space<hbm>>) dst(%arg7 : memref<40x125xi32, #tpu.memory_space<vmem>>)
      tpu.yield
    }) : () -> ()
    %mul3A_7 = arith.constant 2 : i32
    %mul3A_8 = arith.muli %add3A, %mul3A_7 : i32
    %add3A_9 = arith.constant 0 : i32
    %add3A_10 = arith.addi %mul3A_8, %add3A_9 : i32
    "tpu.region"() ({
      %run_scoped3A = tpu.sem_alloc : memref<!tpu.dma_semaphore, #tpu.memory_space<semaphore_mem>>
      %dma_start3A_49 = arith.constant 0 : i32
      %dma_start3A_50 = arith.constant 0 : i32
      %dma_start3A_51 = tpu.memref_slice %arg4[%add3A_10, %dma_start3A_49, %dma_start3A_50] : memref<64x40x125xi32, #tpu.memory_space<hbm>> -> memref<1x40x125xi32, #tpu.memory_space<hbm>>
      %dma_start3A_52 = tpu.memref_squeeze %dma_start3A_51 : memref<1x40x125xi32, #tpu.memory_space<hbm>> -> memref<40x125xi32, #tpu.memory_space<hbm>>
      %dma_start3A_53 = arith.constant 0 : i32
      %dma_start3A_54 = arith.constant 0 : i32
      %dma_start3A_55 = tpu.memref_slice %arg4[%add3A_10, %dma_start3A_53, %dma_start3A_54] : memref<64x40x125xi32, #tpu.memory_space<hbm>> -> memref<1x40x125xi32, #tpu.memory_space<hbm>>
      %dma_start3A_56 = tpu.memref_squeeze %dma_start3A_55 : memref<1x40x125xi32, #tpu.memory_space<hbm>> -> memref<40x125xi32, #tpu.memory_space<hbm>>
      tpu.enqueue_dma source(%dma_start3A_56 : memref<40x125xi32, #tpu.memory_space<hbm>>) target(%arg8 : memref<40x125xi32, #tpu.memory_space<vmem>>) target_semaphore(%run_scoped3A : memref<!tpu.dma_semaphore, #tpu.memory_space<semaphore_mem>>)
      %dma_wait3A = arith.constant 0 : i32
      %dma_wait3A_57 = arith.constant 0 : i32
      %dma_wait3A_58 = tpu.memref_slice %arg4[%add3A_10, %dma_wait3A, %dma_wait3A_57] : memref<64x40x125xi32, #tpu.memory_space<hbm>> -> memref<1x40x125xi32, #tpu.memory_space<hbm>>
      %dma_wait3A_59 = tpu.memref_squeeze %dma_wait3A_58 : memref<1x40x125xi32, #tpu.memory_space<hbm>> -> memref<40x125xi32, #tpu.memory_space<hbm>>
      %dma_wait3A_60 = arith.constant 0 : i32
      %dma_wait3A_61 = arith.constant 0 : i32
      %dma_wait3A_62 = tpu.memref_slice %arg4[%add3A_10, %dma_wait3A_60, %dma_wait3A_61] : memref<64x40x125xi32, #tpu.memory_space<hbm>> -> memref<1x40x125xi32, #tpu.memory_space<hbm>>
      %dma_wait3A_63 = tpu.memref_squeeze %dma_wait3A_62 : memref<1x40x125xi32, #tpu.memory_space<hbm>> -> memref<40x125xi32, #tpu.memory_space<hbm>>
      tpu.wait_dma2 semaphore(%run_scoped3A : memref<!tpu.dma_semaphore, #tpu.memory_space<semaphore_mem>>) src(%dma_wait3A_63 : memref<40x125xi32, #tpu.memory_space<hbm>>) dst(%arg8 : memref<40x125xi32, #tpu.memory_space<vmem>>)
      tpu.yield
    }) : () -> ()
    %barrier3A = arith.constant 0 : index
    tpu.barrier barrier_id(%barrier3A)
    %dma_start3A = arith.constant 0 : i32
    %dma_start3A_11 = arith.constant 0 : i32
    %dma_start3A_12 = tpu.memref_slice %arg7[%dma_start3A, %dma_start3A_11] : memref<40x125xi32, #tpu.memory_space<vmem>> -> memref<1x125xi32, #tpu.memory_space<vmem>>
    %dma_start3A_13 = tpu.memref_squeeze %dma_start3A_12 : memref<1x125xi32, #tpu.memory_space<vmem>> -> memref<125xi32, #tpu.memory_space<vmem>>
    %dma_start3A_14 = arith.constant 0 : i32
    %dma_start3A_15 = arith.constant 0 : i32
    %dma_start3A_16 = tpu.memref_slice %arg2[%dma_start3A_14, %dma_start3A_15] : memref<10000x128xf32, #tpu.memory_space<hbm>> -> memref<10000x128xf32, #tpu.memory_space<hbm>>
    tpu.enqueue_indirect_dma source(%dma_start3A_16 : memref<10000x128xf32, #tpu.memory_space<hbm>>) target(%arg9 : memref<125x128xf32, #tpu.memory_space<vmem>>) offsets(%dma_start3A_13 : memref<125xi32, #tpu.memory_space<vmem>>) semaphore(%arg12 : memref<!tpu.dma_semaphore, #tpu.memory_space<semaphore_mem>>)
    %scan3A = arith.constant 0 : i32
    %scan3A_17 = arith.constant 0 : i32
    %scan3A_18 = arith.constant 20 : i32
    %scan3A_19 = arith.addi %scan3A_17, %scan3A_18 : i32
    %scan3A_20 = arith.constant 1 : i32
    scf.for %scan3A_49 = %scan3A_17 to %scan3A_19 step %scan3A_20  : i32 {
      %mul3A_50 = arith.constant 2 : i32
      %mul3A_51 = arith.muli %mul3A_50, %scan3A_49 : i32
      %add3A_52 = arith.constant 1 : i32
      %add3A_53 = arith.addi %mul3A_51, %add3A_52 : i32
      %dma_start3A_54 = arith.constant 0 : i32
      %dma_start3A_55 = tpu.memref_slice %arg7[%add3A_53, %dma_start3A_54] : memref<40x125xi32, #tpu.memory_space<vmem>> -> memref<1x125xi32, #tpu.memory_space<vmem>>
      %dma_start3A_56 = tpu.memref_squeeze %dma_start3A_55 : memref<1x125xi32, #tpu.memory_space<vmem>> -> memref<125xi32, #tpu.memory_space<vmem>>
      %dma_start3A_57 = arith.constant 0 : i32
      %dma_start3A_58 = arith.constant 0 : i32
      %dma_start3A_59 = tpu.memref_slice %arg2[%dma_start3A_57, %dma_start3A_58] : memref<10000x128xf32, #tpu.memory_space<hbm>> -> memref<10000x128xf32, #tpu.memory_space<hbm>>
      tpu.enqueue_indirect_dma source(%dma_start3A_59 : memref<10000x128xf32, #tpu.memory_space<hbm>>) target(%arg10 : memref<125x128xf32, #tpu.memory_space<vmem>>) offsets(%dma_start3A_56 : memref<125xi32, #tpu.memory_space<vmem>>) semaphore(%arg13 : memref<!tpu.dma_semaphore, #tpu.memory_space<semaphore_mem>>)
      %dma_wait3A = arith.constant 0 : i32
      %dma_wait3A_60 = arith.constant 0 : i32
      %dma_wait3A_61 = tpu.memref_slice %arg7[%dma_wait3A, %dma_wait3A_60] : memref<40x125xi32, #tpu.memory_space<vmem>> -> memref<1x125xi32, #tpu.memory_space<vmem>>
      %dma_wait3A_62 = tpu.memref_squeeze %dma_wait3A_61 : memref<1x125xi32, #tpu.memory_space<vmem>> -> memref<125xi32, #tpu.memory_space<vmem>>
      %dma_wait3A_63 = arith.constant 0 : i32
      %dma_wait3A_64 = arith.constant 0 : i32
      %dma_wait3A_65 = tpu.memref_slice %arg2[%dma_wait3A_63, %dma_wait3A_64] : memref<10000x128xf32, #tpu.memory_space<hbm>> -> memref<10000x128xf32, #tpu.memory_space<hbm>>
      tpu.wait_indirect_dma semaphore(%arg12 : memref<!tpu.dma_semaphore, #tpu.memory_space<semaphore_mem>>) src(%dma_wait3A_65 : memref<10000x128xf32, #tpu.memory_space<hbm>>) dst(%arg9 : memref<125x128xf32, #tpu.memory_space<vmem>>)
      "tpu.region"() ({
        %run_scoped3A = tpu.sem_alloc : memref<!tpu.dma_semaphore, #tpu.memory_space<semaphore_mem>>
        %dma_start3A_80 = arith.constant 0 : i32
        %dma_start3A_81 = tpu.memref_slice %arg8[%mul3A_51, %dma_start3A_80] : memref<40x125xi32, #tpu.memory_space<vmem>> -> memref<1x125xi32, #tpu.memory_space<vmem>>
        %dma_start3A_82 = tpu.memref_squeeze %dma_start3A_81 : memref<1x125xi32, #tpu.memory_space<vmem>> -> memref<125xi32, #tpu.memory_space<vmem>>
        %dma_start3A_83 = arith.constant 0 : i32
        %dma_start3A_84 = arith.constant 0 : i32
        %dma_start3A_85 = tpu.memref_slice %arg11[%dma_start3A_83, %dma_start3A_84] : memref<10000x128xf32, #tpu.memory_space<vmem_shared>> -> memref<10000x128xf32, #tpu.memory_space<vmem_shared>>
        tpu.enqueue_indirect_dma source(%arg9 : memref<125x128xf32, #tpu.memory_space<vmem>>) target(%dma_start3A_85 : memref<10000x128xf32, #tpu.memory_space<vmem_shared>>) offsets(%dma_start3A_82 : memref<125xi32, #tpu.memory_space<vmem>>) semaphore(%run_scoped3A : memref<!tpu.dma_semaphore, #tpu.memory_space<semaphore_mem>>) {add = true}
        %dma_wait3A_86 = arith.constant 0 : i32
        %dma_wait3A_87 = tpu.memref_slice %arg8[%mul3A_51, %dma_wait3A_86] : memref<40x125xi32, #tpu.memory_space<vmem>> -> memref<1x125xi32, #tpu.memory_space<vmem>>
        %dma_wait3A_88 = tpu.memref_squeeze %dma_wait3A_87 : memref<1x125xi32, #tpu.memory_space<vmem>> -> memref<125xi32, #tpu.memory_space<vmem>>
        %dma_wait3A_89 = arith.constant 0 : i32
        %dma_wait3A_90 = arith.constant 0 : i32
        %dma_wait3A_91 = tpu.memref_slice %arg11[%dma_wait3A_89, %dma_wait3A_90] : memref<10000x128xf32, #tpu.memory_space<vmem_shared>> -> memref<10000x128xf32, #tpu.memory_space<vmem_shared>>
        tpu.wait_indirect_dma semaphore(%run_scoped3A : memref<!tpu.dma_semaphore, #tpu.memory_space<semaphore_mem>>) src(%arg9 : memref<125x128xf32, #tpu.memory_space<vmem>>) dst(%dma_wait3A_91 : memref<10000x128xf32, #tpu.memory_space<vmem_shared>>)
        tpu.yield
      }) : () -> ()
      %lt3A_66 = arith.constant 19 : i32
      %lt3A_67 = arith.cmpi slt, %scan3A_49, %lt3A_66 : i32
      %convert_element_type3A_68 = arith.extui %lt3A_67 : i1 to i32
      %cond3A_69 = arith.constant 0 : i32
      %cond3A_70 = arith.cmpi ne, %convert_element_type3A_68, %cond3A_69 : i32
      scf.if %cond3A_70 {
        %add3A_80 = arith.constant 2 : i32
        %add3A_81 = arith.addi %mul3A_51, %add3A_80 : i32
        %dma_start3A_82 = arith.constant 0 : i32
        %dma_start3A_83 = tpu.memref_slice %arg7[%add3A_81, %dma_start3A_82] : memref<40x125xi32, #tpu.memory_space<vmem>> -> memref<1x125xi32, #tpu.memory_space<vmem>>
        %dma_start3A_84 = tpu.memref_squeeze %dma_start3A_83 : memref<1x125xi32, #tpu.memory_space<vmem>> -> memref<125xi32, #tpu.memory_space<vmem>>
        %dma_start3A_85 = arith.constant 0 : i32
        %dma_start3A_86 = arith.constant 0 : i32
        %dma_start3A_87 = tpu.memref_slice %arg2[%dma_start3A_85, %dma_start3A_86] : memref<10000x128xf32, #tpu.memory_space<hbm>> -> memref<10000x128xf32, #tpu.memory_space<hbm>>
        tpu.enqueue_indirect_dma source(%dma_start3A_87 : memref<10000x128xf32, #tpu.memory_space<hbm>>) target(%arg9 : memref<125x128xf32, #tpu.memory_space<vmem>>) offsets(%dma_start3A_84 : memref<125xi32, #tpu.memory_space<vmem>>) semaphore(%arg12 : memref<!tpu.dma_semaphore, #tpu.memory_space<semaphore_mem>>)
      } else {
      }
      %dma_wait3A_71 = arith.constant 0 : i32
      %dma_wait3A_72 = arith.constant 0 : i32
      %dma_wait3A_73 = tpu.memref_slice %arg7[%dma_wait3A_71, %dma_wait3A_72] : memref<40x125xi32, #tpu.memory_space<vmem>> -> memref<1x125xi32, #tpu.memory_space<vmem>>
      %dma_wait3A_74 = tpu.memref_squeeze %dma_wait3A_73 : memref<1x125xi32, #tpu.memory_space<vmem>> -> memref<125xi32, #tpu.memory_space<vmem>>
      %dma_wait3A_75 = arith.constant 0 : i32
      %dma_wait3A_76 = arith.constant 0 : i32
      %dma_wait3A_77 = tpu.memref_slice %arg2[%dma_wait3A_75, %dma_wait3A_76] : memref<10000x128xf32, #tpu.memory_space<hbm>> -> memref<10000x128xf32, #tpu.memory_space<hbm>>
      tpu.wait_indirect_dma semaphore(%arg13 : memref<!tpu.dma_semaphore, #tpu.memory_space<semaphore_mem>>) src(%dma_wait3A_77 : memref<10000x128xf32, #tpu.memory_space<hbm>>) dst(%arg10 : memref<125x128xf32, #tpu.memory_space<vmem>>)
      %add3A_78 = arith.constant 1 : i32
      %add3A_79 = arith.addi %mul3A_51, %add3A_78 : i32
      "tpu.region"() ({
        %run_scoped3A = tpu.sem_alloc : memref<!tpu.dma_semaphore, #tpu.memory_space<semaphore_mem>>
        %dma_start3A_80 = arith.constant 0 : i32
        %dma_start3A_81 = tpu.memref_slice %arg8[%add3A_79, %dma_start3A_80] : memref<40x125xi32, #tpu.memory_space<vmem>> -> memref<1x125xi32, #tpu.memory_space<vmem>>
        %dma_start3A_82 = tpu.memref_squeeze %dma_start3A_81 : memref<1x125xi32, #tpu.memory_space<vmem>> -> memref<125xi32, #tpu.memory_space<vmem>>
        %dma_start3A_83 = arith.constant 0 : i32
        %dma_start3A_84 = arith.constant 0 : i32
        %dma_start3A_85 = tpu.memref_slice %arg11[%dma_start3A_83, %dma_start3A_84] : memref<10000x128xf32, #tpu.memory_space<vmem_shared>> -> memref<10000x128xf32, #tpu.memory_space<vmem_shared>>
        tpu.enqueue_indirect_dma source(%arg10 : memref<125x128xf32, #tpu.memory_space<vmem>>) target(%dma_start3A_85 : memref<10000x128xf32, #tpu.memory_space<vmem_shared>>) offsets(%dma_start3A_82 : memref<125xi32, #tpu.memory_space<vmem>>) semaphore(%run_scoped3A : memref<!tpu.dma_semaphore, #tpu.memory_space<semaphore_mem>>) {add = true}
        %dma_wait3A_86 = arith.constant 0 : i32
        %dma_wait3A_87 = tpu.memref_slice %arg8[%add3A_79, %dma_wait3A_86] : memref<40x125xi32, #tpu.memory_space<vmem>> -> memref<1x125xi32, #tpu.memory_space<vmem>>
        %dma_wait3A_88 = tpu.memref_squeeze %dma_wait3A_87 : memref<1x125xi32, #tpu.memory_space<vmem>> -> memref<125xi32, #tpu.memory_space<vmem>>
        %dma_wait3A_89 = arith.constant 0 : i32
        %dma_wait3A_90 = arith.constant 0 : i32
        %dma_wait3A_91 = tpu.memref_slice %arg11[%dma_wait3A_89, %dma_wait3A_90] : memref<10000x128xf32, #tpu.memory_space<vmem_shared>> -> memref<10000x128xf32, #tpu.memory_space<vmem_shared>>
        tpu.wait_indirect_dma semaphore(%run_scoped3A : memref<!tpu.dma_semaphore, #tpu.memory_space<semaphore_mem>>) src(%arg10 : memref<125x128xf32, #tpu.memory_space<vmem>>) dst(%dma_wait3A_91 : memref<10000x128xf32, #tpu.memory_space<vmem_shared>>)
        tpu.yield
      }) : () -> ()
    }
    %scan3A_21 = arith.constant 20 : i32
    %mul3A_22 = arith.constant 2 : i32
    %mul3A_23 = arith.muli %add3A, %mul3A_22 : i32
    %add3A_24 = arith.constant 1 : i32
    %add3A_25 = arith.addi %mul3A_23, %add3A_24 : i32
    "tpu.region"() ({
      %run_scoped3A = tpu.sem_alloc : memref<!tpu.dma_semaphore, #tpu.memory_space<semaphore_mem>>
      %dma_start3A_49 = arith.constant 0 : i32
      %dma_start3A_50 = arith.constant 0 : i32
      %dma_start3A_51 = tpu.memref_slice %arg3[%add3A_25, %dma_start3A_49, %dma_start3A_50] : memref<64x40x125xi32, #tpu.memory_space<hbm>> -> memref<1x40x125xi32, #tpu.memory_space<hbm>>
      %dma_start3A_52 = tpu.memref_squeeze %dma_start3A_51 : memref<1x40x125xi32, #tpu.memory_space<hbm>> -> memref<40x125xi32, #tpu.memory_space<hbm>>
      %dma_start3A_53 = arith.constant 0 : i32
      %dma_start3A_54 = arith.constant 0 : i32
      %dma_start3A_55 = tpu.memref_slice %arg3[%add3A_25, %dma_start3A_53, %dma_start3A_54] : memref<64x40x125xi32, #tpu.memory_space<hbm>> -> memref<1x40x125xi32, #tpu.memory_space<hbm>>
      %dma_start3A_56 = tpu.memref_squeeze %dma_start3A_55 : memref<1x40x125xi32, #tpu.memory_space<hbm>> -> memref<40x125xi32, #tpu.memory_space<hbm>>
      tpu.enqueue_dma source(%dma_start3A_56 : memref<40x125xi32, #tpu.memory_space<hbm>>) target(%arg7 : memref<40x125xi32, #tpu.memory_space<vmem>>) target_semaphore(%run_scoped3A : memref<!tpu.dma_semaphore, #tpu.memory_space<semaphore_mem>>)
      %dma_wait3A = arith.constant 0 : i32
      %dma_wait3A_57 = arith.constant 0 : i32
      %dma_wait3A_58 = tpu.memref_slice %arg3[%add3A_25, %dma_wait3A, %dma_wait3A_57] : memref<64x40x125xi32, #tpu.memory_space<hbm>> -> memref<1x40x125xi32, #tpu.memory_space<hbm>>
      %dma_wait3A_59 = tpu.memref_squeeze %dma_wait3A_58 : memref<1x40x125xi32, #tpu.memory_space<hbm>> -> memref<40x125xi32, #tpu.memory_space<hbm>>
      %dma_wait3A_60 = arith.constant 0 : i32
      %dma_wait3A_61 = arith.constant 0 : i32
      %dma_wait3A_62 = tpu.memref_slice %arg3[%add3A_25, %dma_wait3A_60, %dma_wait3A_61] : memref<64x40x125xi32, #tpu.memory_space<hbm>> -> memref<1x40x125xi32, #tpu.memory_space<hbm>>
      %dma_wait3A_63 = tpu.memref_squeeze %dma_wait3A_62 : memref<1x40x125xi32, #tpu.memory_space<hbm>> -> memref<40x125xi32, #tpu.memory_space<hbm>>
      tpu.wait_dma2 semaphore(%run_scoped3A : memref<!tpu.dma_semaphore, #tpu.memory_space<semaphore_mem>>) src(%dma_wait3A_63 : memref<40x125xi32, #tpu.memory_space<hbm>>) dst(%arg7 : memref<40x125xi32, #tpu.memory_space<vmem>>)
      tpu.yield
    }) : () -> ()
    %mul3A_26 = arith.constant 2 : i32
    %mul3A_27 = arith.muli %add3A, %mul3A_26 : i32
    %add3A_28 = arith.constant 1 : i32
    %add3A_29 = arith.addi %mul3A_27, %add3A_28 : i32
    "tpu.region"() ({
      %run_scoped3A = tpu.sem_alloc : memref<!tpu.dma_semaphore, #tpu.memory_space<semaphore_mem>>
      %dma_start3A_49 = arith.constant 0 : i32
      %dma_start3A_50 = arith.constant 0 : i32
      %dma_start3A_51 = tpu.memref_slice %arg4[%add3A_29, %dma_start3A_49, %dma_start3A_50] : memref<64x40x125xi32, #tpu.memory_space<hbm>> -> memref<1x40x125xi32, #tpu.memory_space<hbm>>
      %dma_start3A_52 = tpu.memref_squeeze %dma_start3A_51 : memref<1x40x125xi32, #tpu.memory_space<hbm>> -> memref<40x125xi32, #tpu.memory_space<hbm>>
      %dma_start3A_53 = arith.constant 0 : i32
      %dma_start3A_54 = arith.constant 0 : i32
      %dma_start3A_55 = tpu.memref_slice %arg4[%add3A_29, %dma_start3A_53, %dma_start3A_54] : memref<64x40x125xi32, #tpu.memory_space<hbm>> -> memref<1x40x125xi32, #tpu.memory_space<hbm>>
      %dma_start3A_56 = tpu.memref_squeeze %dma_start3A_55 : memref<1x40x125xi32, #tpu.memory_space<hbm>> -> memref<40x125xi32, #tpu.memory_space<hbm>>
      tpu.enqueue_dma source(%dma_start3A_56 : memref<40x125xi32, #tpu.memory_space<hbm>>) target(%arg8 : memref<40x125xi32, #tpu.memory_space<vmem>>) target_semaphore(%run_scoped3A : memref<!tpu.dma_semaphore, #tpu.memory_space<semaphore_mem>>)
      %dma_wait3A = arith.constant 0 : i32
      %dma_wait3A_57 = arith.constant 0 : i32
      %dma_wait3A_58 = tpu.memref_slice %arg4[%add3A_29, %dma_wait3A, %dma_wait3A_57] : memref<64x40x125xi32, #tpu.memory_space<hbm>> -> memref<1x40x125xi32, #tpu.memory_space<hbm>>
      %dma_wait3A_59 = tpu.memref_squeeze %dma_wait3A_58 : memref<1x40x125xi32, #tpu.memory_space<hbm>> -> memref<40x125xi32, #tpu.memory_space<hbm>>
      %dma_wait3A_60 = arith.constant 0 : i32
      %dma_wait3A_61 = arith.constant 0 : i32
      %dma_wait3A_62 = tpu.memref_slice %arg4[%add3A_29, %dma_wait3A_60, %dma_wait3A_61] : memref<64x40x125xi32, #tpu.memory_space<hbm>> -> memref<1x40x125xi32, #tpu.memory_space<hbm>>
      %dma_wait3A_63 = tpu.memref_squeeze %dma_wait3A_62 : memref<1x40x125xi32, #tpu.memory_space<hbm>> -> memref<40x125xi32, #tpu.memory_space<hbm>>
      tpu.wait_dma2 semaphore(%run_scoped3A : memref<!tpu.dma_semaphore, #tpu.memory_space<semaphore_mem>>) src(%dma_wait3A_63 : memref<40x125xi32, #tpu.memory_space<hbm>>) dst(%arg8 : memref<40x125xi32, #tpu.memory_space<vmem>>)
      tpu.yield
    }) : () -> ()
    %dma_start3A_30 = arith.constant 0 : i32
    %dma_start3A_31 = arith.constant 0 : i32
    %dma_start3A_32 = tpu.memref_slice %arg7[%dma_start3A_30, %dma_start3A_31] : memref<40x125xi32, #tpu.memory_space<vmem>> -> memref<1x125xi32, #tpu.memory_space<vmem>>
    %dma_start3A_33 = tpu.memref_squeeze %dma_start3A_32 : memref<1x125xi32, #tpu.memory_space<vmem>> -> memref<125xi32, #tpu.memory_space<vmem>>
    %dma_start3A_34 = arith.constant 0 : i32
    %dma_start3A_35 = arith.constant 0 : i32
    %dma_start3A_36 = tpu.memref_slice %arg2[%dma_start3A_34, %dma_start3A_35] : memref<10000x128xf32, #tpu.memory_space<hbm>> -> memref<10000x128xf32, #tpu.memory_space<hbm>>
    tpu.enqueue_indirect_dma source(%dma_start3A_36 : memref<10000x128xf32, #tpu.memory_space<hbm>>) target(%arg9 : memref<125x128xf32, #tpu.memory_space<vmem>>) offsets(%dma_start3A_33 : memref<125xi32, #tpu.memory_space<vmem>>) semaphore(%arg12 : memref<!tpu.dma_semaphore, #tpu.memory_space<semaphore_mem>>)
    %scan3A_37 = arith.constant 0 : i32
    %scan3A_38 = arith.constant 0 : i32
    %scan3A_39 = arith.constant 20 : i32
    %scan3A_40 = arith.addi %scan3A_38, %scan3A_39 : i32
    %scan3A_41 = arith.constant 1 : i32
    scf.for %scan3A_49 = %scan3A_38 to %scan3A_40 step %scan3A_41  : i32 {
      %mul3A_50 = arith.constant 2 : i32
      %mul3A_51 = arith.muli %mul3A_50, %scan3A_49 : i32
      %add3A_52 = arith.constant 1 : i32
      %add3A_53 = arith.addi %mul3A_51, %add3A_52 : i32
      %dma_start3A_54 = arith.constant 0 : i32
      %dma_start3A_55 = tpu.memref_slice %arg7[%add3A_53, %dma_start3A_54] : memref<40x125xi32, #tpu.memory_space<vmem>> -> memref<1x125xi32, #tpu.memory_space<vmem>>
      %dma_start3A_56 = tpu.memref_squeeze %dma_start3A_55 : memref<1x125xi32, #tpu.memory_space<vmem>> -> memref<125xi32, #tpu.memory_space<vmem>>
      %dma_start3A_57 = arith.constant 0 : i32
      %dma_start3A_58 = arith.constant 0 : i32
      %dma_start3A_59 = tpu.memref_slice %arg2[%dma_start3A_57, %dma_start3A_58] : memref<10000x128xf32, #tpu.memory_space<hbm>> -> memref<10000x128xf32, #tpu.memory_space<hbm>>
      tpu.enqueue_indirect_dma source(%dma_start3A_59 : memref<10000x128xf32, #tpu.memory_space<hbm>>) target(%arg10 : memref<125x128xf32, #tpu.memory_space<vmem>>) offsets(%dma_start3A_56 : memref<125xi32, #tpu.memory_space<vmem>>) semaphore(%arg13 : memref<!tpu.dma_semaphore, #tpu.memory_space<semaphore_mem>>)
      %dma_wait3A = arith.constant 0 : i32
      %dma_wait3A_60 = arith.constant 0 : i32
      %dma_wait3A_61 = tpu.memref_slice %arg7[%dma_wait3A, %dma_wait3A_60] : memref<40x125xi32, #tpu.memory_space<vmem>> -> memref<1x125xi32, #tpu.memory_space<vmem>>
      %dma_wait3A_62 = tpu.memref_squeeze %dma_wait3A_61 : memref<1x125xi32, #tpu.memory_space<vmem>> -> memref<125xi32, #tpu.memory_space<vmem>>
      %dma_wait3A_63 = arith.constant 0 : i32
      %dma_wait3A_64 = arith.constant 0 : i32
      %dma_wait3A_65 = tpu.memref_slice %arg2[%dma_wait3A_63, %dma_wait3A_64] : memref<10000x128xf32, #tpu.memory_space<hbm>> -> memref<10000x128xf32, #tpu.memory_space<hbm>>
      tpu.wait_indirect_dma semaphore(%arg12 : memref<!tpu.dma_semaphore, #tpu.memory_space<semaphore_mem>>) src(%dma_wait3A_65 : memref<10000x128xf32, #tpu.memory_space<hbm>>) dst(%arg9 : memref<125x128xf32, #tpu.memory_space<vmem>>)
      "tpu.region"() ({
        %run_scoped3A = tpu.sem_alloc : memref<!tpu.dma_semaphore, #tpu.memory_space<semaphore_mem>>
        %dma_start3A_80 = arith.constant 0 : i32
        %dma_start3A_81 = tpu.memref_slice %arg8[%mul3A_51, %dma_start3A_80] : memref<40x125xi32, #tpu.memory_space<vmem>> -> memref<1x125xi32, #tpu.memory_space<vmem>>
        %dma_start3A_82 = tpu.memref_squeeze %dma_start3A_81 : memref<1x125xi32, #tpu.memory_space<vmem>> -> memref<125xi32, #tpu.memory_space<vmem>>
        %dma_start3A_83 = arith.constant 0 : i32
        %dma_start3A_84 = arith.constant 0 : i32
        %dma_start3A_85 = tpu.memref_slice %arg11[%dma_start3A_83, %dma_start3A_84] : memref<10000x128xf32, #tpu.memory_space<vmem_shared>> -> memref<10000x128xf32, #tpu.memory_space<vmem_shared>>
        tpu.enqueue_indirect_dma source(%arg9 : memref<125x128xf32, #tpu.memory_space<vmem>>) target(%dma_start3A_85 : memref<10000x128xf32, #tpu.memory_space<vmem_shared>>) offsets(%dma_start3A_82 : memref<125xi32, #tpu.memory_space<vmem>>) semaphore(%run_scoped3A : memref<!tpu.dma_semaphore, #tpu.memory_space<semaphore_mem>>) {add = true}
        %dma_wait3A_86 = arith.constant 0 : i32
        %dma_wait3A_87 = tpu.memref_slice %arg8[%mul3A_51, %dma_wait3A_86] : memref<40x125xi32, #tpu.memory_space<vmem>> -> memref<1x125xi32, #tpu.memory_space<vmem>>
        %dma_wait3A_88 = tpu.memref_squeeze %dma_wait3A_87 : memref<1x125xi32, #tpu.memory_space<vmem>> -> memref<125xi32, #tpu.memory_space<vmem>>
        %dma_wait3A_89 = arith.constant 0 : i32
        %dma_wait3A_90 = arith.constant 0 : i32
        %dma_wait3A_91 = tpu.memref_slice %arg11[%dma_wait3A_89, %dma_wait3A_90] : memref<10000x128xf32, #tpu.memory_space<vmem_shared>> -> memref<10000x128xf32, #tpu.memory_space<vmem_shared>>
        tpu.wait_indirect_dma semaphore(%run_scoped3A : memref<!tpu.dma_semaphore, #tpu.memory_space<semaphore_mem>>) src(%arg9 : memref<125x128xf32, #tpu.memory_space<vmem>>) dst(%dma_wait3A_91 : memref<10000x128xf32, #tpu.memory_space<vmem_shared>>)
        tpu.yield
      }) : () -> ()
      %lt3A_66 = arith.constant 19 : i32
      %lt3A_67 = arith.cmpi slt, %scan3A_49, %lt3A_66 : i32
      %convert_element_type3A_68 = arith.extui %lt3A_67 : i1 to i32
      %cond3A_69 = arith.constant 0 : i32
      %cond3A_70 = arith.cmpi ne, %convert_element_type3A_68, %cond3A_69 : i32
      scf.if %cond3A_70 {
        %add3A_80 = arith.constant 2 : i32
        %add3A_81 = arith.addi %mul3A_51, %add3A_80 : i32
        %dma_start3A_82 = arith.constant 0 : i32
        %dma_start3A_83 = tpu.memref_slice %arg7[%add3A_81, %dma_start3A_82] : memref<40x125xi32, #tpu.memory_space<vmem>> -> memref<1x125xi32, #tpu.memory_space<vmem>>
        %dma_start3A_84 = tpu.memref_squeeze %dma_start3A_83 : memref<1x125xi32, #tpu.memory_space<vmem>> -> memref<125xi32, #tpu.memory_space<vmem>>
        %dma_start3A_85 = arith.constant 0 : i32
        %dma_start3A_86 = arith.constant 0 : i32
        %dma_start3A_87 = tpu.memref_slice %arg2[%dma_start3A_85, %dma_start3A_86] : memref<10000x128xf32, #tpu.memory_space<hbm>> -> memref<10000x128xf32, #tpu.memory_space<hbm>>
        tpu.enqueue_indirect_dma source(%dma_start3A_87 : memref<10000x128xf32, #tpu.memory_space<hbm>>) target(%arg9 : memref<125x128xf32, #tpu.memory_space<vmem>>) offsets(%dma_start3A_84 : memref<125xi32, #tpu.memory_space<vmem>>) semaphore(%arg12 : memref<!tpu.dma_semaphore, #tpu.memory_space<semaphore_mem>>)
      } else {
      }
      %dma_wait3A_71 = arith.constant 0 : i32
      %dma_wait3A_72 = arith.constant 0 : i32
      %dma_wait3A_73 = tpu.memref_slice %arg7[%dma_wait3A_71, %dma_wait3A_72] : memref<40x125xi32, #tpu.memory_space<vmem>> -> memref<1x125xi32, #tpu.memory_space<vmem>>
      %dma_wait3A_74 = tpu.memref_squeeze %dma_wait3A_73 : memref<1x125xi32, #tpu.memory_space<vmem>> -> memref<125xi32, #tpu.memory_space<vmem>>
      %dma_wait3A_75 = arith.constant 0 : i32
      %dma_wait3A_76 = arith.constant 0 : i32
      %dma_wait3A_77 = tpu.memref_slice %arg2[%dma_wait3A_75, %dma_wait3A_76] : memref<10000x128xf32, #tpu.memory_space<hbm>> -> memref<10000x128xf32, #tpu.memory_space<hbm>>
      tpu.wait_indirect_dma semaphore(%arg13 : memref<!tpu.dma_semaphore, #tpu.memory_space<semaphore_mem>>) src(%dma_wait3A_77 : memref<10000x128xf32, #tpu.memory_space<hbm>>) dst(%arg10 : memref<125x128xf32, #tpu.memory_space<vmem>>)
      %add3A_78 = arith.constant 1 : i32
      %add3A_79 = arith.addi %mul3A_51, %add3A_78 : i32
      "tpu.region"() ({
        %run_scoped3A = tpu.sem_alloc : memref<!tpu.dma_semaphore, #tpu.memory_space<semaphore_mem>>
        %dma_start3A_80 = arith.constant 0 : i32
        %dma_start3A_81 = tpu.memref_slice %arg8[%add3A_79, %dma_start3A_80] : memref<40x125xi32, #tpu.memory_space<vmem>> -> memref<1x125xi32, #tpu.memory_space<vmem>>
        %dma_start3A_82 = tpu.memref_squeeze %dma_start3A_81 : memref<1x125xi32, #tpu.memory_space<vmem>> -> memref<125xi32, #tpu.memory_space<vmem>>
        %dma_start3A_83 = arith.constant 0 : i32
        %dma_start3A_84 = arith.constant 0 : i32
        %dma_start3A_85 = tpu.memref_slice %arg11[%dma_start3A_83, %dma_start3A_84] : memref<10000x128xf32, #tpu.memory_space<vmem_shared>> -> memref<10000x128xf32, #tpu.memory_space<vmem_shared>>
        tpu.enqueue_indirect_dma source(%arg10 : memref<125x128xf32, #tpu.memory_space<vmem>>) target(%dma_start3A_85 : memref<10000x128xf32, #tpu.memory_space<vmem_shared>>) offsets(%dma_start3A_82 : memref<125xi32, #tpu.memory_space<vmem>>) semaphore(%run_scoped3A : memref<!tpu.dma_semaphore, #tpu.memory_space<semaphore_mem>>) {add = true}
        %dma_wait3A_86 = arith.constant 0 : i32
        %dma_wait3A_87 = tpu.memref_slice %arg8[%add3A_79, %dma_wait3A_86] : memref<40x125xi32, #tpu.memory_space<vmem>> -> memref<1x125xi32, #tpu.memory_space<vmem>>
        %dma_wait3A_88 = tpu.memref_squeeze %dma_wait3A_87 : memref<1x125xi32, #tpu.memory_space<vmem>> -> memref<125xi32, #tpu.memory_space<vmem>>
        %dma_wait3A_89 = arith.constant 0 : i32
        %dma_wait3A_90 = arith.constant 0 : i32
        %dma_wait3A_91 = tpu.memref_slice %arg11[%dma_wait3A_89, %dma_wait3A_90] : memref<10000x128xf32, #tpu.memory_space<vmem_shared>> -> memref<10000x128xf32, #tpu.memory_space<vmem_shared>>
        tpu.wait_indirect_dma semaphore(%run_scoped3A : memref<!tpu.dma_semaphore, #tpu.memory_space<semaphore_mem>>) src(%arg10 : memref<125x128xf32, #tpu.memory_space<vmem>>) dst(%dma_wait3A_91 : memref<10000x128xf32, #tpu.memory_space<vmem_shared>>)
        tpu.yield
      }) : () -> ()
    }
    %scan3A_42 = arith.constant 20 : i32
    %barrier3A_43 = arith.constant 0 : index
    tpu.barrier barrier_id(%barrier3A_43)
    %lt3A_44 = arith.constant 10 : i32
    %lt3A_45 = arith.cmpi slt, %arg1, %lt3A_44 : i32
    %convert_element_type3A_46 = arith.extui %lt3A_45 : i1 to i32
    %cond3A_47 = arith.constant 0 : i32
    %cond3A_48 = arith.cmpi ne, %convert_element_type3A_46, %cond3A_47 : i32
    scf.if %cond3A_48 {
      %mul3A_49 = arith.constant 1000 : i32
      %mul3A_50 = arith.muli %arg1, %mul3A_49 : i32
      %mul3A_51 = arith.constant 10000 : i32
      %mul3A_52 = arith.muli %arg0, %mul3A_51 : i32
      %mul3A_53 = arith.constant 1000 : i32
      %mul3A_54 = arith.muli %arg1, %mul3A_53 : i32
      %add3A_55 = arith.addi %mul3A_52, %mul3A_54 : i32
      "tpu.region"() ({
        %run_scoped3A = tpu.sem_alloc : memref<!tpu.dma_semaphore, #tpu.memory_space<semaphore_mem>>
        %dma_start3A_56 = arith.constant 0 : i32
        %dma_start3A_57 = tpu.memref_slice %arg6[%add3A_55, %dma_start3A_56] : memref<20000x128xf32, #tpu.memory_space<hbm>> -> memref<1000x128xf32, #tpu.memory_space<hbm>>
        %dma_start3A_58 = arith.constant 0 : i32
        %dma_start3A_59 = tpu.memref_slice %arg11[%mul3A_50, %dma_start3A_58] : memref<10000x128xf32, #tpu.memory_space<vmem_shared>> -> memref<1000x128xf32, #tpu.memory_space<vmem_shared>>
        tpu.enqueue_dma source(%dma_start3A_59 : memref<1000x128xf32, #tpu.memory_space<vmem_shared>>) target(%dma_start3A_57 : memref<1000x128xf32, #tpu.memory_space<hbm>>) target_semaphore(%run_scoped3A : memref<!tpu.dma_semaphore, #tpu.memory_space<semaphore_mem>>)
        %dma_wait3A = arith.constant 0 : i32
        %dma_wait3A_60 = tpu.memref_slice %arg6[%add3A_55, %dma_wait3A] : memref<20000x128xf32, #tpu.memory_space<hbm>> -> memref<1000x128xf32, #tpu.memory_space<hbm>>
        %dma_wait3A_61 = arith.constant 0 : i32
        %dma_wait3A_62 = tpu.memref_slice %arg11[%mul3A_50, %dma_wait3A_61] : memref<10000x128xf32, #tpu.memory_space<vmem_shared>> -> memref<1000x128xf32, #tpu.memory_space<vmem_shared>>
        tpu.wait_dma2 semaphore(%run_scoped3A : memref<!tpu.dma_semaphore, #tpu.memory_space<semaphore_mem>>) src(%dma_wait3A_62 : memref<1000x128xf32, #tpu.memory_space<vmem_shared>>) dst(%dma_wait3A_60 : memref<1000x128xf32, #tpu.memory_space<hbm>>)
        tpu.yield
      }) : () -> ()
    } else {
    }
    return
  }
}

module attributes {stable_mosaic.version = 14 : i64} {
  func.func @_tc1_body(%arg0: memref<10000x128xf32, #tpu.memory_space<vmem>>, %arg1: memref<128x128xf32, #tpu.memory_space<vmem>>, %arg2: memref<1x128xf32, #tpu.memory_space<vmem>>, %arg3: memref<128x128xf32, #tpu.memory_space<vmem>>, %arg4: memref<2x10000x1xf32, #tpu.memory_space<vmem>>, %arg5: memref<10000x1xf32, #tpu.memory_space<vmem>>, %arg6: memref<10000x128xf32, #tpu.memory_space<vmem>>) attributes {dimension_semantics = [], scalar_prefetch = 0 : i64, scratch_operands = 0 : i64, tpu.core_type = #tpu.core_type<tc>} {
    %get3A = arith.constant 0 : index
    %get3A_0 = arith.constant 0 : index
    %get3A_1 = arith.constant 0 : index
    %get3A_2 = vector.load %arg4[%get3A, %get3A_0, %get3A_1] : memref<2x10000x1xf32, #tpu.memory_space<vmem>>, vector<1x10000x1xf32>
    %get3A_3 = vector.shape_cast %get3A_2 : vector<1x10000x1xf32> to vector<10000x1xf32>
    %get3A_4 = arith.constant 1 : index
    %get3A_5 = arith.constant 0 : index
    %get3A_6 = arith.constant 0 : index
    %get3A_7 = vector.load %arg4[%get3A_4, %get3A_5, %get3A_6] : memref<2x10000x1xf32, #tpu.memory_space<vmem>>, vector<1x10000x1xf32>
    %get3A_8 = vector.shape_cast %get3A_7 : vector<1x10000x1xf32> to vector<10000x1xf32>
    %add3A = arith.addf %get3A_3, %get3A_8 : vector<10000x1xf32>
    %add3A_9 = arith.constant 1.000000e+00 : f32
    %add3A_10 = vector.broadcast %add3A_9 : f32 to vector<10000x1xf32>
    %add3A_11 = arith.addf %add3A, %add3A_10 : vector<10000x1xf32>
    %rsqrt3A = math.rsqrt %add3A_11 : vector<10000x1xf32>
    %swap3A = arith.constant 0 : index
    %swap3A_12 = arith.constant 0 : index
    %swap3A_13 = vector.load %arg5[%swap3A, %swap3A_12] : memref<10000x1xf32, #tpu.memory_space<vmem>>, vector<10000x1xf32>
    tpu.vector_store %arg5[%swap3A, %swap3A_12], %rsqrt3A {strides = array<i32>} : memref<10000x1xf32, #tpu.memory_space<vmem>>, vector<10000x1xf32>,
    %get3A_14 = arith.constant 0 : index
    %get3A_15 = arith.constant 0 : index
    %get3A_16 = vector.load %arg0[%get3A_14, %get3A_15] : memref<10000x128xf32, #tpu.memory_space<vmem>>, vector<10000x128xf32>
    %get3A_17 = arith.constant 0 : index
    %get3A_18 = arith.constant 0 : index
    %get3A_19 = vector.load %arg1[%get3A_17, %get3A_18] : memref<128x128xf32, #tpu.memory_space<vmem>>, vector<128x128xf32>
    %dot_general3A = arith.constant dense<0.000000e+00> : vector<10000x128xf32>
    %dot_general3A_20 = tpu.matmul %get3A_16, %get3A_19, %dot_general3A {dimension_numbers = #tpu.dot_dimension_numbers<[1], [0], [0], [1], [0, 0, 1, 1], [], []>, transpose_lhs_hint = false} : vector<10000x128xf32>, vector<128x128xf32>, vector<10000x128xf32> -> vector<10000x128xf32>
    %get3A_21 = arith.constant 0 : index
    %get3A_22 = arith.constant 0 : index
    %get3A_23 = vector.load %arg2[%get3A_21, %get3A_22] : memref<1x128xf32, #tpu.memory_space<vmem>>, vector<1x128xf32>
    %add3A_24 = vector.broadcast %get3A_23 : vector<1x128xf32> to vector<10000x128xf32>
    %add3A_25 = arith.addf %dot_general3A_20, %add3A_24 : vector<10000x128xf32>
    %get3A_26 = arith.constant 0 : index
    %get3A_27 = arith.constant 0 : index
    %get3A_28 = vector.load %arg3[%get3A_26, %get3A_27] : memref<128x128xf32, #tpu.memory_space<vmem>>, vector<128x128xf32>
    %dot_general3A_29 = arith.constant dense<0.000000e+00> : vector<10000x128xf32>
    %dot_general3A_30 = tpu.matmul %add3A_25, %get3A_28, %dot_general3A_29 {dimension_numbers = #tpu.dot_dimension_numbers<[1], [0], [0], [1], [0, 0, 1, 1], [], []>, transpose_lhs_hint = false} : vector<10000x128xf32>, vector<128x128xf32>, vector<10000x128xf32> -> vector<10000x128xf32>
    %mul3A = vector.broadcast %rsqrt3A : vector<10000x1xf32> to vector<10000x128xf32>
    %mul3A_31 = arith.mulf %mul3A, %dot_general3A_30 : vector<10000x128xf32>
    %swap3A_32 = arith.constant 0 : index
    %swap3A_33 = arith.constant 0 : index
    %swap3A_34 = vector.load %arg6[%swap3A_32, %swap3A_33] : memref<10000x128xf32, #tpu.memory_space<vmem>>, vector<10000x128xf32>
    tpu.vector_store %arg6[%swap3A_32, %swap3A_33], %mul3A_31 {strides = array<i32>} : memref<10000x128xf32, #tpu.memory_space<vmem>>, vector<10000x128xf32>,
    return
  }
}

module attributes {stable_mosaic.version = 14 : i64} {
  func.func @_tc_mid_body(%arg0: memref<2x10000x128xf32, #tpu.memory_space<vmem>>, %arg1: memref<10000x128xf32, #tpu.memory_space<vmem>>, %arg2: memref<10000x1xf32, #tpu.memory_space<vmem>>, %arg3: memref<1x128xf32, #tpu.memory_space<vmem>>, %arg4: memref<128x128xf32, #tpu.memory_space<vmem>>, %arg5: memref<10000x128xf32, #tpu.memory_space<vmem>>) attributes {dimension_semantics = [], scalar_prefetch = 0 : i64, scratch_operands = 0 : i64, tpu.core_type = #tpu.core_type<tc>} {
    %get3A = arith.constant 0 : index
    %get3A_0 = arith.constant 0 : index
    %get3A_1 = vector.load %arg2[%get3A, %get3A_0] : memref<10000x1xf32, #tpu.memory_space<vmem>>, vector<10000x1xf32>
    %get3A_2 = arith.constant 0 : index
    %get3A_3 = arith.constant 0 : index
    %get3A_4 = arith.constant 0 : index
    %get3A_5 = vector.load %arg0[%get3A_2, %get3A_3, %get3A_4] : memref<2x10000x128xf32, #tpu.memory_space<vmem>>, vector<1x10000x128xf32>
    %get3A_6 = vector.shape_cast %get3A_5 : vector<1x10000x128xf32> to vector<10000x128xf32>
    %get3A_7 = arith.constant 1 : index
    %get3A_8 = arith.constant 0 : index
    %get3A_9 = arith.constant 0 : index
    %get3A_10 = vector.load %arg0[%get3A_7, %get3A_8, %get3A_9] : memref<2x10000x128xf32, #tpu.memory_space<vmem>>, vector<1x10000x128xf32>
    %get3A_11 = vector.shape_cast %get3A_10 : vector<1x10000x128xf32> to vector<10000x128xf32>
    %add3A = arith.addf %get3A_6, %get3A_11 : vector<10000x128xf32>
    %get3A_12 = arith.constant 0 : index
    %get3A_13 = arith.constant 0 : index
    %get3A_14 = vector.load %arg1[%get3A_12, %get3A_13] : memref<10000x128xf32, #tpu.memory_space<vmem>>, vector<10000x128xf32>
    %add3A_15 = arith.addf %add3A, %get3A_14 : vector<10000x128xf32>
    %mul3A = vector.broadcast %get3A_1 : vector<10000x1xf32> to vector<10000x128xf32>
    %mul3A_16 = arith.mulf %mul3A, %add3A_15 : vector<10000x128xf32>
    %get3A_17 = arith.constant 0 : index
    %get3A_18 = arith.constant 0 : index
    %get3A_19 = vector.load %arg3[%get3A_17, %get3A_18] : memref<1x128xf32, #tpu.memory_space<vmem>>, vector<1x128xf32>
    %add3A_20 = vector.broadcast %get3A_19 : vector<1x128xf32> to vector<10000x128xf32>
    %add3A_21 = arith.addf %mul3A_16, %add3A_20 : vector<10000x128xf32>
    %max3A = arith.constant 0.000000e+00 : f32
    %max3A_22 = vector.broadcast %max3A : f32 to vector<10000x128xf32>
    %max3A_23 = arith.maximumf %add3A_21, %max3A_22 : vector<10000x128xf32>
    %get3A_24 = arith.constant 0 : index
    %get3A_25 = arith.constant 0 : index
    %get3A_26 = vector.load %arg4[%get3A_24, %get3A_25] : memref<128x128xf32, #tpu.memory_space<vmem>>, vector<128x128xf32>
    %dot_general3A = arith.constant dense<0.000000e+00> : vector<10000x128xf32>
    %dot_general3A_27 = tpu.matmul %max3A_23, %get3A_26, %dot_general3A {dimension_numbers = #tpu.dot_dimension_numbers<[1], [0], [0], [1], [0, 0, 1, 1], [], []>, transpose_lhs_hint = false} : vector<10000x128xf32>, vector<128x128xf32>, vector<10000x128xf32> -> vector<10000x128xf32>
    %mul3A_28 = vector.broadcast %get3A_1 : vector<10000x1xf32> to vector<10000x128xf32>
    %mul3A_29 = arith.mulf %mul3A_28, %dot_general3A_27 : vector<10000x128xf32>
    %swap3A = arith.constant 0 : index
    %swap3A_30 = arith.constant 0 : index
    %swap3A_31 = vector.load %arg5[%swap3A, %swap3A_30] : memref<10000x128xf32, #tpu.memory_space<vmem>>, vector<10000x128xf32>
    tpu.vector_store %arg5[%swap3A, %swap3A_30], %mul3A_29 {strides = array<i32>} : memref<10000x128xf32, #tpu.memory_space<vmem>>, vector<10000x128xf32>,
    return
  }
}

module attributes {stable_mosaic.version = 14 : i64} {
  func.func @_tc_mid_body(%arg0: memref<2x10000x128xf32, #tpu.memory_space<vmem>>, %arg1: memref<10000x128xf32, #tpu.memory_space<vmem>>, %arg2: memref<10000x1xf32, #tpu.memory_space<vmem>>, %arg3: memref<1x128xf32, #tpu.memory_space<vmem>>, %arg4: memref<128x128xf32, #tpu.memory_space<vmem>>, %arg5: memref<1x128xf32, #tpu.memory_space<vmem>>, %arg6: memref<1x128xf32, #tpu.memory_space<vmem>>, %arg7: memref<10000x128xf32, #tpu.memory_space<vmem>>) attributes {dimension_semantics = [], scalar_prefetch = 0 : i64, scratch_operands = 0 : i64, tpu.core_type = #tpu.core_type<tc>} {
    %get3A = arith.constant 0 : index
    %get3A_0 = arith.constant 0 : index
    %get3A_1 = vector.load %arg2[%get3A, %get3A_0] : memref<10000x1xf32, #tpu.memory_space<vmem>>, vector<10000x1xf32>
    %get3A_2 = arith.constant 0 : index
    %get3A_3 = arith.constant 0 : index
    %get3A_4 = arith.constant 0 : index
    %get3A_5 = vector.load %arg0[%get3A_2, %get3A_3, %get3A_4] : memref<2x10000x128xf32, #tpu.memory_space<vmem>>, vector<1x10000x128xf32>
    %get3A_6 = vector.shape_cast %get3A_5 : vector<1x10000x128xf32> to vector<10000x128xf32>
    %get3A_7 = arith.constant 1 : index
    %get3A_8 = arith.constant 0 : index
    %get3A_9 = arith.constant 0 : index
    %get3A_10 = vector.load %arg0[%get3A_7, %get3A_8, %get3A_9] : memref<2x10000x128xf32, #tpu.memory_space<vmem>>, vector<1x10000x128xf32>
    %get3A_11 = vector.shape_cast %get3A_10 : vector<1x10000x128xf32> to vector<10000x128xf32>
    %add3A = arith.addf %get3A_6, %get3A_11 : vector<10000x128xf32>
    %get3A_12 = arith.constant 0 : index
    %get3A_13 = arith.constant 0 : index
    %get3A_14 = vector.load %arg1[%get3A_12, %get3A_13] : memref<10000x128xf32, #tpu.memory_space<vmem>>, vector<10000x128xf32>
    %add3A_15 = arith.addf %add3A, %get3A_14 : vector<10000x128xf32>
    %mul3A = vector.broadcast %get3A_1 : vector<10000x1xf32> to vector<10000x128xf32>
    %mul3A_16 = arith.mulf %mul3A, %add3A_15 : vector<10000x128xf32>
    %get3A_17 = arith.constant 0 : index
    %get3A_18 = arith.constant 0 : index
    %get3A_19 = vector.load %arg3[%get3A_17, %get3A_18] : memref<1x128xf32, #tpu.memory_space<vmem>>, vector<1x128xf32>
    %add3A_20 = vector.broadcast %get3A_19 : vector<1x128xf32> to vector<10000x128xf32>
    %add3A_21 = arith.addf %mul3A_16, %add3A_20 : vector<10000x128xf32>
    %get3A_22 = arith.constant 0 : index
    %get3A_23 = arith.constant 0 : index
    %get3A_24 = vector.load %arg5[%get3A_22, %get3A_23] : memref<1x128xf32, #tpu.memory_space<vmem>>, vector<1x128xf32>
    %mul3A_25 = vector.broadcast %get3A_24 : vector<1x128xf32> to vector<10000x128xf32>
    %mul3A_26 = arith.mulf %add3A_21, %mul3A_25 : vector<10000x128xf32>
    %get3A_27 = arith.constant 0 : index
    %get3A_28 = arith.constant 0 : index
    %get3A_29 = vector.load %arg6[%get3A_27, %get3A_28] : memref<1x128xf32, #tpu.memory_space<vmem>>, vector<1x128xf32>
    %add3A_30 = vector.broadcast %get3A_29 : vector<1x128xf32> to vector<10000x128xf32>
    %add3A_31 = arith.addf %mul3A_26, %add3A_30 : vector<10000x128xf32>
    %max3A = arith.constant 0.000000e+00 : f32
    %max3A_32 = vector.broadcast %max3A : f32 to vector<10000x128xf32>
    %max3A_33 = arith.maximumf %add3A_31, %max3A_32 : vector<10000x128xf32>
    %get3A_34 = arith.constant 0 : index
    %get3A_35 = arith.constant 0 : index
    %get3A_36 = vector.load %arg4[%get3A_34, %get3A_35] : memref<128x128xf32, #tpu.memory_space<vmem>>, vector<128x128xf32>
    %dot_general3A = arith.constant dense<0.000000e+00> : vector<10000x128xf32>
    %dot_general3A_37 = tpu.matmul %max3A_33, %get3A_36, %dot_general3A {dimension_numbers = #tpu.dot_dimension_numbers<[1], [0], [0], [1], [0, 0, 1, 1], [], []>, transpose_lhs_hint = false} : vector<10000x128xf32>, vector<128x128xf32>, vector<10000x128xf32> -> vector<10000x128xf32>
    %mul3A_38 = vector.broadcast %get3A_1 : vector<10000x1xf32> to vector<10000x128xf32>
    %mul3A_39 = arith.mulf %mul3A_38, %dot_general3A_37 : vector<10000x128xf32>
    %swap3A = arith.constant 0 : index
    %swap3A_40 = arith.constant 0 : index
    %swap3A_41 = vector.load %arg7[%swap3A, %swap3A_40] : memref<10000x128xf32, #tpu.memory_space<vmem>>, vector<10000x128xf32>
    tpu.vector_store %arg7[%swap3A, %swap3A_40], %mul3A_39 {strides = array<i32>} : memref<10000x128xf32, #tpu.memory_space<vmem>>, vector<10000x128xf32>,
    return
  }
}

module attributes {stable_mosaic.version = 14 : i64} {
  func.func @_tc_last_body(%arg0: memref<2x10000x128xf32, #tpu.memory_space<vmem>>, %arg1: memref<10000x128xf32, #tpu.memory_space<vmem>>, %arg2: memref<10000x1xf32, #tpu.memory_space<vmem>>, %arg3: memref<1x128xf32, #tpu.memory_space<vmem>>, %arg4: memref<1x128xf32, #tpu.memory_space<vmem>>, %arg5: memref<1x128xf32, #tpu.memory_space<vmem>>, %arg6: memref<10000x128xf32, #tpu.memory_space<vmem>>) attributes {dimension_semantics = [], scalar_prefetch = 0 : i64, scratch_operands = 0 : i64, tpu.core_type = #tpu.core_type<tc>} {
    %get3A = arith.constant 0 : index
    %get3A_0 = arith.constant 0 : index
    %get3A_1 = vector.load %arg2[%get3A, %get3A_0] : memref<10000x1xf32, #tpu.memory_space<vmem>>, vector<10000x1xf32>
    %get3A_2 = arith.constant 0 : index
    %get3A_3 = arith.constant 0 : index
    %get3A_4 = arith.constant 0 : index
    %get3A_5 = vector.load %arg0[%get3A_2, %get3A_3, %get3A_4] : memref<2x10000x128xf32, #tpu.memory_space<vmem>>, vector<1x10000x128xf32>
    %get3A_6 = vector.shape_cast %get3A_5 : vector<1x10000x128xf32> to vector<10000x128xf32>
    %get3A_7 = arith.constant 1 : index
    %get3A_8 = arith.constant 0 : index
    %get3A_9 = arith.constant 0 : index
    %get3A_10 = vector.load %arg0[%get3A_7, %get3A_8, %get3A_9] : memref<2x10000x128xf32, #tpu.memory_space<vmem>>, vector<1x10000x128xf32>
    %get3A_11 = vector.shape_cast %get3A_10 : vector<1x10000x128xf32> to vector<10000x128xf32>
    %add3A = arith.addf %get3A_6, %get3A_11 : vector<10000x128xf32>
    %get3A_12 = arith.constant 0 : index
    %get3A_13 = arith.constant 0 : index
    %get3A_14 = vector.load %arg1[%get3A_12, %get3A_13] : memref<10000x128xf32, #tpu.memory_space<vmem>>, vector<10000x128xf32>
    %add3A_15 = arith.addf %add3A, %get3A_14 : vector<10000x128xf32>
    %mul3A = vector.broadcast %get3A_1 : vector<10000x1xf32> to vector<10000x128xf32>
    %mul3A_16 = arith.mulf %mul3A, %add3A_15 : vector<10000x128xf32>
    %get3A_17 = arith.constant 0 : index
    %get3A_18 = arith.constant 0 : index
    %get3A_19 = vector.load %arg3[%get3A_17, %get3A_18] : memref<1x128xf32, #tpu.memory_space<vmem>>, vector<1x128xf32>
    %add3A_20 = vector.broadcast %get3A_19 : vector<1x128xf32> to vector<10000x128xf32>
    %add3A_21 = arith.addf %mul3A_16, %add3A_20 : vector<10000x128xf32>
    %get3A_22 = arith.constant 0 : index
    %get3A_23 = arith.constant 0 : index
    %get3A_24 = vector.load %arg4[%get3A_22, %get3A_23] : memref<1x128xf32, #tpu.memory_space<vmem>>, vector<1x128xf32>
    %mul3A_25 = vector.broadcast %get3A_24 : vector<1x128xf32> to vector<10000x128xf32>
    %mul3A_26 = arith.mulf %add3A_21, %mul3A_25 : vector<10000x128xf32>
    %get3A_27 = arith.constant 0 : index
    %get3A_28 = arith.constant 0 : index
    %get3A_29 = vector.load %arg5[%get3A_27, %get3A_28] : memref<1x128xf32, #tpu.memory_space<vmem>>, vector<1x128xf32>
    %add3A_30 = vector.broadcast %get3A_29 : vector<1x128xf32> to vector<10000x128xf32>
    %add3A_31 = arith.addf %mul3A_26, %add3A_30 : vector<10000x128xf32>
    %swap3A = arith.constant 0 : index
    %swap3A_32 = arith.constant 0 : index
    %swap3A_33 = vector.load %arg6[%swap3A, %swap3A_32] : memref<10000x128xf32, #tpu.memory_space<vmem>>, vector<10000x128xf32>
    tpu.vector_store %arg6[%swap3A, %swap3A_32], %add3A_31 {strides = array<i32>} : memref<10000x128xf32, #tpu.memory_space<vmem>>, vector<10000x128xf32>,
    return
  }
}

</mosaic_0001>

<sc_bundles>
// kernel: kernel.12.cloned.1.call-start
scs
__scs_entry_jumppad:
0x0: {  	(pc) =	sbr.rel $0x88, $3  }
0x1: {  	(tag) =	ssettag $0x0;
	lr =	simm.s32 $0x1  }
0x2: {  	[smem:$0x3F91] =	sst lr;
	_ =	strace $0xD0000000  }
0x3: {  	_ = 	snop  }
0x4: {  	_ = 	snop  }
0x5: {  	_ = 	snop  }
0x6: {  	_ = 	snop  }
0x7: {  	_ = 	snop  }
__scs_overlays_trampoline_lowered:
0x8: {  	[smem:$0x3FA0] =	sst s0  }
0x9: {  	[smem:$0x3FA1] =	sst s1  }
0xa: {  	[smem:$0x3FA2] =	sst s2  }
0xb: {  	[smem:$0x3FA3] =	sst s3  }
0xc: {  	[smem:$0x3FA4] =	sst s4  }
0xd: {  	[smem:$0x3FA5] =	sst s5  }
0xe: {  	[smem:$0x3FA6] =	sst s6  }
0xf: {  	[smem:$0x3FA7] =	sst s7  }
0x10: {  	[smem:$0x3FA8] =	sst s8  }
0x11: {  	[smem:$0x3FA9] =	sst s9;
	s0 =	simm.s32 @!p0 $0x0  }
0x12: {  	s1 =	sld [smem:$0x3F8F];
	s0 =	simm.s32 @p0 $0x1  }
0x13: {  	[smem:$0x3FAA] =	sst s0;
	s0 =	simm.s32 @!p1 $0x0  }
0x14: {  	s2 =	sld [smem:$0x3F8E];
	s0 =	simm.s32 @p1 $0x1  }
0x15: {  	[smem:$0x3FAB] =	sst s0;
	s0 =	simm.s32 @!p2 $0x0  }
0x16: {  	s3 =	sld [smem:$0x3FDB];
	s0 =	simm.s32 @p2 $0x1  }
0x17: {  	s4 =	simm.s32 $0x1BF5;
	[smem:$0x3FAD] =	sst s0  }
0x18: {  	s0 =	sld [smem:$0x3F90];
	_ =	swait.ge [sflag:s4], $0x0  }
0x19: {  	s7 =	sld [smem:$0x3F91]  }
0x1a: {  	s8 =	sadd.s32 $0xFFFFE003, lr  }
0x1b: {  	s9 =	sadd.s32 $0xFFFFFEF7, lr;
	s5 =	simm.s32 $0xFFFFFFFF;
	p2 =	slt.u32 s8, $0xFFFFF086  }
0x1c: {  	p1 =	slt.u32 s9, $0xF7A;
	s5 =	simm.s32 @!p2 $0x0  }
0x1d: {  	s5 =	simm.s32 @p1 $0x1;
	p0 =	seq.s32 s7, s2  }
0x1e: {  	s7 =	smul.u32 @!p0 $0xF7A, s2;
	p2 =	seq.s32 @!p0 s5, $0x0  }
0x1f: {  	s9 =	smul.u32 $0xF7A, s1;
	s8 =	simm.s32 @!p0 $0x1BF5;
	p2 =	por !p2, p0  }
0x20: {  	[sflag:s8] =	ssyncset.s32 @!p0 $0xFFFFF086;
	s6 =	sadd.s32 @!p0 s3, s7;
	s7 =	simm.s32 @!p0 $0x108  }
0x21: {  	s3 =	sadd.s32 s3, s9;
	s6 =	sadd.s32 @!p0 $0x88, s6;
	s7 =	simm.s32 @p2 $0x1082  }
0x22: {  	[simem:s7], [sflag:s8] =	dma.local @!p0 [hbm:s6], $0xF7A  }
0x23: {  	s9 =	sor.u32 $0xD0000000, s2;
	s6 =	simm.s32 $0x108;
	_ =	swait.ge @!p0 [sflag:s8], $0x0  }
0x24: {  	s3 =	sadd.s32 $0x88, s3;
	s6 =	simm.s32 @!p1 $0x1082;
	[sflag:s4] =	ssyncset.s32 $0xFFFFF086  }
0x25: {  	[simem:s6], [sflag:s4] =	dma.local [hbm:s3], $0xF7A  }
0x26: {  	[smem:$0x3F91] =	sst s1;
	(tag) =	ssettag s2;
	_ =	strace s9  }
0x27: {  	s1 =	sld [smem:$0x3FA1]  }
0x28: {  	s2 =	sld [smem:$0x3FA2]  }
0x29: {  	s4 =	sld [smem:$0x3FA4]  }
0x2a: {  	p0 =	seq.s32 s5, $0x0;
	s5 =	sld [smem:$0x3FA5]  }
0x2b: {  	s6 =	sld [smem:$0x3FA6]  }
0x2c: {  	s7 =	sld [smem:$0x3FA7]  }
0x2d: {  	s3 =	simm.s32 $0x108;
	s8 =	sld [smem:$0x3FA8]  }
0x2e: {  	s3 =	simm.s32 @!p0 $0x1082;
	s9 =	sld [smem:$0x3FA9]  }
0x2f: {  	lr =	sadd.s32 s0, s3;
	s0 =	sld [smem:$0x3FA0]  }
0x30: {  	s3 =	sld [smem:$0x3FA3]  }
0x31: {  	[smem:$0x3FAC] =	sst s10  }
0x32: {  	s10 =	sld [smem:$0x3FAA];
	_ =	sdelay $0x3  }
0x33: {  	p0 =	seq.s32 s10, $0x1;
	s10 =	sld [smem:$0x3FAC];
	_ =	sdelay $0x3  }
0x34: {  	[smem:$0x3FAC] =	sst s10  }
0x35: {  	s10 =	sld [smem:$0x3FAB];
	_ =	sdelay $0x3  }
0x36: {  	p1 =	seq.s32 s10, $0x1;
	s10 =	sld [smem:$0x3FAC];
	_ =	sdelay $0x3  }
0x37: {  	[smem:$0x3FAC] =	sst s10  }
0x38: {  	s10 =	sld [smem:$0x3FAD]  }
0x39: {  	_ = 	snop;
	(pc) =	sbr.ind lr, $3  }
0x3a: {  	_ = 	snop  }
0x3b: {  	_ = 	snop  }
0x3c: {  	p2 =	seq.s32 s10, $0x1;
	s10 =	sld [smem:$0x3FAC]  }
0x3d: {  	_ =	shalt  }
0x3e: {  	_ =	shalt  }
0x3f: {  	_ =	shalt  }
0x40: {  	_ =	shalt  }
0x41: {  	_ =	shalt  }
0x42: {  	_ =	shalt  }
0x43: {  	_ =	shalt  }
0x44: {  	_ =	shalt  }
0x45: {  	_ =	shalt  }
0x46: {  	_ =	shalt  }
0x47: {  	_ =	shalt  }
0x48: {  	_ =	shalt  }
0x49: {  	_ =	shalt  }
0x4a: {  	_ =	shalt  }
0x4b: {  	_ =	shalt  }
0x4c: {  	_ =	shalt  }
0x4d: {  	_ =	shalt  }
0x4e: {  	_ =	shalt  }
0x4f: {  	_ =	shalt  }
0x50: {  	_ =	shalt  }
0x51: {  	_ =	shalt  }
0x52: {  	_ =	shalt  }
0x53: {  	_ =	shalt  }
0x54: {  	_ =	shalt  }
0x55: {  	_ =	shalt  }
0x56: {  	_ =	shalt  }
0x57: {  	_ =	shalt  }
0x58: {  	_ =	shalt  }
0x59: {  	_ =	shalt  }
0x5a: {  	_ =	shalt  }
0x5b: {  	_ =	shalt  }
0x5c: {  	_ =	shalt  }
0x5d: {  	_ =	shalt  }
0x5e: {  	_ =	shalt  }
0x5f: {  	_ =	shalt  }
0x60: {  	_ =	shalt  }
0x61: {  	_ =	shalt  }
0x62: {  	_ =	shalt  }
0x63: {  	_ =	shalt  }
0x64: {  	_ =	shalt  }
0x65: {  	_ =	shalt  }
0x66: {  	_ =	shalt  }
0x67: {  	_ =	shalt  }
0x68: {  	_ =	shalt  }
0x69: {  	_ =	shalt  }
0x6a: {  	_ =	shalt  }
0x6b: {  	_ =	shalt  }
0x6c: {  	_ =	shalt  }
0x6d: {  	_ =	shalt  }
0x6e: {  	_ =	shalt  }
0x6f: {  	_ =	shalt  }
0x70: {  	_ =	shalt  }
0x71: {  	_ =	shalt  }
0x72: {  	_ =	shalt  }
0x73: {  	_ =	shalt  }
0x74: {  	_ =	shalt  }
0x75: {  	_ =	shalt  }
0x76: {  	_ =	shalt  }
0x77: {  	_ =	shalt  }
0x78: {  	_ =	shalt  }
0x79: {  	_ =	shalt  }
0x7a: {  	_ =	shalt  }
0x7b: {  	_ =	shalt  }
0x7c: {  	_ =	shalt  }
0x7d: {  	_ =	shalt  }
0x7e: {  	_ =	shalt  }
0x7f: {  	_ =	shalt  }
0x80: {  	_ =	shalt  }
0x81: {  	_ =	shalt  }
0x82: {  	_ =	shalt  }
0x83: {  	_ =	shalt  }
0x84: {  	_ =	shalt  }
0x85: {  	_ =	shalt  }
0x86: {  	_ =	shalt  }
0x87: {  	_ =	shalt  }
.Lfunc_end0:
.L_simem_size_0:
called_computation_lowered:
.L_overlay_start_0:
0x88: {  	s2 =	sld [smem:$0x3FD9]  }
0x89: {  	s3 =	sld [smem:$0x3FFE];
	_ =	sdelay $0x1  }
0x8a: {  	s1 =	srdreg.scid  }
0x8b: {  	s0 =	sand.u32 $0x1, s1  }
0x8c: {  	s17 =	sshll.u32 s0, $0xA;
	s2 =	sadd.s32 s3, s2  }
0x8d: {  	s2 =	sadd.s32 s2, s17  }
0x8e: {  	[smem:$0x3FB8] =	sst s2  }
0x8f: {  	_ = 	snop  }
0x90: {  	s2 =	sld [smem:$0x3FD0];
	(tm) =	ssettm $0x1  }
0x91: {  	s18 =	sld [smem:$0x3FFB];
	_ =	sdelay $0x3  }
0x92: {  	_ =	strace s18  }
0x93: {  	s3 =	sld [smem:$0x3FFC];
	_ =	sdelay $0x3  }
0x94: {  	_ =	strace s3  }
0x95: {  	s3 =	sld [smem:$0x3FFD];
	_ =	sdelay $0x3  }
0x96: {  	_ =	strace s3  }
0x97: {  	_ =	strace $0x8FFFFFFF  }
0x98: {  	s19 =	sld [smem:$0x3FDB];
	_ =	sdelay $0x1  }
0x99: {  	s4 =	simm.s32 $_scs_section_size  }
0x9a: {  	s5 =	simm.s32 $_size__tile_overlayer_lowered;
	s6 =	simm.s32 $_tile_overlayer_lowered  }
0x9b: {  	s22 =	simm.s32 $0x1BFF;
	s21 =	sshll.u32 s6, $0x1;
	s3 =	sadd.s32 s4, s19  }
0x9c: {  	s7 =	simm.s32 $0x0;
	s20 =	sshll.u32 s5, $0x1;
	s5 =	sadd.s32 s21, s3  }
0x9d: {  	[timem:s7], [sflag:s22] =	dma.local [hbm:s5], s20  }
0x9e: {  	_ =	swait.ge [sflag:s22], s20  }
0x9f: {  	s4 =	ssub.s32 $0x0, s20;
	[sflag:s22] =	ssyncset.done $0x0  }
0xa0: {  	[sflag:s22] =	ssyncadd.s32 s4;
	_ =	sdelay $0x1  }
0xa1: {  	s23 =	simm.s32 $0x1B8B  }
0xa2: {  	_ =	swait.ge [sflag:s23], $0x1  }
0xa3: {  	[sflag:s23] =	ssyncset.done $0x0  }
0xa4: {  	s25 =	simm.s32 $0x1B8E;
	s24 =	sld [smem:$0x3FFE];
	[sflag:s23] =	ssyncadd.s32 $0xFFFFFFFF  }
0xa5: {  	s26 =	simm.s32 $execute0_lowered;
	[smem:$0x3FD2] =	sst s25  }
0xa6: {  	s5 =	sshll.u32 s26, $0x1;
	_ =	strace $0x80000046;
	[dreg:$0x1] =	wrdreg $0xFFFFFFFF  }
0xa7: {  	s28 =	simm.s32 $_size_execute0_lowered;
	s3 =	sadd.s32 s3, s5;
	[dreg:$0x0] =	wrdreg $0x0  }
0xa8: {  	s5 =	sshll.u32 s28, $0x1;
	[dreg:$0x2] =	wrdreg s3  }
0xa9: {  	[dreg:$0x3] =	wrdreg s5  }
0xaa: {  	[dreg:$0x4] =	wrdreg $0xC0  }
0xab: {  	_ =	task [dreg:s7], $0x5FFFF  }
0xac: {  	[dreg:$0x1] =	wrdreg $0xFFFFFFFF  }
0xad: {  	[dreg:$0x0] =	wrdreg $0x60  }
0xae: {  	[dreg:$0x2] =	wrdreg s2  }
0xaf: {  	[dreg:$0x3] =	wrdreg s24  }
0xb0: {  	[dreg:$0x4] =	wrdreg $0x28800  }
0xb1: {  	[dreg:$0x5] =	wrdreg $0x9  }
0xb2: {  	_ =	task.clear_ibuf [dreg:s7], $0x6FFFF;
	_ =	strace $0x90000046  }
0xb3: {  	s29 =	simm.s32 $0x9;
	_ =	strace $0x80000048  }
0xb4: {  	_ =	swait.ge [sflag:s29], $0x1  }
0xb5: {  	[sflag:s29] =	ssyncadd.s32 $0xFFFFFFFF  }
0xb6: {  	_ =	strace $0x90000048  }
0xb7: {  	_ =	sfence  }
0xb8: {  	s30 =	sld [smem:$0x0];
	_ =	sdelay $0x2  }
0xb9: {  	s31 =	sshll.u32 s1, $0xD;
	s1 =	sshrl.u32 s1, $0x2  }
0xba: {  	s3 =	sand.u32 $0x4000, s31;
	s1 =	sadd.s32 s1, s30  }
0xbb: {  	s0 =	sor.u32 s3, s0;
	s1 =	sshll.u32 s1, $0x11  }
0xbc: {  	s0 =	sor.u32 s1, s0  }
0xbd: {  	s0 =	sadd.s32 $0x8F2B, s0  }
0xbe: {  	[sflag:s0] =	ssyncadd.remote.s32 $0x1  }
0xbf: {  	_ =	sfence.sel $0xFFFF  }
0xc0: {  	[dreg:$0x0] =	wrdreg $0xFFFFFFFF;
	(pc) =	sbr.abs _section_cstart, $3  }
0xc1: {  	[dreg:$0x1] =	wrdreg $0xFFFFFFFF  }
0xc2: {  	_ =	task.clear_ibuf [dreg:s7], $0x2FFFF;
	_ =	strace $0x9FFFFFFF  }
0xc3: {  	(tm) =	ssettm $0x7FFFFFFF  }
tec
execute0_lowered:
.L_overlay_start_1:
0x0: {  	(tag) =	ssettag $0x1  }
0x1: {  	s5 =	rddreg [dreg:$0x0]  }
0x2: {  	s6 =	rddreg [dreg:$0x1]  }
0x3: {  	s1 =	rddreg [dreg:$0x2];
	s3 =	srdreg.scid  }
0x4: {  	s0 =	rddreg [dreg:$0x3];
	s2 =	simm.s32 $0x0;
	s8 =	stileid.u32  }
0x5: {  	s12 =	simm.s32 $0x0;
	s3 =	sand.u32 $0x1, s3;
	[smem:$0x7FF] =	sst s2  }
0x6: {  	p0 =	sne.s32 s8, $0x0;
	s7 =	sshll.u32 s3, $0x4;
	_ =	strace $0x80000047  }
0x7: {  	s9 =	ssub.s32 $0x2, s3;
	s3 =	sadd.s32 $0x4A00, s6;
	s4 =	sor.u32 s8, s7  }
0x8: {  	s10 =	sshrl.u32 s9, $0x1;
	s8 =	sshrl.u32 @!p0 s1, $0x3;
	s11 =	smul.u32 $0x500, s4  }
0x9: {  	s4 =	sadd.s32 $0x4400, s6;
	s6 =	sadd.s32 s7, s6;
	s31 =	ssub.s32 s9, s10  }
0xa: {  	s9 =	simm.s32 $0x2800;
	s10 =	simm.s32 $0x1;
	s6 =	sadd.s32 $0x4C00, s6  }
0xb: {  	s7 =	smax.u32 s31, $0x1;
	s5 =	sadd.s32 s5, s11;
	s11 =	simm.s32 $0x7D  }
.LBB2_1:
0xc: {  	s13 =	simm.s32 @!p0 $0x1C01  }
0xd: {  	[spmem:s8], [sflag:s13] =	dma.local @!p0 [hbm:s4], $0x4F0  }
0xe: {  	s13 =	simm.s32 @!p0 $0x1  }
0xf: {  	_ =	swait.ge @!p0 [sflag:s13], $0x4F0  }
0x10: {  	[sflag:s13] =	ssyncset.done @!p0 $0x0  }
0x11: {  	[sflag:s13] =	ssyncadd.s32 @!p0 $0xFFFFFB10  }
0x12: {  	[tilespmem:s9], [sflag:$0x1] =	stream.linear.gather [hbm4b:s3+s2], $0x80, $0x38;
	[tilespmem:$0x2AF8] =	vst v63  }
0x13: {  	_ =	swait.ge [sflag:s10], $0x80  }
0x14: {  	[sflag:s10] =	ssyncset.done $0x0  }
0x15: {  	[sflag:s10] =	ssyncadd.s32 $0xFFFFFF80  }
0x16: {  	[tilespmem:s2], [sflag:$0x1] =	stream.linear.gather [hbm4b:s5+s2], $0x2800, $0x38;
	[tilespmem:$0x2AF8] =	vst v63  }
0x17: {  	_ =	swait.ge [sflag:s10], $0x2800  }
0x18: {  	[sflag:s10] =	ssyncset.done $0x0  }
0x19: {  	[sflag:s10] =	ssyncadd.s32 $0xFFFFD800  }
0x1a: {  	s31 =	simm.s32 $0x0;
	[bflag:$0x0] =	sbarrier.arrive $0xFFFF  }
0x1b: {  	[spmem:s1] =	stream.indirect.scatter.add.f32 [tilespmem:s9], [sflag:$0x1], $0x1, s31, s11, $0xb8;
	[tilespmem:$0x2AF8] =	vst v63  }
0x1c: {  	_ =	swait.ge [sflag:s10], $0x7D  }
0x1d: {  	s13 =	simm.s32 $0x200;
	[sflag:s10] =	ssyncset.done $0x0  }
.LBB2_2:
0x1e: {  	s14 =	sshra.s32 s13, $0x2;
	[sflag:s10] =	ssyncadd.s32 $0xFFFFFF83;
	p1 =	sne.s32 s13, $0x9E00  }
0x1f: {  	[spmem:s1] =	stream.indirect.scatter.add.f32 [tilespmem:s9], [sflag:$0x1], $0x1, s14, s11, $0xb8;
	[tilespmem:$0x2AF8] =	vst v63  }
.Ltmp0:
0x20: {  	_ = 	snop;
	(pc) =	sbr.rel @p1 .LBB2_2-.Ltmp0, $4  }
0x21: {  	_ = 	snop  }
0x22: {  	s13 =	sadd.s32 $0x200, s13  }
0x23: {  	_ =	swait.ge [sflag:s10], $0x7D  }
0x24: {  	[sflag:s10] =	ssyncset.done $0x0  }
0x25: {  	[sflag:s10] =	ssyncadd.s32 $0xFFFFFF83;
	s13 =	simm.s32 @!p0 $0x1;
	s12 =	sadd.s32 $0x1, s12  }
0x26: {  	s14 =	simm.s32 @!p0 $0x20;
	s15 =	simm.s32 @!p0 $0x10;
	p1 =	sne.s32 s12, s7  }
.Ltmp1:
0x27: {  	s16 =	simm.s32 @!p0 $0x1C01;
	[bflag:$0x0] =	sbarrier.arrive $0xFFFF;
	(pc) =	sbr.rel @p1 .LBB2_1-.Ltmp1, $4  }
0x28: {  	[hbm:s6@s14], [sflag:s16] =	dma.strided @!p0 [spmem:s8@s15], $0x4F0, s13, $0x10   }
0x29: {  	_ =	swait.ge @!p0 [sflag:s13], $0x4F0  }
0x2a: {  	[sflag:s13] =	ssyncset.done @!p0 $0x0  }
0x2b: {  	[sflag:s13] =	ssyncadd.s32 @!p0 $0xFFFFFB10  }
0x2c: {  	_ =	sfence.sel $0x180000  }
0x2d: {  	[bflag:$0x0] =	sbarrier.arrive $0xFFFF  }
0x2e: {  	_ =	strace $0x90000047  }
0x2f: {  	s0 =	sadd.s32 @!p0 $0x100000, s0;
	[bflag:$0x2] =	sbarrier.arrive $0xFFFF  }
0x30: {  	[sflag:s0] =	ssyncadd.tile.s32 @!p0 $0x1;
	_ =	shalt  }
.Lfunc_end2:
_tile_overlayer_lowered:
.L_overlay_start_2:
0x31: {  	(tag) =	ssettag $0x2  }
0x32: {  	s0 =	rddreg [dreg:$0x0];
	s2 =	stileid.u32  }
0x33: {  	s1 =	rddreg [dreg:$0x1];
	p0 =	sne.s32 s2, $0x0  }
0x34: {  	s3 =	rddreg [dreg:$0x2];
	[bflag:$0x3] =	sbarrier.arrive $0xFFFF;
	s2 =	simm.s32 @!p0 $0x1C01  }
0x35: {  	[timem:s3], [sflag:s2] =	dma.local @!p0 [hbm:s0], s1  }
0x36: {  	s0 =	simm.s32 @!p0 $0x1  }
0x37: {  	_ =	swait.ge @!p0 [sflag:s0], s1  }
0x38: {  	s1 =	ssub.s32 @!p0 $0x0, s1;
	[sflag:s0] =	ssyncset.done @!p0 $0x0  }
0x39: {  	[sflag:s0] =	ssyncadd.s32 @!p0 s1  }
0x3a: {  	[bflag:$0x3] =	sbarrier.arrive $0xFFFF  }
0x3b: {  	_ =	shalt  }

// kernel: kernel.15.cloned.1.call-start
scs
__scs_entry_jumppad:
0x0: {  	(pc) =	sbr.rel $0x88, $3  }
0x1: {  	(tag) =	ssettag $0x0;
	lr =	simm.s32 $0x1  }
0x2: {  	[smem:$0x3F91] =	sst lr;
	_ =	strace $0xD0000000  }
0x3: {  	_ = 	snop  }
0x4: {  	_ = 	snop  }
0x5: {  	_ = 	snop  }
0x6: {  	_ = 	snop  }
0x7: {  	_ = 	snop  }
__scs_overlays_trampoline_lowered:
0x8: {  	[smem:$0x3FA0] =	sst s0  }
0x9: {  	[smem:$0x3FA1] =	sst s1  }
0xa: {  	[smem:$0x3FA2] =	sst s2  }
0xb: {  	[smem:$0x3FA3] =	sst s3  }
0xc: {  	[smem:$0x3FA4] =	sst s4  }
0xd: {  	[smem:$0x3FA5] =	sst s5  }
0xe: {  	[smem:$0x3FA6] =	sst s6  }
0xf: {  	[smem:$0x3FA7] =	sst s7  }
0x10: {  	[smem:$0x3FA8] =	sst s8  }
0x11: {  	[smem:$0x3FA9] =	sst s9;
	s0 =	simm.s32 @!p0 $0x0  }
0x12: {  	s1 =	sld [smem:$0x3F8F];
	s0 =	simm.s32 @p0 $0x1  }
0x13: {  	[smem:$0x3FAA] =	sst s0;
	s0 =	simm.s32 @!p1 $0x0  }
0x14: {  	s2 =	sld [smem:$0x3F8E];
	s0 =	simm.s32 @p1 $0x1  }
0x15: {  	[smem:$0x3FAB] =	sst s0;
	s0 =	simm.s32 @!p2 $0x0  }
0x16: {  	s3 =	sld [smem:$0x3FDB];
	s0 =	simm.s32 @p2 $0x1  }
0x17: {  	s4 =	simm.s32 $0x1BF5;
	[smem:$0x3FAD] =	sst s0  }
0x18: {  	s0 =	sld [smem:$0x3F90];
	_ =	swait.ge [sflag:s4], $0x0  }
0x19: {  	s7 =	sld [smem:$0x3F91]  }
0x1a: {  	s8 =	sadd.s32 $0xFFFFE003, lr  }
0x1b: {  	s9 =	sadd.s32 $0xFFFFFEF7, lr;
	s5 =	simm.s32 $0xFFFFFFFF;
	p2 =	slt.u32 s8, $0xFFFFF086  }
0x1c: {  	p1 =	slt.u32 s9, $0xF7A;
	s5 =	simm.s32 @!p2 $0x0  }
0x1d: {  	s5 =	simm.s32 @p1 $0x1;
	p0 =	seq.s32 s7, s2  }
0x1e: {  	s7 =	smul.u32 @!p0 $0xF7A, s2;
	p2 =	seq.s32 @!p0 s5, $0x0  }
0x1f: {  	s9 =	smul.u32 $0xF7A, s1;
	s8 =	simm.s32 @!p0 $0x1BF5;
	p2 =	por !p2, p0  }
0x20: {  	[sflag:s8] =	ssyncset.s32 @!p0 $0xFFFFF086;
	s6 =	sadd.s32 @!p0 s3, s7;
	s7 =	simm.s32 @!p0 $0x108  }
0x21: {  	s3 =	sadd.s32 s3, s9;
	s6 =	sadd.s32 @!p0 $0x88, s6;
	s7 =	simm.s32 @p2 $0x1082  }
0x22: {  	[simem:s7], [sflag:s8] =	dma.local @!p0 [hbm:s6], $0xF7A  }
0x23: {  	s9 =	sor.u32 $0xD0000000, s2;
	s6 =	simm.s32 $0x108;
	_ =	swait.ge @!p0 [sflag:s8], $0x0  }
0x24: {  	s3 =	sadd.s32 $0x88, s3;
	s6 =	simm.s32 @!p1 $0x1082;
	[sflag:s4] =	ssyncset.s32 $0xFFFFF086  }
0x25: {  	[simem:s6], [sflag:s4] =	dma.local [hbm:s3], $0xF7A  }
0x26: {  	[smem:$0x3F91] =	sst s1;
	(tag) =	ssettag s2;
	_ =	strace s9  }
0x27: {  	s1 =	sld [smem:$0x3FA1]  }
0x28: {  	s2 =	sld [smem:$0x3FA2]  }
0x29: {  	s4 =	sld [smem:$0x3FA4]  }
0x2a: {  	p0 =	seq.s32 s5, $0x0;
	s5 =	sld [smem:$0x3FA5]  }
0x2b: {  	s6 =	sld [smem:$0x3FA6]  }
0x2c: {  	s7 =	sld [smem:$0x3FA7]  }
0x2d: {  	s3 =	simm.s32 $0x108;
	s8 =	sld [smem:$0x3FA8]  }
0x2e: {  	s3 =	simm.s32 @!p0 $0x1082;
	s9 =	sld [smem:$0x3FA9]  }
0x2f: {  	lr =	sadd.s32 s0, s3;
	s0 =	sld [smem:$0x3FA0]  }
0x30: {  	s3 =	sld [smem:$0x3FA3]  }
0x31: {  	[smem:$0x3FAC] =	sst s10  }
0x32: {  	s10 =	sld [smem:$0x3FAA];
	_ =	sdelay $0x3  }
0x33: {  	p0 =	seq.s32 s10, $0x1;
	s10 =	sld [smem:$0x3FAC];
	_ =	sdelay $0x3  }
0x34: {  	[smem:$0x3FAC] =	sst s10  }
0x35: {  	s10 =	sld [smem:$0x3FAB];
	_ =	sdelay $0x3  }
0x36: {  	p1 =	seq.s32 s10, $0x1;
	s10 =	sld [smem:$0x3FAC];
	_ =	sdelay $0x3  }
0x37: {  	[smem:$0x3FAC] =	sst s10  }
0x38: {  	s10 =	sld [smem:$0x3FAD]  }
0x39: {  	_ = 	snop;
	(pc) =	sbr.ind lr, $3  }
0x3a: {  	_ = 	snop  }
0x3b: {  	_ = 	snop  }
0x3c: {  	p2 =	seq.s32 s10, $0x1;
	s10 =	sld [smem:$0x3FAC]  }
0x3d: {  	_ =	shalt  }
0x3e: {  	_ =	shalt  }
0x3f: {  	_ =	shalt  }
0x40: {  	_ =	shalt  }
0x41: {  	_ =	shalt  }
0x42: {  	_ =	shalt  }
0x43: {  	_ =	shalt  }
0x44: {  	_ =	shalt  }
0x45: {  	_ =	shalt  }
0x46: {  	_ =	shalt  }
0x47: {  	_ =	shalt  }
0x48: {  	_ =	shalt  }
0x49: {  	_ =	shalt  }
0x4a: {  	_ =	shalt  }
0x4b: {  	_ =	shalt  }
0x4c: {  	_ =	shalt  }
0x4d: {  	_ =	shalt  }
0x4e: {  	_ =	shalt  }
0x4f: {  	_ =	shalt  }
0x50: {  	_ =	shalt  }
0x51: {  	_ =	shalt  }
0x52: {  	_ =	shalt  }
0x53: {  	_ =	shalt  }
0x54: {  	_ =	shalt  }
0x55: {  	_ =	shalt  }
0x56: {  	_ =	shalt  }
0x57: {  	_ =	shalt  }
0x58: {  	_ =	shalt  }
0x59: {  	_ =	shalt  }
0x5a: {  	_ =	shalt  }
0x5b: {  	_ =	shalt  }
0x5c: {  	_ =	shalt  }
0x5d: {  	_ =	shalt  }
0x5e: {  	_ =	shalt  }
0x5f: {  	_ =	shalt  }
0x60: {  	_ =	shalt  }
0x61: {  	_ =	shalt  }
0x62: {  	_ =	shalt  }
0x63: {  	_ =	shalt  }
0x64: {  	_ =	shalt  }
0x65: {  	_ =	shalt  }
0x66: {  	_ =	shalt  }
0x67: {  	_ =	shalt  }
0x68: {  	_ =	shalt  }
0x69: {  	_ =	shalt  }
0x6a: {  	_ =	shalt  }
0x6b: {  	_ =	shalt  }
0x6c: {  	_ =	shalt  }
0x6d: {  	_ =	shalt  }
0x6e: {  	_ =	shalt  }
0x6f: {  	_ =	shalt  }
0x70: {  	_ =	shalt  }
0x71: {  	_ =	shalt  }
0x72: {  	_ =	shalt  }
0x73: {  	_ =	shalt  }
0x74: {  	_ =	shalt  }
0x75: {  	_ =	shalt  }
0x76: {  	_ =	shalt  }
0x77: {  	_ =	shalt  }
0x78: {  	_ =	shalt  }
0x79: {  	_ =	shalt  }
0x7a: {  	_ =	shalt  }
0x7b: {  	_ =	shalt  }
0x7c: {  	_ =	shalt  }
0x7d: {  	_ =	shalt  }
0x7e: {  	_ =	shalt  }
0x7f: {  	_ =	shalt  }
0x80: {  	_ =	shalt  }
0x81: {  	_ =	shalt  }
0x82: {  	_ =	shalt  }
0x83: {  	_ =	shalt  }
0x84: {  	_ =	shalt  }
0x85: {  	_ =	shalt  }
0x86: {  	_ =	shalt  }
0x87: {  	_ =	shalt  }
.Lfunc_end0:
.L_simem_size_0:
called_computation.1_lowered:
.L_overlay_start_0:
0x88: {  	s2 =	sld [smem:$0x3FD9]  }
0x89: {  	s3 =	sld [smem:$0x3FFE];
	_ =	sdelay $0x1  }
0x8a: {  	s1 =	srdreg.scid  }
0x8b: {  	s0 =	sand.u32 $0x1, s1  }
0x8c: {  	s17 =	sshll.u32 s0, $0xA;
	s2 =	sadd.s32 s3, s2  }
0x8d: {  	s2 =	sadd.s32 s2, s17  }
0x8e: {  	[smem:$0x3FB8] =	sst s2  }
0x8f: {  	_ = 	snop  }
0x90: {  	s2 =	sld [smem:$0x3FD0];
	(tm) =	ssettm $0x1  }
0x91: {  	s18 =	sld [smem:$0x3FFB];
	_ =	sdelay $0x3  }
0x92: {  	_ =	strace s18  }
0x93: {  	s3 =	sld [smem:$0x3FFC];
	_ =	sdelay $0x3  }
0x94: {  	_ =	strace s3  }
0x95: {  	s3 =	sld [smem:$0x3FFD];
	_ =	sdelay $0x3  }
0x96: {  	_ =	strace s3  }
0x97: {  	_ =	strace $0x8FFFFFFF  }
0x98: {  	s19 =	sld [smem:$0x3FDB];
	_ =	sdelay $0x1  }
0x99: {  	s4 =	simm.s32 $_scs_section_size  }
0x9a: {  	s5 =	simm.s32 $_size__tile_overlayer_lowered;
	s6 =	simm.s32 $_tile_overlayer_lowered  }
0x9b: {  	s22 =	simm.s32 $0x1BFF;
	s21 =	sshll.u32 s6, $0x1;
	s3 =	sadd.s32 s4, s19  }
0x9c: {  	s7 =	simm.s32 $0x0;
	s20 =	sshll.u32 s5, $0x1;
	s5 =	sadd.s32 s21, s3  }
0x9d: {  	[timem:s7], [sflag:s22] =	dma.local [hbm:s5], s20  }
0x9e: {  	_ =	swait.ge [sflag:s22], s20  }
0x9f: {  	s4 =	ssub.s32 $0x0, s20;
	[sflag:s22] =	ssyncset.done $0x0  }
0xa0: {  	[sflag:s22] =	ssyncadd.s32 s4;
	_ =	sdelay $0x1  }
0xa1: {  	s23 =	simm.s32 $0x1B8B  }
0xa2: {  	_ =	swait.ge [sflag:s23], $0x1  }
0xa3: {  	[sflag:s23] =	ssyncset.done $0x0  }
0xa4: {  	s25 =	simm.s32 $0x1B8E;
	s24 =	sld [smem:$0x3FFE];
	[sflag:s23] =	ssyncadd.s32 $0xFFFFFFFF  }
0xa5: {  	s26 =	simm.s32 $execute0_lowered;
	[smem:$0x3FD2] =	sst s25  }
0xa6: {  	s5 =	sshll.u32 s26, $0x1;
	_ =	strace $0x80000049;
	[dreg:$0x1] =	wrdreg $0xFFFFFFFF  }
0xa7: {  	s28 =	simm.s32 $_size_execute0_lowered;
	s3 =	sadd.s32 s3, s5;
	[dreg:$0x0] =	wrdreg $0x0  }
0xa8: {  	s5 =	sshll.u32 s28, $0x1;
	[dreg:$0x2] =	wrdreg s3  }
0xa9: {  	[dreg:$0x3] =	wrdreg s5  }
0xaa: {  	[dreg:$0x4] =	wrdreg $0xC0  }
0xab: {  	_ =	task [dreg:s7], $0x5FFFF  }
0xac: {  	[dreg:$0x1] =	wrdreg $0xFFFFFFFF  }
0xad: {  	[dreg:$0x0] =	wrdreg $0x60  }
0xae: {  	[dreg:$0x2] =	wrdreg s2  }
0xaf: {  	[dreg:$0x3] =	wrdreg s24  }
0xb0: {  	[dreg:$0x4] =	wrdreg $0xA8000  }
0xb1: {  	[dreg:$0x5] =	wrdreg $0x9  }
0xb2: {  	_ =	task.clear_ibuf [dreg:s7], $0x6FFFF;
	_ =	strace $0x90000049  }
0xb3: {  	s29 =	simm.s32 $0x9;
	_ =	strace $0x8000004B  }
0xb4: {  	_ =	swait.ge [sflag:s29], $0x1  }
0xb5: {  	[sflag:s29] =	ssyncadd.s32 $0xFFFFFFFF  }
0xb6: {  	_ =	strace $0x9000004B  }
0xb7: {  	_ =	sfence  }
0xb8: {  	s30 =	sld [smem:$0x0];
	_ =	sdelay $0x2  }
0xb9: {  	s31 =	sshll.u32 s1, $0xD;
	s1 =	sshrl.u32 s1, $0x2  }
0xba: {  	s3 =	sand.u32 $0x4000, s31;
	s1 =	sadd.s32 s1, s30  }
0xbb: {  	s0 =	sor.u32 s3, s0;
	s1 =	sshll.u32 s1, $0x11  }
0xbc: {  	s0 =	sor.u32 s1, s0  }
0xbd: {  	s0 =	sadd.s32 $0x8F2B, s0  }
0xbe: {  	[sflag:s0] =	ssyncadd.remote.s32 $0x1  }
0xbf: {  	_ =	sfence.sel $0xFFFF  }
0xc0: {  	[dreg:$0x0] =	wrdreg $0xFFFFFFFF;
	(pc) =	sbr.abs _section_cstart, $3  }
0xc1: {  	[dreg:$0x1] =	wrdreg $0xFFFFFFFF  }
0xc2: {  	_ =	task.clear_ibuf [dreg:s7], $0x2FFFF;
	_ =	strace $0x9FFFFFFF  }
0xc3: {  	(tm) =	ssettm $0x7FFFFFFF  }
tec
execute0_lowered:
.L_overlay_start_1:
0x0: {  	(tag) =	ssettag $0x1  }
0x1: {  	s1 =	rddreg [dreg:$0x0]  }
0x2: {  	s5 =	rddreg [dreg:$0x1]  }
0x3: {  	s2 =	rddreg [dreg:$0x2]  }
0x4: {  	s0 =	rddreg [dreg:$0x3]  }
0x5: {  	s4 =	simm.s32 $0x0;
	s3 =	stileid.u32;
	s6 =	srdreg.scid  }
0x6: {  	s16 =	simm.s32 $0x7D;
	s17 =	simm.s32 $0x2800;
	s18 =	simm.s32 $0x6800  }
0x7: {  	s19 =	simm.s32 $0x1;
	s20 =	simm.s32 $0x2;
	s21 =	simm.s32 $0x1380  }
0x8: {  	s22 =	simm.s32 $0x2700;
	s23 =	simm.s32 $0x2780;
	s24 =	simm.s32 $0x0  }
0x9: {  	[smem:$0x7FF] =	sst s4;
	s8 =	sadd.s32 $0xF600, s5;
	s9 =	sadd.s32 $0x5600, s5  }
0xa: {  	s7 =	smul.u32 $0x3E80, s3;
	s6 =	sand.u32 $0x1, s6;
	s12 =	sshll.u32 s3, $0x1  }
0xb: {  	s14 =	smul.u32 $0x7D000, s3;
	p0 =	sgt.u32 s3, $0x9;
	_ =	strace $0x8000004A  }
0xc: {  	s10 =	smul.u32 $0x27100, s6;
	s11 =	sshll.u32 s6, $0x5;
	s6 =	ssub.s32 $0x2, s6  }
0xd: {  	s13 =	sadd.s32 s7, s5;
	s11 =	sor.u32 s12, s11;
	s30 =	sshrl.u32 s6, $0x1  }
0xe: {  	s14 =	sshrl.u32 s14, $0x2;
	s7 =	sadd.s32 s7, s10;
	s29 =	smul.u32 $0x280, s11  }
0xf: {  	s11 =	smul.u32 $0x1400, s11;
	s12 =	ssub.s32 s6, s30;
	s14 =	sadd.s32 s14, s2  }
0x10: {  	s15 =	sadd.s32 s7, s5;
	s5 =	sadd.s32 $0x19600, s13;
	s13 =	sshll.u32 @!p0 s3, $0x6  }
0x11: {  	s6 =	sadd.s32 s8, s29;
	s11 =	sshrl.u32 s11, $0x3;
	s7 =	sadd.s32 s9, s29  }
0x12: {  	s10 =	sadd.s32 $0x40800, s15;
	s15 =	simm.s32 $0x1400;
	s31 =	sadd.s32 $0x280, s11  }
0x13: {  	s11 =	smax.u32 s12, $0x1;
	s12 =	sor.u32 @!p0 $0x1C03, s13;
	s13 =	sshrl.u32 @!p0 s14, $0x3  }
0x14: {  	s14 =	simm.s32 $0x3;
	s8 =	sadd.s32 s8, s31;
	s9 =	sadd.s32 s9, s31  }
.LBB2_1:
0x15: {  	[spmem:s13], [sflag:s12] =	dma.local @!p0 [hbm:s5], $0x3E80  }
0x16: {  	s25 =	simm.s32 @!p0 $0x3  }
0x17: {  	_ =	swait.ge @!p0 [sflag:s25], $0x3E80  }
0x18: {  	[sflag:s25] =	ssyncset.done @!p0 $0x0  }
0x19: {  	[sflag:s25] =	ssyncadd.s32 @!p0 $0xFFFFC180  }
0x1a: {  	[tilespmem:s4], [sflag:$0x3] =	stream.linear.gather [hbm4b:s6+s4], $0x1400, $0x38;
	[tilespmem:$0x1E080] =	vst v63  }
0x1b: {  	_ =	swait.ge [sflag:s14], $0x1400  }
0x1c: {  	[sflag:s14] =	ssyncset.done $0x0  }
0x1d: {  	[sflag:s14] =	ssyncadd.s32 $0xFFFFEC00  }
0x1e: {  	[tilespmem:s15], [sflag:$0x3] =	stream.linear.gather [hbm4b:s7+s4], $0x1400, $0x38;
	[tilespmem:$0x1E080] =	vst v63  }
0x1f: {  	_ =	swait.ge [sflag:s14], $0x1400  }
0x20: {  	[sflag:s14] =	ssyncset.done $0x0  }
0x21: {  	[sflag:s14] =	ssyncadd.s32 $0xFFFFEC00  }
0x22: {  	[bflag:$0x0] =	sbarrier.arrive $0xFFFF  }
0x23: {  	[tilespmem:s17], [sflag:$0x1] =	stream.indirect.gather [hbm4b:s1+s16], $0x80, s4, s16, $0xb8;
	[tilespmem:$0x1E080] =	vst v63  }
0x24: {  	s28 =	simm.s32 $0x80  }
0x25: {  	[tilespmem:s18], [sflag:$0x2] =	stream.indirect.gather [hbm4b:s1+s16], $0x80, s28, s16, $0xb8;
	[tilespmem:$0x1E080] =	vst v63  }
0x26: {  	_ =	swait.ge [sflag:s19], $0x3E80  }
0x27: {  	[sflag:s19] =	ssyncset.done $0x0  }
0x28: {  	s29 =	simm.s32 $0x1400;
	[sflag:s19] =	ssyncadd.s32 $0xFFFFC180  }
0x29: {  	[spmem:s2] =	stream.indirect.scatter.add.f32 [tilespmem:s17], [sflag:$0x3], $0x80, s29, s16, $0xb8;
	[tilespmem:$0x1E080] =	vst v63  }
0x2a: {  	_ =	swait.ge [sflag:s14], $0x3E80  }
0x2b: {  	[sflag:s14] =	ssyncset.done $0x0  }
0x2c: {  	s30 =	simm.s32 $0x100;
	[sflag:s14] =	ssyncadd.s32 $0xFFFFC180  }
0x2d: {  	[tilespmem:s17], [sflag:$0x1] =	stream.indirect.gather [hbm4b:s1+s16], $0x80, s30, s16, $0xb8;
	[tilespmem:$0x1E080] =	vst v63  }
0x2e: {  	_ =	swait.ge [sflag:s20], $0x3E80  }
0x2f: {  	[sflag:s20] =	ssyncset.done $0x0  }
0x30: {  	s31 =	simm.s32 $0x1480;
	[sflag:s20] =	ssyncadd.s32 $0xFFFFC180  }
0x31: {  	[spmem:s2] =	stream.indirect.scatter.add.f32 [tilespmem:s18], [sflag:$0x3], $0x80, s31, s16, $0xb8;
	[tilespmem:$0x1E080] =	vst v63  }
0x32: {  	_ =	swait.ge [sflag:s14], $0x3E80  }
0x33: {  	s26 =	simm.s32 $0x800;
	s25 =	simm.s32 $0x100;
	[sflag:s14] =	ssyncset.done $0x0  }
.LBB2_2:
0x34: {  	s28 =	sadd.s32 $0x80, s25  }
0x35: {  	[sflag:s14] =	ssyncadd.s32 $0xFFFFC180;
	s29 =	smov.u32 s26;
	s30 =	sadd.s32 $0x400, s26  }
0x36: {  	[tilespmem:s18], [sflag:$0x2] =	stream.indirect.gather [hbm4b:s1+s16], $0x80, s28, s16, $0xb8;
	[tilespmem:$0x1E080] =	vst v63  }
0x37: {  	p1 =	sne.s32 s26, $0x4800;
	_ =	swait.ge [sflag:s19], $0x3E80  }
0x38: {  	[sflag:s19] =	ssyncset.done $0x0  }
0x39: {  	s26 =	sadd.s32 $0x1400, s25;
	[sflag:s19] =	ssyncadd.s32 $0xFFFFC180  }
0x3a: {  	[spmem:s2] =	stream.indirect.scatter.add.f32 [tilespmem:s17], [sflag:$0x3], $0x80, s26, s16, $0xb8;
	[tilespmem:$0x1E080] =	vst v63  }
0x3b: {  	_ =	swait.ge [sflag:s14], $0x3E80  }
0x3c: {  	[sflag:s14] =	ssyncset.done $0x0  }
0x3d: {  	s26 =	sadd.s32 $0x100, s25;
	[sflag:s14] =	ssyncadd.s32 $0xFFFFC180  }
0x3e: {  	[tilespmem:s17], [sflag:$0x1] =	stream.indirect.gather [hbm4b:s1+s16], $0x80, s26, s16, $0xb8;
	[tilespmem:$0x1E080] =	vst v63  }
0x3f: {  	_ =	swait.ge [sflag:s20], $0x3E80  }
.Ltmp0:
0x40: {  	[sflag:s20] =	ssyncset.done $0x0;
	(pc) =	sbr.rel @p1 .LBB2_2-.Ltmp0, $4  }
0x41: {  	s25 =	sadd.s32 $0x1480, s25;
	[sflag:s20] =	ssyncadd.s32 $0xFFFFC180  }
0x42: {  	[spmem:s2] =	stream.indirect.scatter.add.f32 [tilespmem:s18], [sflag:$0x3], $0x80, s25, s16, $0xb8;
	[tilespmem:$0x1E080] =	vst v63  }
0x43: {  	_ =	swait.ge [sflag:s14], $0x3E80  }
0x44: {  	s26 =	smov.u32 s30;
	s25 =	sshra.s32 s29, $0x2;
	[sflag:s14] =	ssyncset.done $0x0  }
0x45: {  	s26 =	sadd.s32 $0x80, s25;
	[sflag:s14] =	ssyncadd.s32 $0xFFFFC180  }
0x46: {  	[tilespmem:s18], [sflag:$0x2] =	stream.indirect.gather [hbm4b:s1+s16], $0x80, s26, s16, $0xb8;
	[tilespmem:$0x1E080] =	vst v63  }
0x47: {  	_ =	swait.ge [sflag:s19], $0x3E80  }
0x48: {  	[sflag:s19] =	ssyncset.done $0x0  }
0x49: {  	s29 =	sadd.s32 $0x1400, s25;
	[sflag:s19] =	ssyncadd.s32 $0xFFFFC180  }
0x4a: {  	[spmem:s2] =	stream.indirect.scatter.add.f32 [tilespmem:s17], [sflag:$0x3], $0x80, s29, s16, $0xb8;
	[tilespmem:$0x1E080] =	vst v63  }
0x4b: {  	_ =	swait.ge [sflag:s14], $0x3E80  }
0x4c: {  	[sflag:s14] =	ssyncset.done $0x0  }
0x4d: {  	s30 =	sadd.s32 $0x100, s25;
	[sflag:s14] =	ssyncadd.s32 $0xFFFFC180  }
0x4e: {  	[tilespmem:s17], [sflag:$0x1] =	stream.indirect.gather [hbm4b:s1+s16], $0x80, s30, s16, $0xb8;
	[tilespmem:$0x1E080] =	vst v63  }
0x4f: {  	_ =	swait.ge [sflag:s20], $0x3E80  }
0x50: {  	[sflag:s20] =	ssyncset.done $0x0  }
0x51: {  	s31 =	sadd.s32 $0x1480, s25;
	[sflag:s20] =	ssyncadd.s32 $0xFFFFC180  }
0x52: {  	[spmem:s2] =	stream.indirect.scatter.add.f32 [tilespmem:s18], [sflag:$0x3], $0x80, s31, s16, $0xb8;
	[tilespmem:$0x1E080] =	vst v63  }
0x53: {  	_ =	swait.ge [sflag:s14], $0x3E80  }
0x54: {  	[sflag:s14] =	ssyncset.done $0x0  }
0x55: {  	[sflag:s14] =	ssyncadd.s32 $0xFFFFC180  }
0x56: {  	[tilespmem:s18], [sflag:$0x2] =	stream.indirect.gather [hbm4b:s1+s16], $0x80, s21, s16, $0xb8;
	[tilespmem:$0x1E080] =	vst v63  }
0x57: {  	_ =	swait.ge [sflag:s19], $0x3E80  }
0x58: {  	[sflag:s19] =	ssyncset.done $0x0  }
0x59: {  	[sflag:s19] =	ssyncadd.s32 $0xFFFFC180  }
0x5a: {  	[spmem:s2] =	stream.indirect.scatter.add.f32 [tilespmem:s17], [sflag:$0x3], $0x80, s22, s16, $0xb8;
	[tilespmem:$0x1E080] =	vst v63  }
0x5b: {  	_ =	swait.ge [sflag:s14], $0x3E80  }
0x5c: {  	[sflag:s14] =	ssyncset.done $0x0  }
0x5d: {  	[sflag:s14] =	ssyncadd.s32 $0xFFFFC180  }
0x5e: {  	_ =	swait.ge [sflag:s20], $0x3E80  }
0x5f: {  	[sflag:s20] =	ssyncset.done $0x0  }
0x60: {  	[sflag:s20] =	ssyncadd.s32 $0xFFFFC180  }
0x61: {  	[spmem:s2] =	stream.indirect.scatter.add.f32 [tilespmem:s18], [sflag:$0x3], $0x80, s23, s16, $0xb8;
	[tilespmem:$0x1E080] =	vst v63  }
0x62: {  	_ =	swait.ge [sflag:s14], $0x3E80  }
0x63: {  	[sflag:s14] =	ssyncset.done $0x0  }
0x64: {  	s26 =	simm.s32 $0x0;
	[sflag:s14] =	ssyncadd.s32 $0xFFFFC180  }
0x65: {  	[tilespmem:s26], [sflag:$0x3] =	stream.linear.gather [hbm4b:s8+s26], $0x1400, $0x38;
	[tilespmem:$0x1E080] =	vst v63  }
0x66: {  	_ =	swait.ge [sflag:s14], $0x1400  }
0x67: {  	[sflag:s14] =	ssyncset.done $0x0  }
0x68: {  	[sflag:s14] =	ssyncadd.s32 $0xFFFFEC00  }
0x69: {  	[tilespmem:s15], [sflag:$0x3] =	stream.linear.gather [hbm4b:s9+s26], $0x1400, $0x38;
	[tilespmem:$0x1E080] =	vst v63  }
0x6a: {  	_ =	swait.ge [sflag:s14], $0x1400  }
0x6b: {  	[sflag:s14] =	ssyncset.done $0x0  }
0x6c: {  	[sflag:s14] =	ssyncadd.s32 $0xFFFFEC00  }
0x6d: {  	[tilespmem:s17], [sflag:$0x1] =	stream.indirect.gather [hbm4b:s1+s16], $0x80, s26, s16, $0xb8;
	[tilespmem:$0x1E080] =	vst v63  }
0x6e: {  	s28 =	simm.s32 $0x80  }
0x6f: {  	[tilespmem:s18], [sflag:$0x2] =	stream.indirect.gather [hbm4b:s1+s16], $0x80, s28, s16, $0xb8;
	[tilespmem:$0x1E080] =	vst v63  }
0x70: {  	_ =	swait.ge [sflag:s19], $0x3E80  }
0x71: {  	[sflag:s19] =	ssyncset.done $0x0  }
0x72: {  	s29 =	simm.s32 $0x1400;
	[sflag:s19] =	ssyncadd.s32 $0xFFFFC180  }
0x73: {  	[spmem:s2] =	stream.indirect.scatter.add.f32 [tilespmem:s17], [sflag:$0x3], $0x80, s29, s16, $0xb8;
	[tilespmem:$0x1E080] =	vst v63  }
0x74: {  	_ =	swait.ge [sflag:s14], $0x3E80  }
0x75: {  	[sflag:s14] =	ssyncset.done $0x0  }
0x76: {  	s30 =	simm.s32 $0x100;
	[sflag:s14] =	ssyncadd.s32 $0xFFFFC180  }
0x77: {  	[tilespmem:s17], [sflag:$0x1] =	stream.indirect.gather [hbm4b:s1+s16], $0x80, s30, s16, $0xb8;
	[tilespmem:$0x1E080] =	vst v63  }
0x78: {  	_ =	swait.ge [sflag:s20], $0x3E80  }
0x79: {  	[sflag:s20] =	ssyncset.done $0x0  }
0x7a: {  	s31 =	simm.s32 $0x1480;
	[sflag:s20] =	ssyncadd.s32 $0xFFFFC180  }
0x7b: {  	[spmem:s2] =	stream.indirect.scatter.add.f32 [tilespmem:s18], [sflag:$0x3], $0x80, s31, s16, $0xb8;
	[tilespmem:$0x1E080] =	vst v63  }
0x7c: {  	_ =	swait.ge [sflag:s14], $0x3E80  }
0x7d: {  	s25 =	simm.s32 $0x100;
	s26 =	simm.s32 $0x800;
	[sflag:s14] =	ssyncset.done $0x0  }
.LBB2_4:
0x7e: {  	s28 =	sadd.s32 $0x80, s25  }
0x7f: {  	[sflag:s14] =	ssyncadd.s32 $0xFFFFC180;
	s29 =	smov.u32 s26;
	s30 =	sadd.s32 $0x400, s26  }
0x80: {  	[tilespmem:s18], [sflag:$0x2] =	stream.indirect.gather [hbm4b:s1+s16], $0x80, s28, s16, $0xb8;
	[tilespmem:$0x1E080] =	vst v63  }
0x81: {  	p1 =	sne.s32 s26, $0x4800;
	_ =	swait.ge [sflag:s19], $0x3E80  }
0x82: {  	[sflag:s19] =	ssyncset.done $0x0  }
0x83: {  	s26 =	sadd.s32 $0x1400, s25;
	[sflag:s19] =	ssyncadd.s32 $0xFFFFC180  }
0x84: {  	[spmem:s2] =	stream.indirect.scatter.add.f32 [tilespmem:s17], [sflag:$0x3], $0x80, s26, s16, $0xb8;
	[tilespmem:$0x1E080] =	vst v63  }
0x85: {  	_ =	swait.ge [sflag:s14], $0x3E80  }
0x86: {  	[sflag:s14] =	ssyncset.done $0x0  }
0x87: {  	s26 =	sadd.s32 $0x100, s25;
	[sflag:s14] =	ssyncadd.s32 $0xFFFFC180  }
0x88: {  	[tilespmem:s17], [sflag:$0x1] =	stream.indirect.gather [hbm4b:s1+s16], $0x80, s26, s16, $0xb8;
	[tilespmem:$0x1E080] =	vst v63  }
0x89: {  	_ =	swait.ge [sflag:s20], $0x3E80  }
.Ltmp1:
0x8a: {  	[sflag:s20] =	ssyncset.done $0x0;
	(pc) =	sbr.rel @p1 .LBB2_4-.Ltmp1, $4  }
0x8b: {  	s25 =	sadd.s32 $0x1480, s25;
	[sflag:s20] =	ssyncadd.s32 $0xFFFFC180  }
0x8c: {  	[spmem:s2] =	stream.indirect.scatter.add.f32 [tilespmem:s18], [sflag:$0x3], $0x80, s25, s16, $0xb8;
	[tilespmem:$0x1E080] =	vst v63  }
0x8d: {  	_ =	swait.ge [sflag:s14], $0x3E80  }
0x8e: {  	s26 =	smov.u32 s30;
	s25 =	sshra.s32 s29, $0x2;
	[sflag:s14] =	ssyncset.done $0x0  }
0x8f: {  	s26 =	sadd.s32 $0x80, s25;
	[sflag:s14] =	ssyncadd.s32 $0xFFFFC180  }
0x90: {  	[tilespmem:s18], [sflag:$0x2] =	stream.indirect.gather [hbm4b:s1+s16], $0x80, s26, s16, $0xb8;
	[tilespmem:$0x1E080] =	vst v63  }
0x91: {  	_ =	swait.ge [sflag:s19], $0x3E80  }
0x92: {  	[sflag:s19] =	ssyncset.done $0x0  }
0x93: {  	s29 =	sadd.s32 $0x1400, s25;
	[sflag:s19] =	ssyncadd.s32 $0xFFFFC180  }
0x94: {  	[spmem:s2] =	stream.indirect.scatter.add.f32 [tilespmem:s17], [sflag:$0x3], $0x80, s29, s16, $0xb8;
	[tilespmem:$0x1E080] =	vst v63  }
0x95: {  	_ =	swait.ge [sflag:s14], $0x3E80  }
0x96: {  	[sflag:s14] =	ssyncset.done $0x0  }
0x97: {  	s30 =	sadd.s32 $0x100, s25;
	[sflag:s14] =	ssyncadd.s32 $0xFFFFC180  }
0x98: {  	[tilespmem:s17], [sflag:$0x1] =	stream.indirect.gather [hbm4b:s1+s16], $0x80, s30, s16, $0xb8;
	[tilespmem:$0x1E080] =	vst v63  }
0x99: {  	_ =	swait.ge [sflag:s20], $0x3E80  }
0x9a: {  	[sflag:s20] =	ssyncset.done $0x0  }
0x9b: {  	s31 =	sadd.s32 $0x1480, s25;
	[sflag:s20] =	ssyncadd.s32 $0xFFFFC180  }
0x9c: {  	[spmem:s2] =	stream.indirect.scatter.add.f32 [tilespmem:s18], [sflag:$0x3], $0x80, s31, s16, $0xb8;
	[tilespmem:$0x1E080] =	vst v63  }
0x9d: {  	_ =	swait.ge [sflag:s14], $0x3E80  }
0x9e: {  	[sflag:s14] =	ssyncset.done $0x0  }
0x9f: {  	[sflag:s14] =	ssyncadd.s32 $0xFFFFC180  }
0xa0: {  	[tilespmem:s18], [sflag:$0x2] =	stream.indirect.gather [hbm4b:s1+s16], $0x80, s21, s16, $0xb8;
	[tilespmem:$0x1E080] =	vst v63  }
0xa1: {  	_ =	swait.ge [sflag:s19], $0x3E80  }
0xa2: {  	[sflag:s19] =	ssyncset.done $0x0  }
0xa3: {  	[sflag:s19] =	ssyncadd.s32 $0xFFFFC180  }
0xa4: {  	[spmem:s2] =	stream.indirect.scatter.add.f32 [tilespmem:s17], [sflag:$0x3], $0x80, s22, s16, $0xb8;
	[tilespmem:$0x1E080] =	vst v63  }
0xa5: {  	_ =	swait.ge [sflag:s14], $0x3E80  }
0xa6: {  	[sflag:s14] =	ssyncset.done $0x0  }
0xa7: {  	[sflag:s14] =	ssyncadd.s32 $0xFFFFC180  }
0xa8: {  	_ =	swait.ge [sflag:s20], $0x3E80  }
0xa9: {  	[sflag:s20] =	ssyncset.done $0x0  }
0xaa: {  	[sflag:s20] =	ssyncadd.s32 $0xFFFFC180  }
0xab: {  	[spmem:s2] =	stream.indirect.scatter.add.f32 [tilespmem:s18], [sflag:$0x3], $0x80, s23, s16, $0xb8;
	[tilespmem:$0x1E080] =	vst v63  }
0xac: {  	_ =	swait.ge [sflag:s14], $0x3E80  }
0xad: {  	s24 =	sadd.s32 $0x1, s24;
	[sflag:s14] =	ssyncset.done $0x0  }
0xae: {  	p1 =	sne.s32 s24, s11;
	[sflag:s14] =	ssyncadd.s32 $0xFFFFC180  }
.Ltmp2:
0xaf: {  	s25 =	simm.s32 @!p0 $0x3;
	[bflag:$0x0] =	sbarrier.arrive $0xFFFF;
	(pc) =	sbr.rel @p1 .LBB2_1-.Ltmp2, $4  }
0xb0: {  	[hbm:s10], [sflag:s12] =	dma.local @!p0 [spmem:s13], $0x3E80  }
0xb1: {  	_ =	swait.ge @!p0 [sflag:s25], $0x3E80  }
0xb2: {  	[sflag:s25] =	ssyncset.done @!p0 $0x0  }
0xb3: {  	[sflag:s25] =	ssyncadd.s32 @!p0 $0xFFFFC180  }
0xb4: {  	_ =	sfence.sel $0x180000  }
0xb5: {  	[bflag:$0x0] =	sbarrier.arrive $0xFFFF  }
0xb6: {  	p0 =	sne.s32 s3, $0x0;
	_ =	strace $0x9000004A  }
0xb7: {  	s0 =	sadd.s32 @!p0 $0x100000, s0;
	[bflag:$0x2] =	sbarrier.arrive $0xFFFF  }
0xb8: {  	[sflag:s0] =	ssyncadd.tile.s32 @!p0 $0x1;
	_ =	shalt  }
.Lfunc_end2:
_tile_overlayer_lowered:
.L_overlay_start_2:
0xb9: {  	(tag) =	ssettag $0x2  }
0xba: {  	s0 =	rddreg [dreg:$0x0];
	s2 =	stileid.u32  }
0xbb: {  	s1 =	rddreg [dreg:$0x1];
	p0 =	sne.s32 s2, $0x0  }
0xbc: {  	s3 =	rddreg [dreg:$0x2];
	[bflag:$0x3] =	sbarrier.arrive $0xFFFF;
	s2 =	simm.s32 @!p0 $0x1C03  }
0xbd: {  	[timem:s3], [sflag:s2] =	dma.local @!p0 [hbm:s0], s1  }
0xbe: {  	s0 =	simm.s32 @!p0 $0x3  }
0xbf: {  	_ =	swait.ge @!p0 [sflag:s0], s1  }
0xc0: {  	s1 =	ssub.s32 @!p0 $0x0, s1;
	[sflag:s0] =	ssyncset.done @!p0 $0x0  }
0xc1: {  	[sflag:s0] =	ssyncadd.s32 @!p0 s1  }
0xc2: {  	[bflag:$0x3] =	sbarrier.arrive $0xFFFF  }
0xc3: {  	_ =	shalt  }

// kernel: kernel.18.cloned.1.call-start
scs
__scs_entry_jumppad:
0x0: {  	(pc) =	sbr.rel $0x88, $3  }
0x1: {  	(tag) =	ssettag $0x0;
	lr =	simm.s32 $0x1  }
0x2: {  	[smem:$0x3F91] =	sst lr;
	_ =	strace $0xD0000000  }
0x3: {  	_ = 	snop  }
0x4: {  	_ = 	snop  }
0x5: {  	_ = 	snop  }
0x6: {  	_ = 	snop  }
0x7: {  	_ = 	snop  }
__scs_overlays_trampoline_lowered:
0x8: {  	[smem:$0x3FA0] =	sst s0  }
0x9: {  	[smem:$0x3FA1] =	sst s1  }
0xa: {  	[smem:$0x3FA2] =	sst s2  }
0xb: {  	[smem:$0x3FA3] =	sst s3  }
0xc: {  	[smem:$0x3FA4] =	sst s4  }
0xd: {  	[smem:$0x3FA5] =	sst s5  }
0xe: {  	[smem:$0x3FA6] =	sst s6  }
0xf: {  	[smem:$0x3FA7] =	sst s7  }
0x10: {  	[smem:$0x3FA8] =	sst s8  }
0x11: {  	[smem:$0x3FA9] =	sst s9;
	s0 =	simm.s32 @!p0 $0x0  }
0x12: {  	s1 =	sld [smem:$0x3F8F];
	s0 =	simm.s32 @p0 $0x1  }
0x13: {  	[smem:$0x3FAA] =	sst s0;
	s0 =	simm.s32 @!p1 $0x0  }
0x14: {  	s2 =	sld [smem:$0x3F8E];
	s0 =	simm.s32 @p1 $0x1  }
0x15: {  	[smem:$0x3FAB] =	sst s0;
	s0 =	simm.s32 @!p2 $0x0  }
0x16: {  	s3 =	sld [smem:$0x3FDB];
	s0 =	simm.s32 @p2 $0x1  }
0x17: {  	s4 =	simm.s32 $0x1BF5;
	[smem:$0x3FAD] =	sst s0  }
0x18: {  	s0 =	sld [smem:$0x3F90];
	_ =	swait.ge [sflag:s4], $0x0  }
0x19: {  	s7 =	sld [smem:$0x3F91]  }
0x1a: {  	s8 =	sadd.s32 $0xFFFFE003, lr  }
0x1b: {  	s9 =	sadd.s32 $0xFFFFFEF7, lr;
	s5 =	simm.s32 $0xFFFFFFFF;
	p2 =	slt.u32 s8, $0xFFFFF086  }
0x1c: {  	p1 =	slt.u32 s9, $0xF7A;
	s5 =	simm.s32 @!p2 $0x0  }
0x1d: {  	s5 =	simm.s32 @p1 $0x1;
	p0 =	seq.s32 s7, s2  }
0x1e: {  	s7 =	smul.u32 @!p0 $0xF7A, s2;
	p2 =	seq.s32 @!p0 s5, $0x0  }
0x1f: {  	s9 =	smul.u32 $0xF7A, s1;
	s8 =	simm.s32 @!p0 $0x1BF5;
	p2 =	por !p2, p0  }
0x20: {  	[sflag:s8] =	ssyncset.s32 @!p0 $0xFFFFF086;
	s6 =	sadd.s32 @!p0 s3, s7;
	s7 =	simm.s32 @!p0 $0x108  }
0x21: {  	s3 =	sadd.s32 s3, s9;
	s6 =	sadd.s32 @!p0 $0x88, s6;
	s7 =	simm.s32 @p2 $0x1082  }
0x22: {  	[simem:s7], [sflag:s8] =	dma.local @!p0 [hbm:s6], $0xF7A  }
0x23: {  	s9 =	sor.u32 $0xD0000000, s2;
	s6 =	simm.s32 $0x108;
	_ =	swait.ge @!p0 [sflag:s8], $0x0  }
0x24: {  	s3 =	sadd.s32 $0x88, s3;
	s6 =	simm.s32 @!p1 $0x1082;
	[sflag:s4] =	ssyncset.s32 $0xFFFFF086  }
0x25: {  	[simem:s6], [sflag:s4] =	dma.local [hbm:s3], $0xF7A  }
0x26: {  	[smem:$0x3F91] =	sst s1;
	(tag) =	ssettag s2;
	_ =	strace s9  }
0x27: {  	s1 =	sld [smem:$0x3FA1]  }
0x28: {  	s2 =	sld [smem:$0x3FA2]  }
0x29: {  	s4 =	sld [smem:$0x3FA4]  }
0x2a: {  	p0 =	seq.s32 s5, $0x0;
	s5 =	sld [smem:$0x3FA5]  }
0x2b: {  	s6 =	sld [smem:$0x3FA6]  }
0x2c: {  	s7 =	sld [smem:$0x3FA7]  }
0x2d: {  	s3 =	simm.s32 $0x108;
	s8 =	sld [smem:$0x3FA8]  }
0x2e: {  	s3 =	simm.s32 @!p0 $0x1082;
	s9 =	sld [smem:$0x3FA9]  }
0x2f: {  	lr =	sadd.s32 s0, s3;
	s0 =	sld [smem:$0x3FA0]  }
0x30: {  	s3 =	sld [smem:$0x3FA3]  }
0x31: {  	[smem:$0x3FAC] =	sst s10  }
0x32: {  	s10 =	sld [smem:$0x3FAA];
	_ =	sdelay $0x3  }
0x33: {  	p0 =	seq.s32 s10, $0x1;
	s10 =	sld [smem:$0x3FAC];
	_ =	sdelay $0x3  }
0x34: {  	[smem:$0x3FAC] =	sst s10  }
0x35: {  	s10 =	sld [smem:$0x3FAB];
	_ =	sdelay $0x3  }
0x36: {  	p1 =	seq.s32 s10, $0x1;
	s10 =	sld [smem:$0x3FAC];
	_ =	sdelay $0x3  }
0x37: {  	[smem:$0x3FAC] =	sst s10  }
0x38: {  	s10 =	sld [smem:$0x3FAD]  }
0x39: {  	_ = 	snop;
	(pc) =	sbr.ind lr, $3  }
0x3a: {  	_ = 	snop  }
0x3b: {  	_ = 	snop  }
0x3c: {  	p2 =	seq.s32 s10, $0x1;
	s10 =	sld [smem:$0x3FAC]  }
0x3d: {  	_ =	shalt  }
0x3e: {  	_ =	shalt  }
0x3f: {  	_ =	shalt  }
0x40: {  	_ =	shalt  }
0x41: {  	_ =	shalt  }
0x42: {  	_ =	shalt  }
0x43: {  	_ =	shalt  }
0x44: {  	_ =	shalt  }
0x45: {  	_ =	shalt  }
0x46: {  	_ =	shalt  }
0x47: {  	_ =	shalt  }
0x48: {  	_ =	shalt  }
0x49: {  	_ =	shalt  }
0x4a: {  	_ =	shalt  }
0x4b: {  	_ =	shalt  }
0x4c: {  	_ =	shalt  }
0x4d: {  	_ =	shalt  }
0x4e: {  	_ =	shalt  }
0x4f: {  	_ =	shalt  }
0x50: {  	_ =	shalt  }
0x51: {  	_ =	shalt  }
0x52: {  	_ =	shalt  }
0x53: {  	_ =	shalt  }
0x54: {  	_ =	shalt  }
0x55: {  	_ =	shalt  }
0x56: {  	_ =	shalt  }
0x57: {  	_ =	shalt  }
0x58: {  	_ =	shalt  }
0x59: {  	_ =	shalt  }
0x5a: {  	_ =	shalt  }
0x5b: {  	_ =	shalt  }
0x5c: {  	_ =	shalt  }
0x5d: {  	_ =	shalt  }
0x5e: {  	_ =	shalt  }
0x5f: {  	_ =	shalt  }
0x60: {  	_ =	shalt  }
0x61: {  	_ =	shalt  }
0x62: {  	_ =	shalt  }
0x63: {  	_ =	shalt  }
0x64: {  	_ =	shalt  }
0x65: {  	_ =	shalt  }
0x66: {  	_ =	shalt  }
0x67: {  	_ =	shalt  }
0x68: {  	_ =	shalt  }
0x69: {  	_ =	shalt  }
0x6a: {  	_ =	shalt  }
0x6b: {  	_ =	shalt  }
0x6c: {  	_ =	shalt  }
0x6d: {  	_ =	shalt  }
0x6e: {  	_ =	shalt  }
0x6f: {  	_ =	shalt  }
0x70: {  	_ =	shalt  }
0x71: {  	_ =	shalt  }
0x72: {  	_ =	shalt  }
0x73: {  	_ =	shalt  }
0x74: {  	_ =	shalt  }
0x75: {  	_ =	shalt  }
0x76: {  	_ =	shalt  }
0x77: {  	_ =	shalt  }
0x78: {  	_ =	shalt  }
0x79: {  	_ =	shalt  }
0x7a: {  	_ =	shalt  }
0x7b: {  	_ =	shalt  }
0x7c: {  	_ =	shalt  }
0x7d: {  	_ =	shalt  }
0x7e: {  	_ =	shalt  }
0x7f: {  	_ =	shalt  }
0x80: {  	_ =	shalt  }
0x81: {  	_ =	shalt  }
0x82: {  	_ =	shalt  }
0x83: {  	_ =	shalt  }
0x84: {  	_ =	shalt  }
0x85: {  	_ =	shalt  }
0x86: {  	_ =	shalt  }
0x87: {  	_ =	shalt  }
.Lfunc_end0:
.L_simem_size_0:
called_computation.2_lowered:
.L_overlay_start_0:
0x88: {  	s2 =	sld [smem:$0x3FD9]  }
0x89: {  	s3 =	sld [smem:$0x3FFE];
	_ =	sdelay $0x1  }
0x8a: {  	s1 =	srdreg.scid  }
0x8b: {  	s0 =	sand.u32 $0x1, s1  }
0x8c: {  	s17 =	sshll.u32 s0, $0xA;
	s2 =	sadd.s32 s3, s2  }
0x8d: {  	s2 =	sadd.s32 s2, s17  }
0x8e: {  	[smem:$0x3FB8] =	sst s2  }
0x8f: {  	_ = 	snop  }
0x90: {  	s2 =	sld [smem:$0x3FD0];
	(tm) =	ssettm $0x1  }
0x91: {  	s18 =	sld [smem:$0x3FFB];
	_ =	sdelay $0x3  }
0x92: {  	_ =	strace s18  }
0x93: {  	s3 =	sld [smem:$0x3FFC];
	_ =	sdelay $0x3  }
0x94: {  	_ =	strace s3  }
0x95: {  	s3 =	sld [smem:$0x3FFD];
	_ =	sdelay $0x3  }
0x96: {  	_ =	strace s3  }
0x97: {  	_ =	strace $0x8FFFFFFF  }
0x98: {  	s19 =	sld [smem:$0x3FDB];
	_ =	sdelay $0x1  }
0x99: {  	s4 =	simm.s32 $_scs_section_size  }
0x9a: {  	s5 =	simm.s32 $_size__tile_overlayer_lowered;
	s6 =	simm.s32 $_tile_overlayer_lowered  }
0x9b: {  	s22 =	simm.s32 $0x1BFF;
	s21 =	sshll.u32 s6, $0x1;
	s3 =	sadd.s32 s4, s19  }
0x9c: {  	s7 =	simm.s32 $0x0;
	s20 =	sshll.u32 s5, $0x1;
	s5 =	sadd.s32 s21, s3  }
0x9d: {  	[timem:s7], [sflag:s22] =	dma.local [hbm:s5], s20  }
0x9e: {  	_ =	swait.ge [sflag:s22], s20  }
0x9f: {  	s4 =	ssub.s32 $0x0, s20;
	[sflag:s22] =	ssyncset.done $0x0  }
0xa0: {  	[sflag:s22] =	ssyncadd.s32 s4;
	_ =	sdelay $0x1  }
0xa1: {  	s23 =	simm.s32 $0x1B8B  }
0xa2: {  	_ =	swait.ge [sflag:s23], $0x1  }
0xa3: {  	[sflag:s23] =	ssyncset.done $0x0  }
0xa4: {  	s25 =	simm.s32 $0x1B8E;
	s24 =	sld [smem:$0x3FFE];
	[sflag:s23] =	ssyncadd.s32 $0xFFFFFFFF  }
0xa5: {  	s26 =	simm.s32 $execute0_lowered;
	[smem:$0x3FD2] =	sst s25  }
0xa6: {  	s5 =	sshll.u32 s26, $0x1;
	_ =	strace $0x8000004C;
	[dreg:$0x1] =	wrdreg $0xFFFFFFFF  }
0xa7: {  	s28 =	simm.s32 $_size_execute0_lowered;
	s3 =	sadd.s32 s3, s5;
	[dreg:$0x0] =	wrdreg $0x0  }
0xa8: {  	s5 =	sshll.u32 s28, $0x1;
	[dreg:$0x2] =	wrdreg s3  }
0xa9: {  	[dreg:$0x3] =	wrdreg s5  }
0xaa: {  	[dreg:$0x4] =	wrdreg $0xC0  }
0xab: {  	_ =	task [dreg:s7], $0x5FFFF  }
0xac: {  	[dreg:$0x1] =	wrdreg $0xFFFFFFFF  }
0xad: {  	[dreg:$0x0] =	wrdreg $0x60  }
0xae: {  	[dreg:$0x2] =	wrdreg s2  }
0xaf: {  	[dreg:$0x3] =	wrdreg s24  }
0xb0: {  	[dreg:$0x4] =	wrdreg $0xA8000  }
0xb1: {  	[dreg:$0x5] =	wrdreg $0x9  }
0xb2: {  	_ =	task.clear_ibuf [dreg:s7], $0x6FFFF;
	_ =	strace $0x9000004C  }
0xb3: {  	s29 =	simm.s32 $0x9;
	_ =	strace $0x8000004E  }
0xb4: {  	_ =	swait.ge [sflag:s29], $0x1  }
0xb5: {  	[sflag:s29] =	ssyncadd.s32 $0xFFFFFFFF  }
0xb6: {  	_ =	strace $0x9000004E  }
0xb7: {  	_ =	sfence  }
0xb8: {  	s30 =	sld [smem:$0x0];
	_ =	sdelay $0x2  }
0xb9: {  	s31 =	sshll.u32 s1, $0xD;
	s1 =	sshrl.u32 s1, $0x2  }
0xba: {  	s3 =	sand.u32 $0x4000, s31;
	s1 =	sadd.s32 s1, s30  }
0xbb: {  	s0 =	sor.u32 s3, s0;
	s1 =	sshll.u32 s1, $0x11  }
0xbc: {  	s0 =	sor.u32 s1, s0  }
0xbd: {  	s0 =	sadd.s32 $0x8F2B, s0  }
0xbe: {  	[sflag:s0] =	ssyncadd.remote.s32 $0x1  }
0xbf: {  	_ =	sfence.sel $0xFFFF  }
0xc0: {  	[dreg:$0x0] =	wrdreg $0xFFFFFFFF;
	(pc) =	sbr.abs _section_cstart, $3  }
0xc1: {  	[dreg:$0x1] =	wrdreg $0xFFFFFFFF  }
0xc2: {  	_ =	task.clear_ibuf [dreg:s7], $0x2FFFF;
	_ =	strace $0x9FFFFFFF  }
0xc3: {  	(tm) =	ssettm $0x7FFFFFFF  }
tec
execute0_lowered:
.L_overlay_start_1:
0x0: {  	(tag) =	ssettag $0x1  }
0x1: {  	s1 =	rddreg [dreg:$0x0]  }
0x2: {  	s5 =	rddreg [dreg:$0x1]  }
0x3: {  	s2 =	rddreg [dreg:$0x2]  }
0x4: {  	s0 =	rddreg [dreg:$0x3]  }
0x5: {  	s4 =	simm.s32 $0x0;
	s3 =	stileid.u32;
	s6 =	srdreg.scid  }
0x6: {  	s16 =	simm.s32 $0x7D;
	s17 =	simm.s32 $0x2800;
	s18 =	simm.s32 $0x6800  }
0x7: {  	s19 =	simm.s32 $0x1;
	s20 =	simm.s32 $0x2;
	s21 =	simm.s32 $0x1380  }
0x8: {  	s22 =	simm.s32 $0x2700;
	s23 =	simm.s32 $0x2780;
	s24 =	simm.s32 $0x0  }
0x9: {  	[smem:$0x7FF] =	sst s4;
	s8 =	sadd.s32 $0xF600, s5;
	s9 =	sadd.s32 $0x5600, s5  }
0xa: {  	s7 =	smul.u32 $0x3E80, s3;
	s6 =	sand.u32 $0x1, s6;
	s12 =	sshll.u32 s3, $0x1  }
0xb: {  	s14 =	smul.u32 $0x7D000, s3;
	p0 =	sgt.u32 s3, $0x9;
	_ =	strace $0x8000004D  }
0xc: {  	s10 =	smul.u32 $0x27100, s6;
	s11 =	sshll.u32 s6, $0x5;
	s6 =	ssub.s32 $0x2, s6  }
0xd: {  	s13 =	sadd.s32 s7, s5;
	s11 =	sor.u32 s12, s11;
	s30 =	sshrl.u32 s6, $0x1  }
0xe: {  	s14 =	sshrl.u32 s14, $0x2;
	s7 =	sadd.s32 s7, s10;
	s29 =	smul.u32 $0x280, s11  }
0xf: {  	s11 =	smul.u32 $0x1400, s11;
	s12 =	ssub.s32 s6, s30;
	s14 =	sadd.s32 s14, s2  }
0x10: {  	s15 =	sadd.s32 s7, s5;
	s5 =	sadd.s32 $0x19600, s13;
	s13 =	sshll.u32 @!p0 s3, $0x6  }
0x11: {  	s6 =	sadd.s32 s8, s29;
	s11 =	sshrl.u32 s11, $0x3;
	s7 =	sadd.s32 s9, s29  }
0x12: {  	s10 =	sadd.s32 $0x40800, s15;
	s15 =	simm.s32 $0x1400;
	s31 =	sadd.s32 $0x280, s11  }
0x13: {  	s11 =	smax.u32 s12, $0x1;
	s12 =	sor.u32 @!p0 $0x1C03, s13;
	s13 =	sshrl.u32 @!p0 s14, $0x3  }
0x14: {  	s14 =	simm.s32 $0x3;
	s8 =	sadd.s32 s8, s31;
	s9 =	sadd.s32 s9, s31  }
.LBB2_1:
0x15: {  	[spmem:s13], [sflag:s12] =	dma.local @!p0 [hbm:s5], $0x3E80  }
0x16: {  	s25 =	simm.s32 @!p0 $0x3  }
0x17: {  	_ =	swait.ge @!p0 [sflag:s25], $0x3E80  }
0x18: {  	[sflag:s25] =	ssyncset.done @!p0 $0x0  }
0x19: {  	[sflag:s25] =	ssyncadd.s32 @!p0 $0xFFFFC180  }
0x1a: {  	[tilespmem:s4], [sflag:$0x3] =	stream.linear.gather [hbm4b:s6+s4], $0x1400, $0x38;
	[tilespmem:$0x1E080] =	vst v63  }
0x1b: {  	_ =	swait.ge [sflag:s14], $0x1400  }
0x1c: {  	[sflag:s14] =	ssyncset.done $0x0  }
0x1d: {  	[sflag:s14] =	ssyncadd.s32 $0xFFFFEC00  }
0x1e: {  	[tilespmem:s15], [sflag:$0x3] =	stream.linear.gather [hbm4b:s7+s4], $0x1400, $0x38;
	[tilespmem:$0x1E080] =	vst v63  }
0x1f: {  	_ =	swait.ge [sflag:s14], $0x1400  }
0x20: {  	[sflag:s14] =	ssyncset.done $0x0  }
0x21: {  	[sflag:s14] =	ssyncadd.s32 $0xFFFFEC00  }
0x22: {  	[bflag:$0x0] =	sbarrier.arrive $0xFFFF  }
0x23: {  	[tilespmem:s17], [sflag:$0x1] =	stream.indirect.gather [hbm4b:s1+s16], $0x80, s4, s16, $0xb8;
	[tilespmem:$0x1E080] =	vst v63  }
0x24: {  	s28 =	simm.s32 $0x80  }
0x25: {  	[tilespmem:s18], [sflag:$0x2] =	stream.indirect.gather [hbm4b:s1+s16], $0x80, s28, s16, $0xb8;
	[tilespmem:$0x1E080] =	vst v63  }
0x26: {  	_ =	swait.ge [sflag:s19], $0x3E80  }
0x27: {  	[sflag:s19] =	ssyncset.done $0x0  }
0x28: {  	s29 =	simm.s32 $0x1400;
	[sflag:s19] =	ssyncadd.s32 $0xFFFFC180  }
0x29: {  	[spmem:s2] =	stream.indirect.scatter.add.f32 [tilespmem:s17], [sflag:$0x3], $0x80, s29, s16, $0xb8;
	[tilespmem:$0x1E080] =	vst v63  }
0x2a: {  	_ =	swait.ge [sflag:s14], $0x3E80  }
0x2b: {  	[sflag:s14] =	ssyncset.done $0x0  }
0x2c: {  	s30 =	simm.s32 $0x100;
	[sflag:s14] =	ssyncadd.s32 $0xFFFFC180  }
0x2d: {  	[tilespmem:s17], [sflag:$0x1] =	stream.indirect.gather [hbm4b:s1+s16], $0x80, s30, s16, $0xb8;
	[tilespmem:$0x1E080] =	vst v63  }
0x2e: {  	_ =	swait.ge [sflag:s20], $0x3E80  }
0x2f: {  	[sflag:s20] =	ssyncset.done $0x0  }
0x30: {  	s31 =	simm.s32 $0x1480;
	[sflag:s20] =	ssyncadd.s32 $0xFFFFC180  }
0x31: {  	[spmem:s2] =	stream.indirect.scatter.add.f32 [tilespmem:s18], [sflag:$0x3], $0x80, s31, s16, $0xb8;
	[tilespmem:$0x1E080] =	vst v63  }
0x32: {  	_ =	swait.ge [sflag:s14], $0x3E80  }
0x33: {  	s26 =	simm.s32 $0x800;
	s25 =	simm.s32 $0x100;
	[sflag:s14] =	ssyncset.done $0x0  }
.LBB2_2:
0x34: {  	s28 =	sadd.s32 $0x80, s25  }
0x35: {  	[sflag:s14] =	ssyncadd.s32 $0xFFFFC180;
	s29 =	smov.u32 s26;
	s30 =	sadd.s32 $0x400, s26  }
0x36: {  	[tilespmem:s18], [sflag:$0x2] =	stream.indirect.gather [hbm4b:s1+s16], $0x80, s28, s16, $0xb8;
	[tilespmem:$0x1E080] =	vst v63  }
0x37: {  	p1 =	sne.s32 s26, $0x4800;
	_ =	swait.ge [sflag:s19], $0x3E80  }
0x38: {  	[sflag:s19] =	ssyncset.done $0x0  }
0x39: {  	s26 =	sadd.s32 $0x1400, s25;
	[sflag:s19] =	ssyncadd.s32 $0xFFFFC180  }
0x3a: {  	[spmem:s2] =	stream.indirect.scatter.add.f32 [tilespmem:s17], [sflag:$0x3], $0x80, s26, s16, $0xb8;
	[tilespmem:$0x1E080] =	vst v63  }
0x3b: {  	_ =	swait.ge [sflag:s14], $0x3E80  }
0x3c: {  	[sflag:s14] =	ssyncset.done $0x0  }
0x3d: {  	s26 =	sadd.s32 $0x100, s25;
	[sflag:s14] =	ssyncadd.s32 $0xFFFFC180  }
0x3e: {  	[tilespmem:s17], [sflag:$0x1] =	stream.indirect.gather [hbm4b:s1+s16], $0x80, s26, s16, $0xb8;
	[tilespmem:$0x1E080] =	vst v63  }
0x3f: {  	_ =	swait.ge [sflag:s20], $0x3E80  }
.Ltmp0:
0x40: {  	[sflag:s20] =	ssyncset.done $0x0;
	(pc) =	sbr.rel @p1 .LBB2_2-.Ltmp0, $4  }
0x41: {  	s25 =	sadd.s32 $0x1480, s25;
	[sflag:s20] =	ssyncadd.s32 $0xFFFFC180  }
0x42: {  	[spmem:s2] =	stream.indirect.scatter.add.f32 [tilespmem:s18], [sflag:$0x3], $0x80, s25, s16, $0xb8;
	[tilespmem:$0x1E080] =	vst v63  }
0x43: {  	_ =	swait.ge [sflag:s14], $0x3E80  }
0x44: {  	s26 =	smov.u32 s30;
	s25 =	sshra.s32 s29, $0x2;
	[sflag:s14] =	ssyncset.done $0x0  }
0x45: {  	s26 =	sadd.s32 $0x80, s25;
	[sflag:s14] =	ssyncadd.s32 $0xFFFFC180  }
0x46: {  	[tilespmem:s18], [sflag:$0x2] =	stream.indirect.gather [hbm4b:s1+s16], $0x80, s26, s16, $0xb8;
	[tilespmem:$0x1E080] =	vst v63  }
0x47: {  	_ =	swait.ge [sflag:s19], $0x3E80  }
0x48: {  	[sflag:s19] =	ssyncset.done $0x0  }
0x49: {  	s29 =	sadd.s32 $0x1400, s25;
	[sflag:s19] =	ssyncadd.s32 $0xFFFFC180  }
0x4a: {  	[spmem:s2] =	stream.indirect.scatter.add.f32 [tilespmem:s17], [sflag:$0x3], $0x80, s29, s16, $0xb8;
	[tilespmem:$0x1E080] =	vst v63  }
0x4b: {  	_ =	swait.ge [sflag:s14], $0x3E80  }
0x4c: {  	[sflag:s14] =	ssyncset.done $0x0  }
0x4d: {  	s30 =	sadd.s32 $0x100, s25;
	[sflag:s14] =	ssyncadd.s32 $0xFFFFC180  }
0x4e: {  	[tilespmem:s17], [sflag:$0x1] =	stream.indirect.gather [hbm4b:s1+s16], $0x80, s30, s16, $0xb8;
	[tilespmem:$0x1E080] =	vst v63  }
0x4f: {  	_ =	swait.ge [sflag:s20], $0x3E80  }
0x50: {  	[sflag:s20] =	ssyncset.done $0x0  }
0x51: {  	s31 =	sadd.s32 $0x1480, s25;
	[sflag:s20] =	ssyncadd.s32 $0xFFFFC180  }
0x52: {  	[spmem:s2] =	stream.indirect.scatter.add.f32 [tilespmem:s18], [sflag:$0x3], $0x80, s31, s16, $0xb8;
	[tilespmem:$0x1E080] =	vst v63  }
0x53: {  	_ =	swait.ge [sflag:s14], $0x3E80  }
0x54: {  	[sflag:s14] =	ssyncset.done $0x0  }
0x55: {  	[sflag:s14] =	ssyncadd.s32 $0xFFFFC180  }
0x56: {  	[tilespmem:s18], [sflag:$0x2] =	stream.indirect.gather [hbm4b:s1+s16], $0x80, s21, s16, $0xb8;
	[tilespmem:$0x1E080] =	vst v63  }
0x57: {  	_ =	swait.ge [sflag:s19], $0x3E80  }
0x58: {  	[sflag:s19] =	ssyncset.done $0x0  }
0x59: {  	[sflag:s19] =	ssyncadd.s32 $0xFFFFC180  }
0x5a: {  	[spmem:s2] =	stream.indirect.scatter.add.f32 [tilespmem:s17], [sflag:$0x3], $0x80, s22, s16, $0xb8;
	[tilespmem:$0x1E080] =	vst v63  }
0x5b: {  	_ =	swait.ge [sflag:s14], $0x3E80  }
0x5c: {  	[sflag:s14] =	ssyncset.done $0x0  }
0x5d: {  	[sflag:s14] =	ssyncadd.s32 $0xFFFFC180  }
0x5e: {  	_ =	swait.ge [sflag:s20], $0x3E80  }
0x5f: {  	[sflag:s20] =	ssyncset.done $0x0  }
0x60: {  	[sflag:s20] =	ssyncadd.s32 $0xFFFFC180  }
0x61: {  	[spmem:s2] =	stream.indirect.scatter.add.f32 [tilespmem:s18], [sflag:$0x3], $0x80, s23, s16, $0xb8;
	[tilespmem:$0x1E080] =	vst v63  }
0x62: {  	_ =	swait.ge [sflag:s14], $0x3E80  }
0x63: {  	[sflag:s14] =	ssyncset.done $0x0  }
0x64: {  	s26 =	simm.s32 $0x0;
	[sflag:s14] =	ssyncadd.s32 $0xFFFFC180  }
0x65: {  	[tilespmem:s26], [sflag:$0x3] =	stream.linear.gather [hbm4b:s8+s26], $0x1400, $0x38;
	[tilespmem:$0x1E080] =	vst v63  }
0x66: {  	_ =	swait.ge [sflag:s14], $0x1400  }
0x67: {  	[sflag:s14] =	ssyncset.done $0x0  }
0x68: {  	[sflag:s14] =	ssyncadd.s32 $0xFFFFEC00  }
0x69: {  	[tilespmem:s15], [sflag:$0x3] =	stream.linear.gather [hbm4b:s9+s26], $0x1400, $0x38;
	[tilespmem:$0x1E080] =	vst v63  }
0x6a: {  	_ =	swait.ge [sflag:s14], $0x1400  }
0x6b: {  	[sflag:s14] =	ssyncset.done $0x0  }
0x6c: {  	[sflag:s14] =	ssyncadd.s32 $0xFFFFEC00  }
0x6d: {  	[tilespmem:s17], [sflag:$0x1] =	stream.indirect.gather [hbm4b:s1+s16], $0x80, s26, s16, $0xb8;
	[tilespmem:$0x1E080] =	vst v63  }
0x6e: {  	s28 =	simm.s32 $0x80  }
0x6f: {  	[tilespmem:s18], [sflag:$0x2] =	stream.indirect.gather [hbm4b:s1+s16], $0x80, s28, s16, $0xb8;
	[tilespmem:$0x1E080] =	vst v63  }
0x70: {  	_ =	swait.ge [sflag:s19], $0x3E80  }
0x71: {  	[sflag:s19] =	ssyncset.done $0x0  }
0x72: {  	s29 =	simm.s32 $0x1400;
	[sflag:s19] =	ssyncadd.s32 $0xFFFFC180  }
0x73: {  	[spmem:s2] =	stream.indirect.scatter.add.f32 [tilespmem:s17], [sflag:$0x3], $0x80, s29, s16, $0xb8;
	[tilespmem:$0x1E080] =	vst v63  }
0x74: {  	_ =	swait.ge [sflag:s14], $0x3E80  }
0x75: {  	[sflag:s14] =	ssyncset.done $0x0  }
0x76: {  	s30 =	simm.s32 $0x100;
	[sflag:s14] =	ssyncadd.s32 $0xFFFFC180  }
0x77: {  	[tilespmem:s17], [sflag:$0x1] =	stream.indirect.gather [hbm4b:s1+s16], $0x80, s30, s16, $0xb8;
	[tilespmem:$0x1E080] =	vst v63  }
0x78: {  	_ =	swait.ge [sflag:s20], $0x3E80  }
0x79: {  	[sflag:s20] =	ssyncset.done $0x0  }
0x7a: {  	s31 =	simm.s32 $0x1480;
	[sflag:s20] =	ssyncadd.s32 $0xFFFFC180  }
0x7b: {  	[spmem:s2] =	stream.indirect.scatter.add.f32 [tilespmem:s18], [sflag:$0x3], $0x80, s31, s16, $0xb8;
	[tilespmem:$0x1E080] =	vst v63  }
0x7c: {  	_ =	swait.ge [sflag:s14], $0x3E80  }
0x7d: {  	s25 =	simm.s32 $0x100;
	s26 =	simm.s32 $0x800;
	[sflag:s14] =	ssyncset.done $0x0  }
.LBB2_4:
0x7e: {  	s28 =	sadd.s32 $0x80, s25  }
0x7f: {  	[sflag:s14] =	ssyncadd.s32 $0xFFFFC180;
	s29 =	smov.u32 s26;
	s30 =	sadd.s32 $0x400, s26  }
0x80: {  	[tilespmem:s18], [sflag:$0x2] =	stream.indirect.gather [hbm4b:s1+s16], $0x80, s28, s16, $0xb8;
	[tilespmem:$0x1E080] =	vst v63  }
0x81: {  	p1 =	sne.s32 s26, $0x4800;
	_ =	swait.ge [sflag:s19], $0x3E80  }
0x82: {  	[sflag:s19] =	ssyncset.done $0x0  }
0x83: {  	s26 =	sadd.s32 $0x1400, s25;
	[sflag:s19] =	ssyncadd.s32 $0xFFFFC180  }
0x84: {  	[spmem:s2] =	stream.indirect.scatter.add.f32 [tilespmem:s17], [sflag:$0x3], $0x80, s26, s16, $0xb8;
	[tilespmem:$0x1E080] =	vst v63  }
0x85: {  	_ =	swait.ge [sflag:s14], $0x3E80  }
0x86: {  	[sflag:s14] =	ssyncset.done $0x0  }
0x87: {  	s26 =	sadd.s32 $0x100, s25;
	[sflag:s14] =	ssyncadd.s32 $0xFFFFC180  }
0x88: {  	[tilespmem:s17], [sflag:$0x1] =	stream.indirect.gather [hbm4b:s1+s16], $0x80, s26, s16, $0xb8;
	[tilespmem:$0x1E080] =	vst v63  }
0x89: {  	_ =	swait.ge [sflag:s20], $0x3E80  }
.Ltmp1:
0x8a: {  	[sflag:s20] =	ssyncset.done $0x0;
	(pc) =	sbr.rel @p1 .LBB2_4-.Ltmp1, $4  }
0x8b: {  	s25 =	sadd.s32 $0x1480, s25;
	[sflag:s20] =	ssyncadd.s32 $0xFFFFC180  }
0x8c: {  	[spmem:s2] =	stream.indirect.scatter.add.f32 [tilespmem:s18], [sflag:$0x3], $0x80, s25, s16, $0xb8;
	[tilespmem:$0x1E080] =	vst v63  }
0x8d: {  	_ =	swait.ge [sflag:s14], $0x3E80  }
0x8e: {  	s26 =	smov.u32 s30;
	s25 =	sshra.s32 s29, $0x2;
	[sflag:s14] =	ssyncset.done $0x0  }
0x8f: {  	s26 =	sadd.s32 $0x80, s25;
	[sflag:s14] =	ssyncadd.s32 $0xFFFFC180  }
0x90: {  	[tilespmem:s18], [sflag:$0x2] =	stream.indirect.gather [hbm4b:s1+s16], $0x80, s26, s16, $0xb8;
	[tilespmem:$0x1E080] =	vst v63  }
0x91: {  	_ =	swait.ge [sflag:s19], $0x3E80  }
0x92: {  	[sflag:s19] =	ssyncset.done $0x0  }
0x93: {  	s29 =	sadd.s32 $0x1400, s25;
	[sflag:s19] =	ssyncadd.s32 $0xFFFFC180  }
0x94: {  	[spmem:s2] =	stream.indirect.scatter.add.f32 [tilespmem:s17], [sflag:$0x3], $0x80, s29, s16, $0xb8;
	[tilespmem:$0x1E080] =	vst v63  }
0x95: {  	_ =	swait.ge [sflag:s14], $0x3E80  }
0x96: {  	[sflag:s14] =	ssyncset.done $0x0  }
0x97: {  	s30 =	sadd.s32 $0x100, s25;
	[sflag:s14] =	ssyncadd.s32 $0xFFFFC180  }
0x98: {  	[tilespmem:s17], [sflag:$0x1] =	stream.indirect.gather [hbm4b:s1+s16], $0x80, s30, s16, $0xb8;
	[tilespmem:$0x1E080] =	vst v63  }
0x99: {  	_ =	swait.ge [sflag:s20], $0x3E80  }
0x9a: {  	[sflag:s20] =	ssyncset.done $0x0  }
0x9b: {  	s31 =	sadd.s32 $0x1480, s25;
	[sflag:s20] =	ssyncadd.s32 $0xFFFFC180  }
0x9c: {  	[spmem:s2] =	stream.indirect.scatter.add.f32 [tilespmem:s18], [sflag:$0x3], $0x80, s31, s16, $0xb8;
	[tilespmem:$0x1E080] =	vst v63  }
0x9d: {  	_ =	swait.ge [sflag:s14], $0x3E80  }
0x9e: {  	[sflag:s14] =	ssyncset.done $0x0  }
0x9f: {  	[sflag:s14] =	ssyncadd.s32 $0xFFFFC180  }
0xa0: {  	[tilespmem:s18], [sflag:$0x2] =	stream.indirect.gather [hbm4b:s1+s16], $0x80, s21, s16, $0xb8;
	[tilespmem:$0x1E080] =	vst v63  }
0xa1: {  	_ =	swait.ge [sflag:s19], $0x3E80  }
0xa2: {  	[sflag:s19] =	ssyncset.done $0x0  }
0xa3: {  	[sflag:s19] =	ssyncadd.s32 $0xFFFFC180  }
0xa4: {  	[spmem:s2] =	stream.indirect.scatter.add.f32 [tilespmem:s17], [sflag:$0x3], $0x80, s22, s16, $0xb8;
	[tilespmem:$0x1E080] =	vst v63  }
0xa5: {  	_ =	swait.ge [sflag:s14], $0x3E80  }
0xa6: {  	[sflag:s14] =	ssyncset.done $0x0  }
0xa7: {  	[sflag:s14] =	ssyncadd.s32 $0xFFFFC180  }
0xa8: {  	_ =	swait.ge [sflag:s20], $0x3E80  }
0xa9: {  	[sflag:s20] =	ssyncset.done $0x0  }
0xaa: {  	[sflag:s20] =	ssyncadd.s32 $0xFFFFC180  }
0xab: {  	[spmem:s2] =	stream.indirect.scatter.add.f32 [tilespmem:s18], [sflag:$0x3], $0x80, s23, s16, $0xb8;
	[tilespmem:$0x1E080] =	vst v63  }
0xac: {  	_ =	swait.ge [sflag:s14], $0x3E80  }
0xad: {  	s24 =	sadd.s32 $0x1, s24;
	[sflag:s14] =	ssyncset.done $0x0  }
0xae: {  	p1 =	sne.s32 s24, s11;
	[sflag:s14] =	ssyncadd.s32 $0xFFFFC180  }
.Ltmp2:
0xaf: {  	s25 =	simm.s32 @!p0 $0x3;
	[bflag:$0x0] =	sbarrier.arrive $0xFFFF;
	(pc) =	sbr.rel @p1 .LBB2_1-.Ltmp2, $4  }
0xb0: {  	[hbm:s10], [sflag:s12] =	dma.local @!p0 [spmem:s13], $0x3E80  }
0xb1: {  	_ =	swait.ge @!p0 [sflag:s25], $0x3E80  }
0xb2: {  	[sflag:s25] =	ssyncset.done @!p0 $0x0  }
0xb3: {  	[sflag:s25] =	ssyncadd.s32 @!p0 $0xFFFFC180  }
0xb4: {  	_ =	sfence.sel $0x180000  }
0xb5: {  	[bflag:$0x0] =	sbarrier.arrive $0xFFFF  }
0xb6: {  	p0 =	sne.s32 s3, $0x0;
	_ =	strace $0x9000004D  }
0xb7: {  	s0 =	sadd.s32 @!p0 $0x100000, s0;
	[bflag:$0x2] =	sbarrier.arrive $0xFFFF  }
0xb8: {  	[sflag:s0] =	ssyncadd.tile.s32 @!p0 $0x1;
	_ =	shalt  }
.Lfunc_end2:
_tile_overlayer_lowered:
.L_overlay_start_2:
0xb9: {  	(tag) =	ssettag $0x2  }
0xba: {  	s0 =	rddreg [dreg:$0x0];
	s2 =	stileid.u32  }
0xbb: {  	s1 =	rddreg [dreg:$0x1];
	p0 =	sne.s32 s2, $0x0  }
0xbc: {  	s3 =	rddreg [dreg:$0x2];
	[bflag:$0x3] =	sbarrier.arrive $0xFFFF;
	s2 =	simm.s32 @!p0 $0x1C03  }
0xbd: {  	[timem:s3], [sflag:s2] =	dma.local @!p0 [hbm:s0], s1  }
0xbe: {  	s0 =	simm.s32 @!p0 $0x3  }
0xbf: {  	_ =	swait.ge @!p0 [sflag:s0], s1  }
0xc0: {  	s1 =	ssub.s32 @!p0 $0x0, s1;
	[sflag:s0] =	ssyncset.done @!p0 $0x0  }
0xc1: {  	[sflag:s0] =	ssyncadd.s32 @!p0 s1  }
0xc2: {  	[bflag:$0x3] =	sbarrier.arrive $0xFFFF  }
0xc3: {  	_ =	shalt  }

// kernel: kernel.21.cloned.1.call-start
scs
__scs_entry_jumppad:
0x0: {  	(pc) =	sbr.rel $0x88, $3  }
0x1: {  	(tag) =	ssettag $0x0;
	lr =	simm.s32 $0x1  }
0x2: {  	[smem:$0x3F91] =	sst lr;
	_ =	strace $0xD0000000  }
0x3: {  	_ = 	snop  }
0x4: {  	_ = 	snop  }
0x5: {  	_ = 	snop  }
0x6: {  	_ = 	snop  }
0x7: {  	_ = 	snop  }
__scs_overlays_trampoline_lowered:
0x8: {  	[smem:$0x3FA0] =	sst s0  }
0x9: {  	[smem:$0x3FA1] =	sst s1  }
0xa: {  	[smem:$0x3FA2] =	sst s2  }
0xb: {  	[smem:$0x3FA3] =	sst s3  }
0xc: {  	[smem:$0x3FA4] =	sst s4  }
0xd: {  	[smem:$0x3FA5] =	sst s5  }
0xe: {  	[smem:$0x3FA6] =	sst s6  }
0xf: {  	[smem:$0x3FA7] =	sst s7  }
0x10: {  	[smem:$0x3FA8] =	sst s8  }
0x11: {  	[smem:$0x3FA9] =	sst s9;
	s0 =	simm.s32 @!p0 $0x0  }
0x12: {  	s1 =	sld [smem:$0x3F8F];
	s0 =	simm.s32 @p0 $0x1  }
0x13: {  	[smem:$0x3FAA] =	sst s0;
	s0 =	simm.s32 @!p1 $0x0  }
0x14: {  	s2 =	sld [smem:$0x3F8E];
	s0 =	simm.s32 @p1 $0x1  }
0x15: {  	[smem:$0x3FAB] =	sst s0;
	s0 =	simm.s32 @!p2 $0x0  }
0x16: {  	s3 =	sld [smem:$0x3FDB];
	s0 =	simm.s32 @p2 $0x1  }
0x17: {  	s4 =	simm.s32 $0x1BF5;
	[smem:$0x3FAD] =	sst s0  }
0x18: {  	s0 =	sld [smem:$0x3F90];
	_ =	swait.ge [sflag:s4], $0x0  }
0x19: {  	s7 =	sld [smem:$0x3F91]  }
0x1a: {  	s8 =	sadd.s32 $0xFFFFE003, lr  }
0x1b: {  	s9 =	sadd.s32 $0xFFFFFEF7, lr;
	s5 =	simm.s32 $0xFFFFFFFF;
	p2 =	slt.u32 s8, $0xFFFFF086  }
0x1c: {  	p1 =	slt.u32 s9, $0xF7A;
	s5 =	simm.s32 @!p2 $0x0  }
0x1d: {  	s5 =	simm.s32 @p1 $0x1;
	p0 =	seq.s32 s7, s2  }
0x1e: {  	s7 =	smul.u32 @!p0 $0xF7A, s2;
	p2 =	seq.s32 @!p0 s5, $0x0  }
0x1f: {  	s9 =	smul.u32 $0xF7A, s1;
	s8 =	simm.s32 @!p0 $0x1BF5;
	p2 =	por !p2, p0  }
0x20: {  	[sflag:s8] =	ssyncset.s32 @!p0 $0xFFFFF086;
	s6 =	sadd.s32 @!p0 s3, s7;
	s7 =	simm.s32 @!p0 $0x108  }
0x21: {  	s3 =	sadd.s32 s3, s9;
	s6 =	sadd.s32 @!p0 $0x88, s6;
	s7 =	simm.s32 @p2 $0x1082  }
0x22: {  	[simem:s7], [sflag:s8] =	dma.local @!p0 [hbm:s6], $0xF7A  }
0x23: {  	s9 =	sor.u32 $0xD0000000, s2;
	s6 =	simm.s32 $0x108;
	_ =	swait.ge @!p0 [sflag:s8], $0x0  }
0x24: {  	s3 =	sadd.s32 $0x88, s3;
	s6 =	simm.s32 @!p1 $0x1082;
	[sflag:s4] =	ssyncset.s32 $0xFFFFF086  }
0x25: {  	[simem:s6], [sflag:s4] =	dma.local [hbm:s3], $0xF7A  }
0x26: {  	[smem:$0x3F91] =	sst s1;
	(tag) =	ssettag s2;
	_ =	strace s9  }
0x27: {  	s1 =	sld [smem:$0x3FA1]  }
0x28: {  	s2 =	sld [smem:$0x3FA2]  }
0x29: {  	s4 =	sld [smem:$0x3FA4]  }
0x2a: {  	p0 =	seq.s32 s5, $0x0;
	s5 =	sld [smem:$0x3FA5]  }
0x2b: {  	s6 =	sld [smem:$0x3FA6]  }
0x2c: {  	s7 =	sld [smem:$0x3FA7]  }
0x2d: {  	s3 =	simm.s32 $0x108;
	s8 =	sld [smem:$0x3FA8]  }
0x2e: {  	s3 =	simm.s32 @!p0 $0x1082;
	s9 =	sld [smem:$0x3FA9]  }
0x2f: {  	lr =	sadd.s32 s0, s3;
	s0 =	sld [smem:$0x3FA0]  }
0x30: {  	s3 =	sld [smem:$0x3FA3]  }
0x31: {  	[smem:$0x3FAC] =	sst s10  }
0x32: {  	s10 =	sld [smem:$0x3FAA];
	_ =	sdelay $0x3  }
0x33: {  	p0 =	seq.s32 s10, $0x1;
	s10 =	sld [smem:$0x3FAC];
	_ =	sdelay $0x3  }
0x34: {  	[smem:$0x3FAC] =	sst s10  }
0x35: {  	s10 =	sld [smem:$0x3FAB];
	_ =	sdelay $0x3  }
0x36: {  	p1 =	seq.s32 s10, $0x1;
	s10 =	sld [smem:$0x3FAC];
	_ =	sdelay $0x3  }
0x37: {  	[smem:$0x3FAC] =	sst s10  }
0x38: {  	s10 =	sld [smem:$0x3FAD]  }
0x39: {  	_ = 	snop;
	(pc) =	sbr.ind lr, $3  }
0x3a: {  	_ = 	snop  }
0x3b: {  	_ = 	snop  }
0x3c: {  	p2 =	seq.s32 s10, $0x1;
	s10 =	sld [smem:$0x3FAC]  }
0x3d: {  	_ =	shalt  }
0x3e: {  	_ =	shalt  }
0x3f: {  	_ =	shalt  }
0x40: {  	_ =	shalt  }
0x41: {  	_ =	shalt  }
0x42: {  	_ =	shalt  }
0x43: {  	_ =	shalt  }
0x44: {  	_ =	shalt  }
0x45: {  	_ =	shalt  }
0x46: {  	_ =	shalt  }
0x47: {  	_ =	shalt  }
0x48: {  	_ =	shalt  }
0x49: {  	_ =	shalt  }
0x4a: {  	_ =	shalt  }
0x4b: {  	_ =	shalt  }
0x4c: {  	_ =	shalt  }
0x4d: {  	_ =	shalt  }
0x4e: {  	_ =	shalt  }
0x4f: {  	_ =	shalt  }
0x50: {  	_ =	shalt  }
0x51: {  	_ =	shalt  }
0x52: {  	_ =	shalt  }
0x53: {  	_ =	shalt  }
0x54: {  	_ =	shalt  }
0x55: {  	_ =	shalt  }
0x56: {  	_ =	shalt  }
0x57: {  	_ =	shalt  }
0x58: {  	_ =	shalt  }
0x59: {  	_ =	shalt  }
0x5a: {  	_ =	shalt  }
0x5b: {  	_ =	shalt  }
0x5c: {  	_ =	shalt  }
0x5d: {  	_ =	shalt  }
0x5e: {  	_ =	shalt  }
0x5f: {  	_ =	shalt  }
0x60: {  	_ =	shalt  }
0x61: {  	_ =	shalt  }
0x62: {  	_ =	shalt  }
0x63: {  	_ =	shalt  }
0x64: {  	_ =	shalt  }
0x65: {  	_ =	shalt  }
0x66: {  	_ =	shalt  }
0x67: {  	_ =	shalt  }
0x68: {  	_ =	shalt  }
0x69: {  	_ =	shalt  }
0x6a: {  	_ =	shalt  }
0x6b: {  	_ =	shalt  }
0x6c: {  	_ =	shalt  }
0x6d: {  	_ =	shalt  }
0x6e: {  	_ =	shalt  }
0x6f: {  	_ =	shalt  }
0x70: {  	_ =	shalt  }
0x71: {  	_ =	shalt  }
0x72: {  	_ =	shalt  }
0x73: {  	_ =	shalt  }
0x74: {  	_ =	shalt  }
0x75: {  	_ =	shalt  }
0x76: {  	_ =	shalt  }
0x77: {  	_ =	shalt  }
0x78: {  	_ =	shalt  }
0x79: {  	_ =	shalt  }
0x7a: {  	_ =	shalt  }
0x7b: {  	_ =	shalt  }
0x7c: {  	_ =	shalt  }
0x7d: {  	_ =	shalt  }
0x7e: {  	_ =	shalt  }
0x7f: {  	_ =	shalt  }
0x80: {  	_ =	shalt  }
0x81: {  	_ =	shalt  }
0x82: {  	_ =	shalt  }
0x83: {  	_ =	shalt  }
0x84: {  	_ =	shalt  }
0x85: {  	_ =	shalt  }
0x86: {  	_ =	shalt  }
0x87: {  	_ =	shalt  }
.Lfunc_end0:
.L_simem_size_0:
called_computation.3_lowered:
.L_overlay_start_0:
0x88: {  	s2 =	sld [smem:$0x3FD9]  }
0x89: {  	s3 =	sld [smem:$0x3FFE];
	_ =	sdelay $0x1  }
0x8a: {  	s1 =	srdreg.scid  }
0x8b: {  	s0 =	sand.u32 $0x1, s1  }
0x8c: {  	s17 =	sshll.u32 s0, $0xA;
	s2 =	sadd.s32 s3, s2  }
0x8d: {  	s2 =	sadd.s32 s2, s17  }
0x8e: {  	[smem:$0x3FB8] =	sst s2  }
0x8f: {  	_ = 	snop  }
0x90: {  	s2 =	sld [smem:$0x3FD0];
	(tm) =	ssettm $0x1  }
0x91: {  	s18 =	sld [smem:$0x3FFB];
	_ =	sdelay $0x3  }
0x92: {  	_ =	strace s18  }
0x93: {  	s3 =	sld [smem:$0x3FFC];
	_ =	sdelay $0x3  }
0x94: {  	_ =	strace s3  }
0x95: {  	s3 =	sld [smem:$0x3FFD];
	_ =	sdelay $0x3  }
0x96: {  	_ =	strace s3  }
0x97: {  	_ =	strace $0x8FFFFFFF  }
0x98: {  	s19 =	sld [smem:$0x3FDB];
	_ =	sdelay $0x1  }
0x99: {  	s4 =	simm.s32 $_scs_section_size  }
0x9a: {  	s5 =	simm.s32 $_size__tile_overlayer_lowered;
	s6 =	simm.s32 $_tile_overlayer_lowered  }
0x9b: {  	s22 =	simm.s32 $0x1BFF;
	s21 =	sshll.u32 s6, $0x1;
	s3 =	sadd.s32 s4, s19  }
0x9c: {  	s7 =	simm.s32 $0x0;
	s20 =	sshll.u32 s5, $0x1;
	s5 =	sadd.s32 s21, s3  }
0x9d: {  	[timem:s7], [sflag:s22] =	dma.local [hbm:s5], s20  }
0x9e: {  	_ =	swait.ge [sflag:s22], s20  }
0x9f: {  	s4 =	ssub.s32 $0x0, s20;
	[sflag:s22] =	ssyncset.done $0x0  }
0xa0: {  	[sflag:s22] =	ssyncadd.s32 s4;
	_ =	sdelay $0x1  }
0xa1: {  	s23 =	simm.s32 $0x1B8B  }
0xa2: {  	_ =	swait.ge [sflag:s23], $0x1  }
0xa3: {  	[sflag:s23] =	ssyncset.done $0x0  }
0xa4: {  	s25 =	simm.s32 $0x1B8E;
	s24 =	sld [smem:$0x3FFE];
	[sflag:s23] =	ssyncadd.s32 $0xFFFFFFFF  }
0xa5: {  	s26 =	simm.s32 $execute0_lowered;
	[smem:$0x3FD2] =	sst s25  }
0xa6: {  	s5 =	sshll.u32 s26, $0x1;
	_ =	strace $0x8000004F;
	[dreg:$0x1] =	wrdreg $0xFFFFFFFF  }
0xa7: {  	s28 =	simm.s32 $_size_execute0_lowered;
	s3 =	sadd.s32 s3, s5;
	[dreg:$0x0] =	wrdreg $0x0  }
0xa8: {  	s5 =	sshll.u32 s28, $0x1;
	[dreg:$0x2] =	wrdreg s3  }
0xa9: {  	[dreg:$0x3] =	wrdreg s5  }
0xaa: {  	[dreg:$0x4] =	wrdreg $0xC0  }
0xab: {  	_ =	task [dreg:s7], $0x5FFFF  }
0xac: {  	[dreg:$0x1] =	wrdreg $0xFFFFFFFF  }
0xad: {  	[dreg:$0x0] =	wrdreg $0x60  }
0xae: {  	[dreg:$0x2] =	wrdreg s2  }
0xaf: {  	[dreg:$0x3] =	wrdreg s24  }
0xb0: {  	[dreg:$0x4] =	wrdreg $0xA8000  }
0xb1: {  	[dreg:$0x5] =	wrdreg $0x9  }
0xb2: {  	_ =	task.clear_ibuf [dreg:s7], $0x6FFFF;
	_ =	strace $0x9000004F  }
0xb3: {  	s29 =	simm.s32 $0x9;
	_ =	strace $0x80000051  }
0xb4: {  	_ =	swait.ge [sflag:s29], $0x1  }
0xb5: {  	[sflag:s29] =	ssyncadd.s32 $0xFFFFFFFF  }
0xb6: {  	_ =	strace $0x90000051  }
0xb7: {  	_ =	sfence  }
0xb8: {  	s30 =	sld [smem:$0x0];
	_ =	sdelay $0x2  }
0xb9: {  	s31 =	sshll.u32 s1, $0xD;
	s1 =	sshrl.u32 s1, $0x2  }
0xba: {  	s3 =	sand.u32 $0x4000, s31;
	s1 =	sadd.s32 s1, s30  }
0xbb: {  	s0 =	sor.u32 s3, s0;
	s1 =	sshll.u32 s1, $0x11  }
0xbc: {  	s0 =	sor.u32 s1, s0  }
0xbd: {  	s0 =	sadd.s32 $0x8F2B, s0  }
0xbe: {  	[sflag:s0] =	ssyncadd.remote.s32 $0x1  }
0xbf: {  	_ =	sfence.sel $0xFFFF  }
0xc0: {  	[dreg:$0x0] =	wrdreg $0xFFFFFFFF;
	(pc) =	sbr.abs _section_cstart, $3  }
0xc1: {  	[dreg:$0x1] =	wrdreg $0xFFFFFFFF  }
0xc2: {  	_ =	task.clear_ibuf [dreg:s7], $0x2FFFF;
	_ =	strace $0x9FFFFFFF  }
0xc3: {  	(tm) =	ssettm $0x7FFFFFFF  }
tec
execute0_lowered:
.L_overlay_start_1:
0x0: {  	(tag) =	ssettag $0x1  }
0x1: {  	s1 =	rddreg [dreg:$0x0]  }
0x2: {  	s5 =	rddreg [dreg:$0x1]  }
0x3: {  	s2 =	rddreg [dreg:$0x2]  }
0x4: {  	s0 =	rddreg [dreg:$0x3]  }
0x5: {  	s4 =	simm.s32 $0x0;
	s3 =	stileid.u32;
	s6 =	srdreg.scid  }
0x6: {  	s16 =	simm.s32 $0x7D;
	s17 =	simm.s32 $0x2800;
	s18 =	simm.s32 $0x6800  }
0x7: {  	s19 =	simm.s32 $0x1;
	s20 =	simm.s32 $0x2;
	s21 =	simm.s32 $0x1380  }
0x8: {  	s22 =	simm.s32 $0x2700;
	s23 =	simm.s32 $0x2780;
	s24 =	simm.s32 $0x0  }
0x9: {  	[smem:$0x7FF] =	sst s4;
	s8 =	sadd.s32 $0xF600, s5;
	s9 =	sadd.s32 $0x5600, s5  }
0xa: {  	s7 =	smul.u32 $0x3E80, s3;
	s6 =	sand.u32 $0x1, s6;
	s12 =	sshll.u32 s3, $0x1  }
0xb: {  	s14 =	smul.u32 $0x7D000, s3;
	p0 =	sgt.u32 s3, $0x9;
	_ =	strace $0x80000050  }
0xc: {  	s10 =	smul.u32 $0x27100, s6;
	s11 =	sshll.u32 s6, $0x5;
	s6 =	ssub.s32 $0x2, s6  }
0xd: {  	s13 =	sadd.s32 s7, s5;
	s11 =	sor.u32 s12, s11;
	s30 =	sshrl.u32 s6, $0x1  }
0xe: {  	s14 =	sshrl.u32 s14, $0x2;
	s7 =	sadd.s32 s7, s10;
	s29 =	smul.u32 $0x280, s11  }
0xf: {  	s11 =	smul.u32 $0x1400, s11;
	s12 =	ssub.s32 s6, s30;
	s14 =	sadd.s32 s14, s2  }
0x10: {  	s15 =	sadd.s32 s7, s5;
	s5 =	sadd.s32 $0x19600, s13;
	s13 =	sshll.u32 @!p0 s3, $0x6  }
0x11: {  	s6 =	sadd.s32 s8, s29;
	s11 =	sshrl.u32 s11, $0x3;
	s7 =	sadd.s32 s9, s29  }
0x12: {  	s10 =	sadd.s32 $0x40800, s15;
	s15 =	simm.s32 $0x1400;
	s31 =	sadd.s32 $0x280, s11  }
0x13: {  	s11 =	smax.u32 s12, $0x1;
	s12 =	sor.u32 @!p0 $0x1C03, s13;
	s13 =	sshrl.u32 @!p0 s14, $0x3  }
0x14: {  	s14 =	simm.s32 $0x3;
	s8 =	sadd.s32 s8, s31;
	s9 =	sadd.s32 s9, s31  }
.LBB2_1:
0x15: {  	[spmem:s13], [sflag:s12] =	dma.local @!p0 [hbm:s5], $0x3E80  }
0x16: {  	s25 =	simm.s32 @!p0 $0x3  }
0x17: {  	_ =	swait.ge @!p0 [sflag:s25], $0x3E80  }
0x18: {  	[sflag:s25] =	ssyncset.done @!p0 $0x0  }
0x19: {  	[sflag:s25] =	ssyncadd.s32 @!p0 $0xFFFFC180  }
0x1a: {  	[tilespmem:s4], [sflag:$0x3] =	stream.linear.gather [hbm4b:s6+s4], $0x1400, $0x38;
	[tilespmem:$0x1E080] =	vst v63  }
0x1b: {  	_ =	swait.ge [sflag:s14], $0x1400  }
0x1c: {  	[sflag:s14] =	ssyncset.done $0x0  }
0x1d: {  	[sflag:s14] =	ssyncadd.s32 $0xFFFFEC00  }
0x1e: {  	[tilespmem:s15], [sflag:$0x3] =	stream.linear.gather [hbm4b:s7+s4], $0x1400, $0x38;
	[tilespmem:$0x1E080] =	vst v63  }
0x1f: {  	_ =	swait.ge [sflag:s14], $0x1400  }
0x20: {  	[sflag:s14] =	ssyncset.done $0x0  }
0x21: {  	[sflag:s14] =	ssyncadd.s32 $0xFFFFEC00  }
0x22: {  	[bflag:$0x0] =	sbarrier.arrive $0xFFFF  }
0x23: {  	[tilespmem:s17], [sflag:$0x1] =	stream.indirect.gather [hbm4b:s1+s16], $0x80, s4, s16, $0xb8;
	[tilespmem:$0x1E080] =	vst v63  }
0x24: {  	s28 =	simm.s32 $0x80  }
0x25: {  	[tilespmem:s18], [sflag:$0x2] =	stream.indirect.gather [hbm4b:s1+s16], $0x80, s28, s16, $0xb8;
	[tilespmem:$0x1E080] =	vst v63  }
0x26: {  	_ =	swait.ge [sflag:s19], $0x3E80  }
0x27: {  	[sflag:s19] =	ssyncset.done $0x0  }
0x28: {  	s29 =	simm.s32 $0x1400;
	[sflag:s19] =	ssyncadd.s32 $0xFFFFC180  }
0x29: {  	[spmem:s2] =	stream.indirect.scatter.add.f32 [tilespmem:s17], [sflag:$0x3], $0x80, s29, s16, $0xb8;
	[tilespmem:$0x1E080] =	vst v63  }
0x2a: {  	_ =	swait.ge [sflag:s14], $0x3E80  }
0x2b: {  	[sflag:s14] =	ssyncset.done $0x0  }
0x2c: {  	s30 =	simm.s32 $0x100;
	[sflag:s14] =	ssyncadd.s32 $0xFFFFC180  }
0x2d: {  	[tilespmem:s17], [sflag:$0x1] =	stream.indirect.gather [hbm4b:s1+s16], $0x80, s30, s16, $0xb8;
	[tilespmem:$0x1E080] =	vst v63  }
0x2e: {  	_ =	swait.ge [sflag:s20], $0x3E80  }
0x2f: {  	[sflag:s20] =	ssyncset.done $0x0  }
0x30: {  	s31 =	simm.s32 $0x1480;
	[sflag:s20] =	ssyncadd.s32 $0xFFFFC180  }
0x31: {  	[spmem:s2] =	stream.indirect.scatter.add.f32 [tilespmem:s18], [sflag:$0x3], $0x80, s31, s16, $0xb8;
	[tilespmem:$0x1E080] =	vst v63  }
0x32: {  	_ =	swait.ge [sflag:s14], $0x3E80  }
0x33: {  	s26 =	simm.s32 $0x800;
	s25 =	simm.s32 $0x100;
	[sflag:s14] =	ssyncset.done $0x0  }
.LBB2_2:
0x34: {  	s28 =	sadd.s32 $0x80, s25  }
0x35: {  	[sflag:s14] =	ssyncadd.s32 $0xFFFFC180;
	s29 =	smov.u32 s26;
	s30 =	sadd.s32 $0x400, s26  }
0x36: {  	[tilespmem:s18], [sflag:$0x2] =	stream.indirect.gather [hbm4b:s1+s16], $0x80, s28, s16, $0xb8;
	[tilespmem:$0x1E080] =	vst v63  }
0x37: {  	p1 =	sne.s32 s26, $0x4800;
	_ =	swait.ge [sflag:s19], $0x3E80  }
0x38: {  	[sflag:s19] =	ssyncset.done $0x0  }
0x39: {  	s26 =	sadd.s32 $0x1400, s25;
	[sflag:s19] =	ssyncadd.s32 $0xFFFFC180  }
0x3a: {  	[spmem:s2] =	stream.indirect.scatter.add.f32 [tilespmem:s17], [sflag:$0x3], $0x80, s26, s16, $0xb8;
	[tilespmem:$0x1E080] =	vst v63  }
0x3b: {  	_ =	swait.ge [sflag:s14], $0x3E80  }
0x3c: {  	[sflag:s14] =	ssyncset.done $0x0  }
0x3d: {  	s26 =	sadd.s32 $0x100, s25;
	[sflag:s14] =	ssyncadd.s32 $0xFFFFC180  }
0x3e: {  	[tilespmem:s17], [sflag:$0x1] =	stream.indirect.gather [hbm4b:s1+s16], $0x80, s26, s16, $0xb8;
	[tilespmem:$0x1E080] =	vst v63  }
0x3f: {  	_ =	swait.ge [sflag:s20], $0x3E80  }
.Ltmp0:
0x40: {  	[sflag:s20] =	ssyncset.done $0x0;
	(pc) =	sbr.rel @p1 .LBB2_2-.Ltmp0, $4  }
0x41: {  	s25 =	sadd.s32 $0x1480, s25;
	[sflag:s20] =	ssyncadd.s32 $0xFFFFC180  }
0x42: {  	[spmem:s2] =	stream.indirect.scatter.add.f32 [tilespmem:s18], [sflag:$0x3], $0x80, s25, s16, $0xb8;
	[tilespmem:$0x1E080] =	vst v63  }
0x43: {  	_ =	swait.ge [sflag:s14], $0x3E80  }
0x44: {  	s26 =	smov.u32 s30;
	s25 =	sshra.s32 s29, $0x2;
	[sflag:s14] =	ssyncset.done $0x0  }
0x45: {  	s26 =	sadd.s32 $0x80, s25;
	[sflag:s14] =	ssyncadd.s32 $0xFFFFC180  }
0x46: {  	[tilespmem:s18], [sflag:$0x2] =	stream.indirect.gather [hbm4b:s1+s16], $0x80, s26, s16, $0xb8;
	[tilespmem:$0x1E080] =	vst v63  }
0x47: {  	_ =	swait.ge [sflag:s19], $0x3E80  }
0x48: {  	[sflag:s19] =	ssyncset.done $0x0  }
0x49: {  	s29 =	sadd.s32 $0x1400, s25;
	[sflag:s19] =	ssyncadd.s32 $0xFFFFC180  }
0x4a: {  	[spmem:s2] =	stream.indirect.scatter.add.f32 [tilespmem:s17], [sflag:$0x3], $0x80, s29, s16, $0xb8;
	[tilespmem:$0x1E080] =	vst v63  }
0x4b: {  	_ =	swait.ge [sflag:s14], $0x3E80  }
0x4c: {  	[sflag:s14] =	ssyncset.done $0x0  }
0x4d: {  	s30 =	sadd.s32 $0x100, s25;
	[sflag:s14] =	ssyncadd.s32 $0xFFFFC180  }
0x4e: {  	[tilespmem:s17], [sflag:$0x1] =	stream.indirect.gather [hbm4b:s1+s16], $0x80, s30, s16, $0xb8;
	[tilespmem:$0x1E080] =	vst v63  }
0x4f: {  	_ =	swait.ge [sflag:s20], $0x3E80  }
0x50: {  	[sflag:s20] =	ssyncset.done $0x0  }
0x51: {  	s31 =	sadd.s32 $0x1480, s25;
	[sflag:s20] =	ssyncadd.s32 $0xFFFFC180  }
0x52: {  	[spmem:s2] =	stream.indirect.scatter.add.f32 [tilespmem:s18], [sflag:$0x3], $0x80, s31, s16, $0xb8;
	[tilespmem:$0x1E080] =	vst v63  }
0x53: {  	_ =	swait.ge [sflag:s14], $0x3E80  }
0x54: {  	[sflag:s14] =	ssyncset.done $0x0  }
0x55: {  	[sflag:s14] =	ssyncadd.s32 $0xFFFFC180  }
0x56: {  	[tilespmem:s18], [sflag:$0x2] =	stream.indirect.gather [hbm4b:s1+s16], $0x80, s21, s16, $0xb8;
	[tilespmem:$0x1E080] =	vst v63  }
0x57: {  	_ =	swait.ge [sflag:s19], $0x3E80  }
0x58: {  	[sflag:s19] =	ssyncset.done $0x0  }
0x59: {  	[sflag:s19] =	ssyncadd.s32 $0xFFFFC180  }
0x5a: {  	[spmem:s2] =	stream.indirect.scatter.add.f32 [tilespmem:s17], [sflag:$0x3], $0x80, s22, s16, $0xb8;
	[tilespmem:$0x1E080] =	vst v63  }
0x5b: {  	_ =	swait.ge [sflag:s14], $0x3E80  }
0x5c: {  	[sflag:s14] =	ssyncset.done $0x0  }
0x5d: {  	[sflag:s14] =	ssyncadd.s32 $0xFFFFC180  }
0x5e: {  	_ =	swait.ge [sflag:s20], $0x3E80  }
0x5f: {  	[sflag:s20] =	ssyncset.done $0x0  }
0x60: {  	[sflag:s20] =	ssyncadd.s32 $0xFFFFC180  }
0x61: {  	[spmem:s2] =	stream.indirect.scatter.add.f32 [tilespmem:s18], [sflag:$0x3], $0x80, s23, s16, $0xb8;
	[tilespmem:$0x1E080] =	vst v63  }
0x62: {  	_ =	swait.ge [sflag:s14], $0x3E80  }
0x63: {  	[sflag:s14] =	ssyncset.done $0x0  }
0x64: {  	s26 =	simm.s32 $0x0;
	[sflag:s14] =	ssyncadd.s32 $0xFFFFC180  }
0x65: {  	[tilespmem:s26], [sflag:$0x3] =	stream.linear.gather [hbm4b:s8+s26], $0x1400, $0x38;
	[tilespmem:$0x1E080] =	vst v63  }
0x66: {  	_ =	swait.ge [sflag:s14], $0x1400  }
0x67: {  	[sflag:s14] =	ssyncset.done $0x0  }
0x68: {  	[sflag:s14] =	ssyncadd.s32 $0xFFFFEC00  }
0x69: {  	[tilespmem:s15], [sflag:$0x3] =	stream.linear.gather [hbm4b:s9+s26], $0x1400, $0x38;
	[tilespmem:$0x1E080] =	vst v63  }
0x6a: {  	_ =	swait.ge [sflag:s14], $0x1400  }
0x6b: {  	[sflag:s14] =	ssyncset.done $0x0  }
0x6c: {  	[sflag:s14] =	ssyncadd.s32 $0xFFFFEC00  }
0x6d: {  	[tilespmem:s17], [sflag:$0x1] =	stream.indirect.gather [hbm4b:s1+s16], $0x80, s26, s16, $0xb8;
	[tilespmem:$0x1E080] =	vst v63  }
0x6e: {  	s28 =	simm.s32 $0x80  }
0x6f: {  	[tilespmem:s18], [sflag:$0x2] =	stream.indirect.gather [hbm4b:s1+s16], $0x80, s28, s16, $0xb8;
	[tilespmem:$0x1E080] =	vst v63  }
0x70: {  	_ =	swait.ge [sflag:s19], $0x3E80  }
0x71: {  	[sflag:s19] =	ssyncset.done $0x0  }
0x72: {  	s29 =	simm.s32 $0x1400;
	[sflag:s19] =	ssyncadd.s32 $0xFFFFC180  }
0x73: {  	[spmem:s2] =	stream.indirect.scatter.add.f32 [tilespmem:s17], [sflag:$0x3], $0x80, s29, s16, $0xb8;
	[tilespmem:$0x1E080] =	vst v63  }
0x74: {  	_ =	swait.ge [sflag:s14], $0x3E80  }
0x75: {  	[sflag:s14] =	ssyncset.done $0x0  }
0x76: {  	s30 =	simm.s32 $0x100;
	[sflag:s14] =	ssyncadd.s32 $0xFFFFC180  }
0x77: {  	[tilespmem:s17], [sflag:$0x1] =	stream.indirect.gather [hbm4b:s1+s16], $0x80, s30, s16, $0xb8;
	[tilespmem:$0x1E080] =	vst v63  }
0x78: {  	_ =	swait.ge [sflag:s20], $0x3E80  }
0x79: {  	[sflag:s20] =	ssyncset.done $0x0  }
0x7a: {  	s31 =	simm.s32 $0x1480;
	[sflag:s20] =	ssyncadd.s32 $0xFFFFC180  }
0x7b: {  	[spmem:s2] =	stream.indirect.scatter.add.f32 [tilespmem:s18], [sflag:$0x3], $0x80, s31, s16, $0xb8;
	[tilespmem:$0x1E080] =	vst v63  }
0x7c: {  	_ =	swait.ge [sflag:s14], $0x3E80  }
0x7d: {  	s25 =	simm.s32 $0x100;
	s26 =	simm.s32 $0x800;
	[sflag:s14] =	ssyncset.done $0x0  }
.LBB2_4:
0x7e: {  	s28 =	sadd.s32 $0x80, s25  }
0x7f: {  	[sflag:s14] =	ssyncadd.s32 $0xFFFFC180;
	s29 =	smov.u32 s26;
	s30 =	sadd.s32 $0x400, s26  }
0x80: {  	[tilespmem:s18], [sflag:$0x2] =	stream.indirect.gather [hbm4b:s1+s16], $0x80, s28, s16, $0xb8;
	[tilespmem:$0x1E080] =	vst v63  }
0x81: {  	p1 =	sne.s32 s26, $0x4800;
	_ =	swait.ge [sflag:s19], $0x3E80  }
0x82: {  	[sflag:s19] =	ssyncset.done $0x0  }
0x83: {  	s26 =	sadd.s32 $0x1400, s25;
	[sflag:s19] =	ssyncadd.s32 $0xFFFFC180  }
0x84: {  	[spmem:s2] =	stream.indirect.scatter.add.f32 [tilespmem:s17], [sflag:$0x3], $0x80, s26, s16, $0xb8;
	[tilespmem:$0x1E080] =	vst v63  }
0x85: {  	_ =	swait.ge [sflag:s14], $0x3E80  }
0x86: {  	[sflag:s14] =	ssyncset.done $0x0  }
0x87: {  	s26 =	sadd.s32 $0x100, s25;
	[sflag:s14] =	ssyncadd.s32 $0xFFFFC180  }
0x88: {  	[tilespmem:s17], [sflag:$0x1] =	stream.indirect.gather [hbm4b:s1+s16], $0x80, s26, s16, $0xb8;
	[tilespmem:$0x1E080] =	vst v63  }
0x89: {  	_ =	swait.ge [sflag:s20], $0x3E80  }
.Ltmp1:
0x8a: {  	[sflag:s20] =	ssyncset.done $0x0;
	(pc) =	sbr.rel @p1 .LBB2_4-.Ltmp1, $4  }
0x8b: {  	s25 =	sadd.s32 $0x1480, s25;
	[sflag:s20] =	ssyncadd.s32 $0xFFFFC180  }
0x8c: {  	[spmem:s2] =	stream.indirect.scatter.add.f32 [tilespmem:s18], [sflag:$0x3], $0x80, s25, s16, $0xb8;
	[tilespmem:$0x1E080] =	vst v63  }
0x8d: {  	_ =	swait.ge [sflag:s14], $0x3E80  }
0x8e: {  	s26 =	smov.u32 s30;
	s25 =	sshra.s32 s29, $0x2;
	[sflag:s14] =	ssyncset.done $0x0  }
0x8f: {  	s26 =	sadd.s32 $0x80, s25;
	[sflag:s14] =	ssyncadd.s32 $0xFFFFC180  }
0x90: {  	[tilespmem:s18], [sflag:$0x2] =	stream.indirect.gather [hbm4b:s1+s16], $0x80, s26, s16, $0xb8;
	[tilespmem:$0x1E080] =	vst v63  }
0x91: {  	_ =	swait.ge [sflag:s19], $0x3E80  }
0x92: {  	[sflag:s19] =	ssyncset.done $0x0  }
0x93: {  	s29 =	sadd.s32 $0x1400, s25;
	[sflag:s19] =	ssyncadd.s32 $0xFFFFC180  }
0x94: {  	[spmem:s2] =	stream.indirect.scatter.add.f32 [tilespmem:s17], [sflag:$0x3], $0x80, s29, s16, $0xb8;
	[tilespmem:$0x1E080] =	vst v63  }
0x95: {  	_ =	swait.ge [sflag:s14], $0x3E80  }
0x96: {  	[sflag:s14] =	ssyncset.done $0x0  }
0x97: {  	s30 =	sadd.s32 $0x100, s25;
	[sflag:s14] =	ssyncadd.s32 $0xFFFFC180  }
0x98: {  	[tilespmem:s17], [sflag:$0x1] =	stream.indirect.gather [hbm4b:s1+s16], $0x80, s30, s16, $0xb8;
	[tilespmem:$0x1E080] =	vst v63  }
0x99: {  	_ =	swait.ge [sflag:s20], $0x3E80  }
0x9a: {  	[sflag:s20] =	ssyncset.done $0x0  }
0x9b: {  	s31 =	sadd.s32 $0x1480, s25;
	[sflag:s20] =	ssyncadd.s32 $0xFFFFC180  }
0x9c: {  	[spmem:s2] =	stream.indirect.scatter.add.f32 [tilespmem:s18], [sflag:$0x3], $0x80, s31, s16, $0xb8;
	[tilespmem:$0x1E080] =	vst v63  }
0x9d: {  	_ =	swait.ge [sflag:s14], $0x3E80  }
0x9e: {  	[sflag:s14] =	ssyncset.done $0x0  }
0x9f: {  	[sflag:s14] =	ssyncadd.s32 $0xFFFFC180  }
0xa0: {  	[tilespmem:s18], [sflag:$0x2] =	stream.indirect.gather [hbm4b:s1+s16], $0x80, s21, s16, $0xb8;
	[tilespmem:$0x1E080] =	vst v63  }
0xa1: {  	_ =	swait.ge [sflag:s19], $0x3E80  }
0xa2: {  	[sflag:s19] =	ssyncset.done $0x0  }
0xa3: {  	[sflag:s19] =	ssyncadd.s32 $0xFFFFC180  }
0xa4: {  	[spmem:s2] =	stream.indirect.scatter.add.f32 [tilespmem:s17], [sflag:$0x3], $0x80, s22, s16, $0xb8;
	[tilespmem:$0x1E080] =	vst v63  }
0xa5: {  	_ =	swait.ge [sflag:s14], $0x3E80  }
0xa6: {  	[sflag:s14] =	ssyncset.done $0x0  }
0xa7: {  	[sflag:s14] =	ssyncadd.s32 $0xFFFFC180  }
0xa8: {  	_ =	swait.ge [sflag:s20], $0x3E80  }
0xa9: {  	[sflag:s20] =	ssyncset.done $0x0  }
0xaa: {  	[sflag:s20] =	ssyncadd.s32 $0xFFFFC180  }
0xab: {  	[spmem:s2] =	stream.indirect.scatter.add.f32 [tilespmem:s18], [sflag:$0x3], $0x80, s23, s16, $0xb8;
	[tilespmem:$0x1E080] =	vst v63  }
0xac: {  	_ =	swait.ge [sflag:s14], $0x3E80  }
0xad: {  	s24 =	sadd.s32 $0x1, s24;
	[sflag:s14] =	ssyncset.done $0x0  }
0xae: {  	p1 =	sne.s32 s24, s11;
	[sflag:s14] =	ssyncadd.s32 $0xFFFFC180  }
.Ltmp2:
0xaf: {  	s25 =	simm.s32 @!p0 $0x3;
	[bflag:$0x0] =	sbarrier.arrive $0xFFFF;
	(pc) =	sbr.rel @p1 .LBB2_1-.Ltmp2, $4  }
0xb0: {  	[hbm:s10], [sflag:s12] =	dma.local @!p0 [spmem:s13], $0x3E80  }
0xb1: {  	_ =	swait.ge @!p0 [sflag:s25], $0x3E80  }
0xb2: {  	[sflag:s25] =	ssyncset.done @!p0 $0x0  }
0xb3: {  	[sflag:s25] =	ssyncadd.s32 @!p0 $0xFFFFC180  }
0xb4: {  	_ =	sfence.sel $0x180000  }
0xb5: {  	[bflag:$0x0] =	sbarrier.arrive $0xFFFF  }
0xb6: {  	p0 =	sne.s32 s3, $0x0;
	_ =	strace $0x90000050  }
0xb7: {  	s0 =	sadd.s32 @!p0 $0x100000, s0;
	[bflag:$0x2] =	sbarrier.arrive $0xFFFF  }
0xb8: {  	[sflag:s0] =	ssyncadd.tile.s32 @!p0 $0x1;
	_ =	shalt  }
.Lfunc_end2:
_tile_overlayer_lowered:
.L_overlay_start_2:
0xb9: {  	(tag) =	ssettag $0x2  }
0xba: {  	s0 =	rddreg [dreg:$0x0];
	s2 =	stileid.u32  }
0xbb: {  	s1 =	rddreg [dreg:$0x1];
	p0 =	sne.s32 s2, $0x0  }
0xbc: {  	s3 =	rddreg [dreg:$0x2];
	[bflag:$0x3] =	sbarrier.arrive $0xFFFF;
	s2 =	simm.s32 @!p0 $0x1C03  }
0xbd: {  	[timem:s3], [sflag:s2] =	dma.local @!p0 [hbm:s0], s1  }
0xbe: {  	s0 =	simm.s32 @!p0 $0x3  }
0xbf: {  	_ =	swait.ge @!p0 [sflag:s0], s1  }
0xc0: {  	s1 =	ssub.s32 @!p0 $0x0, s1;
	[sflag:s0] =	ssyncset.done @!p0 $0x0  }
0xc1: {  	[sflag:s0] =	ssyncadd.s32 @!p0 s1  }
0xc2: {  	[bflag:$0x3] =	sbarrier.arrive $0xFFFF  }
0xc3: {  	_ =	shalt  }

// kernel: kernel.24.cloned.1.call-start
scs
__scs_entry_jumppad:
0x0: {  	(pc) =	sbr.rel $0x88, $3  }
0x1: {  	(tag) =	ssettag $0x0;
	lr =	simm.s32 $0x1  }
0x2: {  	[smem:$0x3F91] =	sst lr;
	_ =	strace $0xD0000000  }
0x3: {  	_ = 	snop  }
0x4: {  	_ = 	snop  }
0x5: {  	_ = 	snop  }
0x6: {  	_ = 	snop  }
0x7: {  	_ = 	snop  }
__scs_overlays_trampoline_lowered:
0x8: {  	[smem:$0x3FA0] =	sst s0  }
0x9: {  	[smem:$0x3FA1] =	sst s1  }
0xa: {  	[smem:$0x3FA2] =	sst s2  }
0xb: {  	[smem:$0x3FA3] =	sst s3  }
0xc: {  	[smem:$0x3FA4] =	sst s4  }
0xd: {  	[smem:$0x3FA5] =	sst s5  }
0xe: {  	[smem:$0x3FA6] =	sst s6  }
0xf: {  	[smem:$0x3FA7] =	sst s7  }
0x10: {  	[smem:$0x3FA8] =	sst s8  }
0x11: {  	[smem:$0x3FA9] =	sst s9;
	s0 =	simm.s32 @!p0 $0x0  }
0x12: {  	s1 =	sld [smem:$0x3F8F];
	s0 =	simm.s32 @p0 $0x1  }
0x13: {  	[smem:$0x3FAA] =	sst s0;
	s0 =	simm.s32 @!p1 $0x0  }
0x14: {  	s2 =	sld [smem:$0x3F8E];
	s0 =	simm.s32 @p1 $0x1  }
0x15: {  	[smem:$0x3FAB] =	sst s0;
	s0 =	simm.s32 @!p2 $0x0  }
0x16: {  	s3 =	sld [smem:$0x3FDB];
	s0 =	simm.s32 @p2 $0x1  }
0x17: {  	s4 =	simm.s32 $0x1BF5;
	[smem:$0x3FAD] =	sst s0  }
0x18: {  	s0 =	sld [smem:$0x3F90];
	_ =	swait.ge [sflag:s4], $0x0  }
0x19: {  	s7 =	sld [smem:$0x3F91]  }
0x1a: {  	s8 =	sadd.s32 $0xFFFFE003, lr  }
0x1b: {  	s9 =	sadd.s32 $0xFFFFFEF7, lr;
	s5 =	simm.s32 $0xFFFFFFFF;
	p2 =	slt.u32 s8, $0xFFFFF086  }
0x1c: {  	p1 =	slt.u32 s9, $0xF7A;
	s5 =	simm.s32 @!p2 $0x0  }
0x1d: {  	s5 =	simm.s32 @p1 $0x1;
	p0 =	seq.s32 s7, s2  }
0x1e: {  	s7 =	smul.u32 @!p0 $0xF7A, s2;
	p2 =	seq.s32 @!p0 s5, $0x0  }
0x1f: {  	s9 =	smul.u32 $0xF7A, s1;
	s8 =	simm.s32 @!p0 $0x1BF5;
	p2 =	por !p2, p0  }
0x20: {  	[sflag:s8] =	ssyncset.s32 @!p0 $0xFFFFF086;
	s6 =	sadd.s32 @!p0 s3, s7;
	s7 =	simm.s32 @!p0 $0x108  }
0x21: {  	s3 =	sadd.s32 s3, s9;
	s6 =	sadd.s32 @!p0 $0x88, s6;
	s7 =	simm.s32 @p2 $0x1082  }
0x22: {  	[simem:s7], [sflag:s8] =	dma.local @!p0 [hbm:s6], $0xF7A  }
0x23: {  	s9 =	sor.u32 $0xD0000000, s2;
	s6 =	simm.s32 $0x108;
	_ =	swait.ge @!p0 [sflag:s8], $0x0  }
0x24: {  	s3 =	sadd.s32 $0x88, s3;
	s6 =	simm.s32 @!p1 $0x1082;
	[sflag:s4] =	ssyncset.s32 $0xFFFFF086  }
0x25: {  	[simem:s6], [sflag:s4] =	dma.local [hbm:s3], $0xF7A  }
0x26: {  	[smem:$0x3F91] =	sst s1;
	(tag) =	ssettag s2;
	_ =	strace s9  }
0x27: {  	s1 =	sld [smem:$0x3FA1]  }
0x28: {  	s2 =	sld [smem:$0x3FA2]  }
0x29: {  	s4 =	sld [smem:$0x3FA4]  }
0x2a: {  	p0 =	seq.s32 s5, $0x0;
	s5 =	sld [smem:$0x3FA5]  }
0x2b: {  	s6 =	sld [smem:$0x3FA6]  }
0x2c: {  	s7 =	sld [smem:$0x3FA7]  }
0x2d: {  	s3 =	simm.s32 $0x108;
	s8 =	sld [smem:$0x3FA8]  }
0x2e: {  	s3 =	simm.s32 @!p0 $0x1082;
	s9 =	sld [smem:$0x3FA9]  }
0x2f: {  	lr =	sadd.s32 s0, s3;
	s0 =	sld [smem:$0x3FA0]  }
0x30: {  	s3 =	sld [smem:$0x3FA3]  }
0x31: {  	[smem:$0x3FAC] =	sst s10  }
0x32: {  	s10 =	sld [smem:$0x3FAA];
	_ =	sdelay $0x3  }
0x33: {  	p0 =	seq.s32 s10, $0x1;
	s10 =	sld [smem:$0x3FAC];
	_ =	sdelay $0x3  }
0x34: {  	[smem:$0x3FAC] =	sst s10  }
0x35: {  	s10 =	sld [smem:$0x3FAB];
	_ =	sdelay $0x3  }
0x36: {  	p1 =	seq.s32 s10, $0x1;
	s10 =	sld [smem:$0x3FAC];
	_ =	sdelay $0x3  }
0x37: {  	[smem:$0x3FAC] =	sst s10  }
0x38: {  	s10 =	sld [smem:$0x3FAD]  }
0x39: {  	_ = 	snop;
	(pc) =	sbr.ind lr, $3  }
0x3a: {  	_ = 	snop  }
0x3b: {  	_ = 	snop  }
0x3c: {  	p2 =	seq.s32 s10, $0x1;
	s10 =	sld [smem:$0x3FAC]  }
0x3d: {  	_ =	shalt  }
0x3e: {  	_ =	shalt  }
0x3f: {  	_ =	shalt  }
0x40: {  	_ =	shalt  }
0x41: {  	_ =	shalt  }
0x42: {  	_ =	shalt  }
0x43: {  	_ =	shalt  }
0x44: {  	_ =	shalt  }
0x45: {  	_ =	shalt  }
0x46: {  	_ =	shalt  }
0x47: {  	_ =	shalt  }
0x48: {  	_ =	shalt  }
0x49: {  	_ =	shalt  }
0x4a: {  	_ =	shalt  }
0x4b: {  	_ =	shalt  }
0x4c: {  	_ =	shalt  }
0x4d: {  	_ =	shalt  }
0x4e: {  	_ =	shalt  }
0x4f: {  	_ =	shalt  }
0x50: {  	_ =	shalt  }
0x51: {  	_ =	shalt  }
0x52: {  	_ =	shalt  }
0x53: {  	_ =	shalt  }
0x54: {  	_ =	shalt  }
0x55: {  	_ =	shalt  }
0x56: {  	_ =	shalt  }
0x57: {  	_ =	shalt  }
0x58: {  	_ =	shalt  }
0x59: {  	_ =	shalt  }
0x5a: {  	_ =	shalt  }
0x5b: {  	_ =	shalt  }
0x5c: {  	_ =	shalt  }
0x5d: {  	_ =	shalt  }
0x5e: {  	_ =	shalt  }
0x5f: {  	_ =	shalt  }
0x60: {  	_ =	shalt  }
0x61: {  	_ =	shalt  }
0x62: {  	_ =	shalt  }
0x63: {  	_ =	shalt  }
0x64: {  	_ =	shalt  }
0x65: {  	_ =	shalt  }
0x66: {  	_ =	shalt  }
0x67: {  	_ =	shalt  }
0x68: {  	_ =	shalt  }
0x69: {  	_ =	shalt  }
0x6a: {  	_ =	shalt  }
0x6b: {  	_ =	shalt  }
0x6c: {  	_ =	shalt  }
0x6d: {  	_ =	shalt  }
0x6e: {  	_ =	shalt  }
0x6f: {  	_ =	shalt  }
0x70: {  	_ =	shalt  }
0x71: {  	_ =	shalt  }
0x72: {  	_ =	shalt  }
0x73: {  	_ =	shalt  }
0x74: {  	_ =	shalt  }
0x75: {  	_ =	shalt  }
0x76: {  	_ =	shalt  }
0x77: {  	_ =	shalt  }
0x78: {  	_ =	shalt  }
0x79: {  	_ =	shalt  }
0x7a: {  	_ =	shalt  }
0x7b: {  	_ =	shalt  }
0x7c: {  	_ =	shalt  }
0x7d: {  	_ =	shalt  }
0x7e: {  	_ =	shalt  }
0x7f: {  	_ =	shalt  }
0x80: {  	_ =	shalt  }
0x81: {  	_ =	shalt  }
0x82: {  	_ =	shalt  }
0x83: {  	_ =	shalt  }
0x84: {  	_ =	shalt  }
0x85: {  	_ =	shalt  }
0x86: {  	_ =	shalt  }
0x87: {  	_ =	shalt  }
.Lfunc_end0:
.L_simem_size_0:
called_computation.4_lowered:
.L_overlay_start_0:
0x88: {  	s2 =	sld [smem:$0x3FD9]  }
0x89: {  	s3 =	sld [smem:$0x3FFE];
	_ =	sdelay $0x1  }
0x8a: {  	s1 =	srdreg.scid  }
0x8b: {  	s0 =	sand.u32 $0x1, s1  }
0x8c: {  	s17 =	sshll.u32 s0, $0xA;
	s2 =	sadd.s32 s3, s2  }
0x8d: {  	s2 =	sadd.s32 s2, s17  }
0x8e: {  	[smem:$0x3FB8] =	sst s2  }
0x8f: {  	_ = 	snop  }
0x90: {  	s2 =	sld [smem:$0x3FD0];
	(tm) =	ssettm $0x1  }
0x91: {  	s18 =	sld [smem:$0x3FFB];
	_ =	sdelay $0x3  }
0x92: {  	_ =	strace s18  }
0x93: {  	s3 =	sld [smem:$0x3FFC];
	_ =	sdelay $0x3  }
0x94: {  	_ =	strace s3  }
0x95: {  	s3 =	sld [smem:$0x3FFD];
	_ =	sdelay $0x3  }
0x96: {  	_ =	strace s3  }
0x97: {  	_ =	strace $0x8FFFFFFF  }
0x98: {  	s19 =	sld [smem:$0x3FDB];
	_ =	sdelay $0x1  }
0x99: {  	s4 =	simm.s32 $_scs_section_size  }
0x9a: {  	s5 =	simm.s32 $_size__tile_overlayer_lowered;
	s6 =	simm.s32 $_tile_overlayer_lowered  }
0x9b: {  	s22 =	simm.s32 $0x1BFF;
	s21 =	sshll.u32 s6, $0x1;
	s3 =	sadd.s32 s4, s19  }
0x9c: {  	s7 =	simm.s32 $0x0;
	s20 =	sshll.u32 s5, $0x1;
	s5 =	sadd.s32 s21, s3  }
0x9d: {  	[timem:s7], [sflag:s22] =	dma.local [hbm:s5], s20  }
0x9e: {  	_ =	swait.ge [sflag:s22], s20  }
0x9f: {  	s4 =	ssub.s32 $0x0, s20;
	[sflag:s22] =	ssyncset.done $0x0  }
0xa0: {  	[sflag:s22] =	ssyncadd.s32 s4;
	_ =	sdelay $0x1  }
0xa1: {  	s23 =	simm.s32 $0x1B8B  }
0xa2: {  	_ =	swait.ge [sflag:s23], $0x1  }
0xa3: {  	[sflag:s23] =	ssyncset.done $0x0  }
0xa4: {  	s25 =	simm.s32 $0x1B8E;
	s24 =	sld [smem:$0x3FFE];
	[sflag:s23] =	ssyncadd.s32 $0xFFFFFFFF  }
0xa5: {  	s26 =	simm.s32 $execute0_lowered;
	[smem:$0x3FD2] =	sst s25  }
0xa6: {  	s5 =	sshll.u32 s26, $0x1;
	_ =	strace $0x80000052;
	[dreg:$0x1] =	wrdreg $0xFFFFFFFF  }
0xa7: {  	s28 =	simm.s32 $_size_execute0_lowered;
	s3 =	sadd.s32 s3, s5;
	[dreg:$0x0] =	wrdreg $0x0  }
0xa8: {  	s5 =	sshll.u32 s28, $0x1;
	[dreg:$0x2] =	wrdreg s3  }
0xa9: {  	[dreg:$0x3] =	wrdreg s5  }
0xaa: {  	[dreg:$0x4] =	wrdreg $0xC0  }
0xab: {  	_ =	task [dreg:s7], $0x5FFFF  }
0xac: {  	[dreg:$0x1] =	wrdreg $0xFFFFFFFF  }
0xad: {  	[dreg:$0x0] =	wrdreg $0x60  }
0xae: {  	[dreg:$0x2] =	wrdreg s2  }
0xaf: {  	[dreg:$0x3] =	wrdreg s24  }
0xb0: {  	[dreg:$0x4] =	wrdreg $0xA8000  }
0xb1: {  	[dreg:$0x5] =	wrdreg $0x9  }
0xb2: {  	_ =	task.clear_ibuf [dreg:s7], $0x6FFFF;
	_ =	strace $0x90000052  }
0xb3: {  	s29 =	simm.s32 $0x9;
	_ =	strace $0x80000054  }
0xb4: {  	_ =	swait.ge [sflag:s29], $0x1  }
0xb5: {  	[sflag:s29] =	ssyncadd.s32 $0xFFFFFFFF  }
0xb6: {  	_ =	strace $0x90000054  }
0xb7: {  	_ =	sfence  }
0xb8: {  	s30 =	sld [smem:$0x0];
	_ =	sdelay $0x2  }
0xb9: {  	s31 =	sshll.u32 s1, $0xD;
	s1 =	sshrl.u32 s1, $0x2  }
0xba: {  	s3 =	sand.u32 $0x4000, s31;
	s1 =	sadd.s32 s1, s30  }
0xbb: {  	s0 =	sor.u32 s3, s0;
	s1 =	sshll.u32 s1, $0x11  }
0xbc: {  	s0 =	sor.u32 s1, s0  }
0xbd: {  	s0 =	sadd.s32 $0x8F2B, s0  }
0xbe: {  	[sflag:s0] =	ssyncadd.remote.s32 $0x1  }
0xbf: {  	_ =	sfence.sel $0xFFFF  }
0xc0: {  	[dreg:$0x0] =	wrdreg $0xFFFFFFFF;
	(pc) =	sbr.abs _section_cstart, $3  }
0xc1: {  	[dreg:$0x1] =	wrdreg $0xFFFFFFFF  }
0xc2: {  	_ =	task.clear_ibuf [dreg:s7], $0x2FFFF;
	_ =	strace $0x9FFFFFFF  }
0xc3: {  	(tm) =	ssettm $0x7FFFFFFF  }
tec
execute0_lowered:
.L_overlay_start_1:
0x0: {  	(tag) =	ssettag $0x1  }
0x1: {  	s1 =	rddreg [dreg:$0x0]  }
0x2: {  	s5 =	rddreg [dreg:$0x1]  }
0x3: {  	s2 =	rddreg [dreg:$0x2]  }
0x4: {  	s0 =	rddreg [dreg:$0x3]  }
0x5: {  	s4 =	simm.s32 $0x0;
	s3 =	stileid.u32;
	s6 =	srdreg.scid  }
0x6: {  	s16 =	simm.s32 $0x7D;
	s17 =	simm.s32 $0x2800;
	s18 =	simm.s32 $0x6800  }
0x7: {  	s19 =	simm.s32 $0x1;
	s20 =	simm.s32 $0x2;
	s21 =	simm.s32 $0x1380  }
0x8: {  	s22 =	simm.s32 $0x2700;
	s23 =	simm.s32 $0x2780;
	s24 =	simm.s32 $0x0  }
0x9: {  	[smem:$0x7FF] =	sst s4;
	s8 =	sadd.s32 $0xF600, s5;
	s9 =	sadd.s32 $0x5600, s5  }
0xa: {  	s7 =	smul.u32 $0x3E80, s3;
	s6 =	sand.u32 $0x1, s6;
	s12 =	sshll.u32 s3, $0x1  }
0xb: {  	s14 =	smul.u32 $0x7D000, s3;
	p0 =	sgt.u32 s3, $0x9;
	_ =	strace $0x80000053  }
0xc: {  	s10 =	smul.u32 $0x27100, s6;
	s11 =	sshll.u32 s6, $0x5;
	s6 =	ssub.s32 $0x2, s6  }
0xd: {  	s13 =	sadd.s32 s7, s5;
	s11 =	sor.u32 s12, s11;
	s30 =	sshrl.u32 s6, $0x1  }
0xe: {  	s14 =	sshrl.u32 s14, $0x2;
	s7 =	sadd.s32 s7, s10;
	s29 =	smul.u32 $0x280, s11  }
0xf: {  	s11 =	smul.u32 $0x1400, s11;
	s12 =	ssub.s32 s6, s30;
	s14 =	sadd.s32 s14, s2  }
0x10: {  	s15 =	sadd.s32 s7, s5;
	s5 =	sadd.s32 $0x19600, s13;
	s13 =	sshll.u32 @!p0 s3, $0x6  }
0x11: {  	s6 =	sadd.s32 s8, s29;
	s11 =	sshrl.u32 s11, $0x3;
	s7 =	sadd.s32 s9, s29  }
0x12: {  	s10 =	sadd.s32 $0x40800, s15;
	s15 =	simm.s32 $0x1400;
	s31 =	sadd.s32 $0x280, s11  }
0x13: {  	s11 =	smax.u32 s12, $0x1;
	s12 =	sor.u32 @!p0 $0x1C03, s13;
	s13 =	sshrl.u32 @!p0 s14, $0x3  }
0x14: {  	s14 =	simm.s32 $0x3;
	s8 =	sadd.s32 s8, s31;
	s9 =	sadd.s32 s9, s31  }
.LBB2_1:
0x15: {  	[spmem:s13], [sflag:s12] =	dma.local @!p0 [hbm:s5], $0x3E80  }
0x16: {  	s25 =	simm.s32 @!p0 $0x3  }
0x17: {  	_ =	swait.ge @!p0 [sflag:s25], $0x3E80  }
0x18: {  	[sflag:s25] =	ssyncset.done @!p0 $0x0  }
0x19: {  	[sflag:s25] =	ssyncadd.s32 @!p0 $0xFFFFC180  }
0x1a: {  	[tilespmem:s4], [sflag:$0x3] =	stream.linear.gather [hbm4b:s6+s4], $0x1400, $0x38;
	[tilespmem:$0x1E080] =	vst v63  }
0x1b: {  	_ =	swait.ge [sflag:s14], $0x1400  }
0x1c: {  	[sflag:s14] =	ssyncset.done $0x0  }
0x1d: {  	[sflag:s14] =	ssyncadd.s32 $0xFFFFEC00  }
0x1e: {  	[tilespmem:s15], [sflag:$0x3] =	stream.linear.gather [hbm4b:s7+s4], $0x1400, $0x38;
	[tilespmem:$0x1E080] =	vst v63  }
0x1f: {  	_ =	swait.ge [sflag:s14], $0x1400  }
0x20: {  	[sflag:s14] =	ssyncset.done $0x0  }
0x21: {  	[sflag:s14] =	ssyncadd.s32 $0xFFFFEC00  }
0x22: {  	[bflag:$0x0] =	sbarrier.arrive $0xFFFF  }
0x23: {  	[tilespmem:s17], [sflag:$0x1] =	stream.indirect.gather [hbm4b:s1+s16], $0x80, s4, s16, $0xb8;
	[tilespmem:$0x1E080] =	vst v63  }
0x24: {  	s28 =	simm.s32 $0x80  }
0x25: {  	[tilespmem:s18], [sflag:$0x2] =	stream.indirect.gather [hbm4b:s1+s16], $0x80, s28, s16, $0xb8;
	[tilespmem:$0x1E080] =	vst v63  }
0x26: {  	_ =	swait.ge [sflag:s19], $0x3E80  }
0x27: {  	[sflag:s19] =	ssyncset.done $0x0  }
0x28: {  	s29 =	simm.s32 $0x1400;
	[sflag:s19] =	ssyncadd.s32 $0xFFFFC180  }
0x29: {  	[spmem:s2] =	stream.indirect.scatter.add.f32 [tilespmem:s17], [sflag:$0x3], $0x80, s29, s16, $0xb8;
	[tilespmem:$0x1E080] =	vst v63  }
0x2a: {  	_ =	swait.ge [sflag:s14], $0x3E80  }
0x2b: {  	[sflag:s14] =	ssyncset.done $0x0  }
0x2c: {  	s30 =	simm.s32 $0x100;
	[sflag:s14] =	ssyncadd.s32 $0xFFFFC180  }
0x2d: {  	[tilespmem:s17], [sflag:$0x1] =	stream.indirect.gather [hbm4b:s1+s16], $0x80, s30, s16, $0xb8;
	[tilespmem:$0x1E080] =	vst v63  }
0x2e: {  	_ =	swait.ge [sflag:s20], $0x3E80  }
0x2f: {  	[sflag:s20] =	ssyncset.done $0x0  }
0x30: {  	s31 =	simm.s32 $0x1480;
	[sflag:s20] =	ssyncadd.s32 $0xFFFFC180  }
0x31: {  	[spmem:s2] =	stream.indirect.scatter.add.f32 [tilespmem:s18], [sflag:$0x3], $0x80, s31, s16, $0xb8;
	[tilespmem:$0x1E080] =	vst v63  }
0x32: {  	_ =	swait.ge [sflag:s14], $0x3E80  }
0x33: {  	s26 =	simm.s32 $0x800;
	s25 =	simm.s32 $0x100;
	[sflag:s14] =	ssyncset.done $0x0  }
.LBB2_2:
0x34: {  	s28 =	sadd.s32 $0x80, s25  }
0x35: {  	[sflag:s14] =	ssyncadd.s32 $0xFFFFC180;
	s29 =	smov.u32 s26;
	s30 =	sadd.s32 $0x400, s26  }
0x36: {  	[tilespmem:s18], [sflag:$0x2] =	stream.indirect.gather [hbm4b:s1+s16], $0x80, s28, s16, $0xb8;
	[tilespmem:$0x1E080] =	vst v63  }
0x37: {  	p1 =	sne.s32 s26, $0x4800;
	_ =	swait.ge [sflag:s19], $0x3E80  }
0x38: {  	[sflag:s19] =	ssyncset.done $0x0  }
0x39: {  	s26 =	sadd.s32 $0x1400, s25;
	[sflag:s19] =	ssyncadd.s32 $0xFFFFC180  }
0x3a: {  	[spmem:s2] =	stream.indirect.scatter.add.f32 [tilespmem:s17], [sflag:$0x3], $0x80, s26, s16, $0xb8;
	[tilespmem:$0x1E080] =	vst v63  }
0x3b: {  	_ =	swait.ge [sflag:s14], $0x3E80  }
0x3c: {  	[sflag:s14] =	ssyncset.done $0x0  }
0x3d: {  	s26 =	sadd.s32 $0x100, s25;
	[sflag:s14] =	ssyncadd.s32 $0xFFFFC180  }
0x3e: {  	[tilespmem:s17], [sflag:$0x1] =	stream.indirect.gather [hbm4b:s1+s16], $0x80, s26, s16, $0xb8;
	[tilespmem:$0x1E080] =	vst v63  }
0x3f: {  	_ =	swait.ge [sflag:s20], $0x3E80  }
.Ltmp0:
0x40: {  	[sflag:s20] =	ssyncset.done $0x0;
	(pc) =	sbr.rel @p1 .LBB2_2-.Ltmp0, $4  }
0x41: {  	s25 =	sadd.s32 $0x1480, s25;
	[sflag:s20] =	ssyncadd.s32 $0xFFFFC180  }
0x42: {  	[spmem:s2] =	stream.indirect.scatter.add.f32 [tilespmem:s18], [sflag:$0x3], $0x80, s25, s16, $0xb8;
	[tilespmem:$0x1E080] =	vst v63  }
0x43: {  	_ =	swait.ge [sflag:s14], $0x3E80  }
0x44: {  	s26 =	smov.u32 s30;
	s25 =	sshra.s32 s29, $0x2;
	[sflag:s14] =	ssyncset.done $0x0  }
0x45: {  	s26 =	sadd.s32 $0x80, s25;
	[sflag:s14] =	ssyncadd.s32 $0xFFFFC180  }
0x46: {  	[tilespmem:s18], [sflag:$0x2] =	stream.indirect.gather [hbm4b:s1+s16], $0x80, s26, s16, $0xb8;
	[tilespmem:$0x1E080] =	vst v63  }
0x47: {  	_ =	swait.ge [sflag:s19], $0x3E80  }
0x48: {  	[sflag:s19] =	ssyncset.done $0x0  }
0x49: {  	s29 =	sadd.s32 $0x1400, s25;
	[sflag:s19] =	ssyncadd.s32 $0xFFFFC180  }
0x4a: {  	[spmem:s2] =	stream.indirect.scatter.add.f32 [tilespmem:s17], [sflag:$0x3], $0x80, s29, s16, $0xb8;
	[tilespmem:$0x1E080] =	vst v63  }
0x4b: {  	_ =	swait.ge [sflag:s14], $0x3E80  }
0x4c: {  	[sflag:s14] =	ssyncset.done $0x0  }
0x4d: {  	s30 =	sadd.s32 $0x100, s25;
	[sflag:s14] =	ssyncadd.s32 $0xFFFFC180  }
0x4e: {  	[tilespmem:s17], [sflag:$0x1] =	stream.indirect.gather [hbm4b:s1+s16], $0x80, s30, s16, $0xb8;
	[tilespmem:$0x1E080] =	vst v63  }
0x4f: {  	_ =	swait.ge [sflag:s20], $0x3E80  }
0x50: {  	[sflag:s20] =	ssyncset.done $0x0  }
0x51: {  	s31 =	sadd.s32 $0x1480, s25;
	[sflag:s20] =	ssyncadd.s32 $0xFFFFC180  }
0x52: {  	[spmem:s2] =	stream.indirect.scatter.add.f32 [tilespmem:s18], [sflag:$0x3], $0x80, s31, s16, $0xb8;
	[tilespmem:$0x1E080] =	vst v63  }
0x53: {  	_ =	swait.ge [sflag:s14], $0x3E80  }
0x54: {  	[sflag:s14] =	ssyncset.done $0x0  }
0x55: {  	[sflag:s14] =	ssyncadd.s32 $0xFFFFC180  }
0x56: {  	[tilespmem:s18], [sflag:$0x2] =	stream.indirect.gather [hbm4b:s1+s16], $0x80, s21, s16, $0xb8;
	[tilespmem:$0x1E080] =	vst v63  }
0x57: {  	_ =	swait.ge [sflag:s19], $0x3E80  }
0x58: {  	[sflag:s19] =	ssyncset.done $0x0  }
0x59: {  	[sflag:s19] =	ssyncadd.s32 $0xFFFFC180  }
0x5a: {  	[spmem:s2] =	stream.indirect.scatter.add.f32 [tilespmem:s17], [sflag:$0x3], $0x80, s22, s16, $0xb8;
	[tilespmem:$0x1E080] =	vst v63  }
0x5b: {  	_ =	swait.ge [sflag:s14], $0x3E80  }
0x5c: {  	[sflag:s14] =	ssyncset.done $0x0  }
0x5d: {  	[sflag:s14] =	ssyncadd.s32 $0xFFFFC180  }
0x5e: {  	_ =	swait.ge [sflag:s20], $0x3E80  }
0x5f: {  	[sflag:s20] =	ssyncset.done $0x0  }
0x60: {  	[sflag:s20] =	ssyncadd.s32 $0xFFFFC180  }
0x61: {  	[spmem:s2] =	stream.indirect.scatter.add.f32 [tilespmem:s18], [sflag:$0x3], $0x80, s23, s16, $0xb8;
	[tilespmem:$0x1E080] =	vst v63  }
0x62: {  	_ =	swait.ge [sflag:s14], $0x3E80  }
0x63: {  	[sflag:s14] =	ssyncset.done $0x0  }
0x64: {  	s26 =	simm.s32 $0x0;
	[sflag:s14] =	ssyncadd.s32 $0xFFFFC180  }
0x65: {  	[tilespmem:s26], [sflag:$0x3] =	stream.linear.gather [hbm4b:s8+s26], $0x1400, $0x38;
	[tilespmem:$0x1E080] =	vst v63  }
0x66: {  	_ =	swait.ge [sflag:s14], $0x1400  }
0x67: {  	[sflag:s14] =	ssyncset.done $0x0  }
0x68: {  	[sflag:s14] =	ssyncadd.s32 $0xFFFFEC00  }
0x69: {  	[tilespmem:s15], [sflag:$0x3] =	stream.linear.gather [hbm4b:s9+s26], $0x1400, $0x38;
	[tilespmem:$0x1E080] =	vst v63  }
0x6a: {  	_ =	swait.ge [sflag:s14], $0x1400  }
0x6b: {  	[sflag:s14] =	ssyncset.done $0x0  }
0x6c: {  	[sflag:s14] =	ssyncadd.s32 $0xFFFFEC00  }
0x6d: {  	[tilespmem:s17], [sflag:$0x1] =	stream.indirect.gather [hbm4b:s1+s16], $0x80, s26, s16, $0xb8;
	[tilespmem:$0x1E080] =	vst v63  }
0x6e: {  	s28 =	simm.s32 $0x80  }
0x6f: {  	[tilespmem:s18], [sflag:$0x2] =	stream.indirect.gather [hbm4b:s1+s16], $0x80, s28, s16, $0xb8;
	[tilespmem:$0x1E080] =	vst v63  }
0x70: {  	_ =	swait.ge [sflag:s19], $0x3E80  }
0x71: {  	[sflag:s19] =	ssyncset.done $0x0  }
0x72: {  	s29 =	simm.s32 $0x1400;
	[sflag:s19] =	ssyncadd.s32 $0xFFFFC180  }
0x73: {  	[spmem:s2] =	stream.indirect.scatter.add.f32 [tilespmem:s17], [sflag:$0x3], $0x80, s29, s16, $0xb8;
	[tilespmem:$0x1E080] =	vst v63  }
0x74: {  	_ =	swait.ge [sflag:s14], $0x3E80  }
0x75: {  	[sflag:s14] =	ssyncset.done $0x0  }
0x76: {  	s30 =	simm.s32 $0x100;
	[sflag:s14] =	ssyncadd.s32 $0xFFFFC180  }
0x77: {  	[tilespmem:s17], [sflag:$0x1] =	stream.indirect.gather [hbm4b:s1+s16], $0x80, s30, s16, $0xb8;
	[tilespmem:$0x1E080] =	vst v63  }
0x78: {  	_ =	swait.ge [sflag:s20], $0x3E80  }
0x79: {  	[sflag:s20] =	ssyncset.done $0x0  }
0x7a: {  	s31 =	simm.s32 $0x1480;
	[sflag:s20] =	ssyncadd.s32 $0xFFFFC180  }
0x7b: {  	[spmem:s2] =	stream.indirect.scatter.add.f32 [tilespmem:s18], [sflag:$0x3], $0x80, s31, s16, $0xb8;
	[tilespmem:$0x1E080] =	vst v63  }
0x7c: {  	_ =	swait.ge [sflag:s14], $0x3E80  }
0x7d: {  	s25 =	simm.s32 $0x100;
	s26 =	simm.s32 $0x800;
	[sflag:s14] =	ssyncset.done $0x0  }
.LBB2_4:
0x7e: {  	s28 =	sadd.s32 $0x80, s25  }
0x7f: {  	[sflag:s14] =	ssyncadd.s32 $0xFFFFC180;
	s29 =	smov.u32 s26;
	s30 =	sadd.s32 $0x400, s26  }
0x80: {  	[tilespmem:s18], [sflag:$0x2] =	stream.indirect.gather [hbm4b:s1+s16], $0x80, s28, s16, $0xb8;
	[tilespmem:$0x1E080] =	vst v63  }
0x81: {  	p1 =	sne.s32 s26, $0x4800;
	_ =	swait.ge [sflag:s19], $0x3E80  }
0x82: {  	[sflag:s19] =	ssyncset.done $0x0  }
0x83: {  	s26 =	sadd.s32 $0x1400, s25;
	[sflag:s19] =	ssyncadd.s32 $0xFFFFC180  }
0x84: {  	[spmem:s2] =	stream.indirect.scatter.add.f32 [tilespmem:s17], [sflag:$0x3], $0x80, s26, s16, $0xb8;
	[tilespmem:$0x1E080] =	vst v63  }
0x85: {  	_ =	swait.ge [sflag:s14], $0x3E80  }
0x86: {  	[sflag:s14] =	ssyncset.done $0x0  }
0x87: {  	s26 =	sadd.s32 $0x100, s25;
	[sflag:s14] =	ssyncadd.s32 $0xFFFFC180  }
0x88: {  	[tilespmem:s17], [sflag:$0x1] =	stream.indirect.gather [hbm4b:s1+s16], $0x80, s26, s16, $0xb8;
	[tilespmem:$0x1E080] =	vst v63  }
0x89: {  	_ =	swait.ge [sflag:s20], $0x3E80  }
.Ltmp1:
0x8a: {  	[sflag:s20] =	ssyncset.done $0x0;
	(pc) =	sbr.rel @p1 .LBB2_4-.Ltmp1, $4  }
0x8b: {  	s25 =	sadd.s32 $0x1480, s25;
	[sflag:s20] =	ssyncadd.s32 $0xFFFFC180  }
0x8c: {  	[spmem:s2] =	stream.indirect.scatter.add.f32 [tilespmem:s18], [sflag:$0x3], $0x80, s25, s16, $0xb8;
	[tilespmem:$0x1E080] =	vst v63  }
0x8d: {  	_ =	swait.ge [sflag:s14], $0x3E80  }
0x8e: {  	s26 =	smov.u32 s30;
	s25 =	sshra.s32 s29, $0x2;
	[sflag:s14] =	ssyncset.done $0x0  }
0x8f: {  	s26 =	sadd.s32 $0x80, s25;
	[sflag:s14] =	ssyncadd.s32 $0xFFFFC180  }
0x90: {  	[tilespmem:s18], [sflag:$0x2] =	stream.indirect.gather [hbm4b:s1+s16], $0x80, s26, s16, $0xb8;
	[tilespmem:$0x1E080] =	vst v63  }
0x91: {  	_ =	swait.ge [sflag:s19], $0x3E80  }
0x92: {  	[sflag:s19] =	ssyncset.done $0x0  }
0x93: {  	s29 =	sadd.s32 $0x1400, s25;
	[sflag:s19] =	ssyncadd.s32 $0xFFFFC180  }
0x94: {  	[spmem:s2] =	stream.indirect.scatter.add.f32 [tilespmem:s17], [sflag:$0x3], $0x80, s29, s16, $0xb8;
	[tilespmem:$0x1E080] =	vst v63  }
0x95: {  	_ =	swait.ge [sflag:s14], $0x3E80  }
0x96: {  	[sflag:s14] =	ssyncset.done $0x0  }
0x97: {  	s30 =	sadd.s32 $0x100, s25;
	[sflag:s14] =	ssyncadd.s32 $0xFFFFC180  }
0x98: {  	[tilespmem:s17], [sflag:$0x1] =	stream.indirect.gather [hbm4b:s1+s16], $0x80, s30, s16, $0xb8;
	[tilespmem:$0x1E080] =	vst v63  }
0x99: {  	_ =	swait.ge [sflag:s20], $0x3E80  }
0x9a: {  	[sflag:s20] =	ssyncset.done $0x0  }
0x9b: {  	s31 =	sadd.s32 $0x1480, s25;
	[sflag:s20] =	ssyncadd.s32 $0xFFFFC180  }
0x9c: {  	[spmem:s2] =	stream.indirect.scatter.add.f32 [tilespmem:s18], [sflag:$0x3], $0x80, s31, s16, $0xb8;
	[tilespmem:$0x1E080] =	vst v63  }
0x9d: {  	_ =	swait.ge [sflag:s14], $0x3E80  }
0x9e: {  	[sflag:s14] =	ssyncset.done $0x0  }
0x9f: {  	[sflag:s14] =	ssyncadd.s32 $0xFFFFC180  }
0xa0: {  	[tilespmem:s18], [sflag:$0x2] =	stream.indirect.gather [hbm4b:s1+s16], $0x80, s21, s16, $0xb8;
	[tilespmem:$0x1E080] =	vst v63  }
0xa1: {  	_ =	swait.ge [sflag:s19], $0x3E80  }
0xa2: {  	[sflag:s19] =	ssyncset.done $0x0  }
0xa3: {  	[sflag:s19] =	ssyncadd.s32 $0xFFFFC180  }
0xa4: {  	[spmem:s2] =	stream.indirect.scatter.add.f32 [tilespmem:s17], [sflag:$0x3], $0x80, s22, s16, $0xb8;
	[tilespmem:$0x1E080] =	vst v63  }
0xa5: {  	_ =	swait.ge [sflag:s14], $0x3E80  }
0xa6: {  	[sflag:s14] =	ssyncset.done $0x0  }
0xa7: {  	[sflag:s14] =	ssyncadd.s32 $0xFFFFC180  }
0xa8: {  	_ =	swait.ge [sflag:s20], $0x3E80  }
0xa9: {  	[sflag:s20] =	ssyncset.done $0x0  }
0xaa: {  	[sflag:s20] =	ssyncadd.s32 $0xFFFFC180  }
0xab: {  	[spmem:s2] =	stream.indirect.scatter.add.f32 [tilespmem:s18], [sflag:$0x3], $0x80, s23, s16, $0xb8;
	[tilespmem:$0x1E080] =	vst v63  }
0xac: {  	_ =	swait.ge [sflag:s14], $0x3E80  }
0xad: {  	s24 =	sadd.s32 $0x1, s24;
	[sflag:s14] =	ssyncset.done $0x0  }
0xae: {  	p1 =	sne.s32 s24, s11;
	[sflag:s14] =	ssyncadd.s32 $0xFFFFC180  }
.Ltmp2:
0xaf: {  	s25 =	simm.s32 @!p0 $0x3;
	[bflag:$0x0] =	sbarrier.arrive $0xFFFF;
	(pc) =	sbr.rel @p1 .LBB2_1-.Ltmp2, $4  }
0xb0: {  	[hbm:s10], [sflag:s12] =	dma.local @!p0 [spmem:s13], $0x3E80  }
0xb1: {  	_ =	swait.ge @!p0 [sflag:s25], $0x3E80  }
0xb2: {  	[sflag:s25] =	ssyncset.done @!p0 $0x0  }
0xb3: {  	[sflag:s25] =	ssyncadd.s32 @!p0 $0xFFFFC180  }
0xb4: {  	_ =	sfence.sel $0x180000  }
0xb5: {  	[bflag:$0x0] =	sbarrier.arrive $0xFFFF  }
0xb6: {  	p0 =	sne.s32 s3, $0x0;
	_ =	strace $0x90000053  }
0xb7: {  	s0 =	sadd.s32 @!p0 $0x100000, s0;
	[bflag:$0x2] =	sbarrier.arrive $0xFFFF  }
0xb8: {  	[sflag:s0] =	ssyncadd.tile.s32 @!p0 $0x1;
	_ =	shalt  }
.Lfunc_end2:
_tile_overlayer_lowered:
.L_overlay_start_2:
0xb9: {  	(tag) =	ssettag $0x2  }
0xba: {  	s0 =	rddreg [dreg:$0x0];
	s2 =	stileid.u32  }
0xbb: {  	s1 =	rddreg [dreg:$0x1];
	p0 =	sne.s32 s2, $0x0  }
0xbc: {  	s3 =	rddreg [dreg:$0x2];
	[bflag:$0x3] =	sbarrier.arrive $0xFFFF;
	s2 =	simm.s32 @!p0 $0x1C03  }
0xbd: {  	[timem:s3], [sflag:s2] =	dma.local @!p0 [hbm:s0], s1  }
0xbe: {  	s0 =	simm.s32 @!p0 $0x3  }
0xbf: {  	_ =	swait.ge @!p0 [sflag:s0], s1  }
0xc0: {  	s1 =	ssub.s32 @!p0 $0x0, s1;
	[sflag:s0] =	ssyncset.done @!p0 $0x0  }
0xc1: {  	[sflag:s0] =	ssyncadd.s32 @!p0 s1  }
0xc2: {  	[bflag:$0x3] =	sbarrier.arrive $0xFFFF  }
0xc3: {  	_ =	shalt  }

</sc_bundles>
